<compile_context>
chip_gen: v7x
topology: tpu7x:2x2x1
jax: 0.10.2.dev20260603
libtpu: 0.0.44.dev20260713+nightly
codegen_flags: <defaults>
</compile_context>

<pallas_src>
import functools

import jax
import jax.numpy as jnp
import numpy as np
from jax import lax
from jax.experimental import pallas as pl
from jax.experimental.pallas import tpu as pltpu
from jax.experimental.pallas import tpu_sc as plsc

_F32 = jnp.float32



def _table_body(embl_ref, embr_ref, w_ref, b_ref, out_ref):
    embl = embl_ref[...]
    embr = embr_ref[...]
    w = w_ref[...]
    b = b_ref[...]

    u12 = lax.broadcasted_iota(jnp.int32, (60, 12), 0)
    k12 = lax.broadcasted_iota(jnp.int32, (60, 12), 1)
    rowsel = (u12 % 12 == k12).astype(_F32)
    tmp = lax.dot_general(rowsel, w, (((1,), (1,)), ((), ())),
                          preferred_element_type=_F32, precision=lax.Precision.HIGHEST)
    c3 = lax.broadcasted_iota(jnp.int32, (3, 16), 0)
    v3 = lax.broadcasted_iota(jnp.int32, (3, 16), 1)
    colsel = (v3 % 3 == c3).astype(_F32)
    wtile = jnp.dot(tmp, colsel, preferred_element_type=_F32, precision=lax.Precision.HIGHEST)
    u16 = lax.broadcasted_iota(jnp.int32, (60, 16), 0)
    v16 = lax.broadcasted_iota(jnp.int32, (60, 16), 1)
    bigw = jnp.where((u16 // 12) == (v16 // 3), wtile, 0.0)

    el = jnp.dot(embl, bigw, preferred_element_type=_F32, precision=lax.Precision.HIGHEST)
    er = jnp.dot(embr, bigw, preferred_element_type=_F32, precision=lax.Precision.HIGHEST)

    i25 = lax.broadcasted_iota(jnp.int32, (25, 5), 0)
    j25 = lax.broadcasted_iota(jnp.int32, (25, 5), 1)
    oa = (i25 // 5 == j25).astype(_F32)
    ob = (i25 % 5 == j25).astype(_F32)

    bt = jnp.dot(b, colsel, preferred_element_type=_F32, precision=lax.Precision.HIGHEST)
    vmask = (lax.broadcasted_iota(jnp.int32, (1, 16), 1) < 15).astype(_F32)

    out_ref[...] = (jnp.dot(oa, el, preferred_element_type=_F32, precision=lax.Precision.HIGHEST)
                    + jnp.dot(ob, er, preferred_element_type=_F32, precision=lax.Precision.HIGHEST)
                    + bt * vmask)


def _build_table(embl, embr, w, b2):
    return pl.pallas_call(
        _table_body,
        out_shape=jax.ShapeDtypeStruct((25, 16), _F32),
    )(embl, embr, w, b2)



_N_PAIRS = 8192
_N_ROWS = 5 * _N_PAIRS


def _sc_gather(x, tflat, consts):
    info = plsc.get_sparse_core_info()
    nc, ns = info.num_cores, info.num_subcores
    nw = nc * ns
    pairs_per_w = _N_PAIRS // nw
    nblk = pairs_per_w // 16
    xchunk = pairs_per_w * 2
    rows_per_w = pairs_per_w * 5

    mesh = plsc.VectorSubcoreMesh(core_axis_name="c", subcore_axis_name="s")

    @functools.partial(
        pl.kernel,
        out_type=jax.ShapeDtypeStruct((3 * _N_ROWS,), _F32),
        mesh=mesh,
        compiler_params=pltpu.CompilerParams(needs_layout_passes=False),
        scratch_types=[
            pltpu.VMEM((xchunk,), jnp.int32),
            pltpu.VMEM((400,), _F32),
            pltpu.VMEM((160,), jnp.int32),
            pltpu.VMEM((pairs_per_w,), jnp.int32),
            pltpu.VMEM((3 * rows_per_w,), _F32),
            pltpu.SemaphoreType.DMA,
        ],
    )
    def body(x_hbm, t_hbm, k_hbm, out_hbm, x_v, t_v, k_v, p_v, out_v, sem):
        wid = lax.axis_index("s") * nc + lax.axis_index("c")
        lane = lax.iota(jnp.int32, 16)
        cx = pltpu.make_async_copy(x_hbm.at[pl.ds(wid * xchunk, xchunk)], x_v, sem)
        cx.start()
        ct = pltpu.make_async_copy(t_hbm, t_v, sem)
        ct.start()
        ck = pltpu.make_async_copy(k_hbm, k_v, sem)
        ck.start()
        cx.wait()
        ct.wait()
        ck.wait()
        for t in range(nblk):
            xe = plsc.load_gather(x_v, [lane * 2 + 32 * t])
            xo = plsc.load_gather(x_v, [lane * 2 + (32 * t + 1)])
            p_v[pl.ds(16 * t, 16)] = xe * 80 + xo * 16
        jpat = [k_v[pl.ds(16 * s, 16)] for s in range(5)]
        vpatc = [[k_v[pl.ds(80 + 16 * s, 16)] + c for c in range(3)]
                 for s in range(5)]
        for q in range(nblk):
            for s in range(5):
                pv = plsc.load_gather(p_v, [jpat[s] + 16 * q])
                for c in range(3):
                    vals = plsc.load_gather(t_v, [pv + vpatc[s][c]])
                    out_v[pl.ds(c * rows_per_w + 80 * q + 16 * s, 16)] = vals
        copies = []
        for c in range(3):
            copies.append(pltpu.make_async_copy(
                out_v.at[pl.ds(c * rows_per_w, rows_per_w)],
                out_hbm.at[pl.ds(c * _N_ROWS + wid * rows_per_w, rows_per_w)],
                sem,
            ))
            copies[-1].start()
        for cp in copies:
            cp.wait()

    return body(x, tflat, consts)


def kernel(x, emb, W, b):
    x = x.astype(jnp.int32)
    emb2 = emb.reshape(5, 30).astype(_F32)
    embl = jnp.pad(emb2, ((0, 0), (0, 30)))
    embr = jnp.pad(emb2, ((0, 0), (30, 0)))
    b2 = b.reshape(1, 3).astype(_F32)
    table = _build_table(embl, embr, W.astype(_F32), b2)
    rows80 = np.arange(80)
    consts = jnp.asarray(
        np.concatenate([rows80 // 5, 3 * (rows80 % 5)]).astype(np.int32))
    out_t = _sc_gather(x, table.reshape(400), consts)
    return out_t.reshape(3, _N_ROWS).T

# --- scband reference (transcript-rebuilt; emitter-appended) ---
"""Pipeline reference for scband-cbow-23003844837645 (READ-ONLY COPY).

The authoritative reference and input builder live on the scoring server;
editing this copy changes nothing except your own understanding.
"""

import jax, jax.numpy as jnp
import numpy as np

def setup_inputs(seed: int = 0) -> dict:
    key = jax.random.key(seed)
    k1, k2, k3, k4 = jax.random.split(key, 4)
    x = jax.random.randint(k1, (16384,), 0, 5, dtype=jnp.int64) if jax.config.jax_enable_x64 else jax.random.randint(k1, (16384,), 0, 5, dtype=jnp.int32)
    emb = jax.random.normal(k2, (5, 10, 3), dtype=jnp.float32)
    # nn.Linear(12, 3): weight [3, 12], bias [3]
    bound = 1.0 / np.sqrt(12.0)
    W = jax.random.uniform(k3, (3, 12), dtype=jnp.float32, minval=-bound, maxval=bound)
    b = jax.random.uniform(k4, (3,), dtype=jnp.float32, minval=-bound, maxval=bound)
    return {"x": x, "emb": emb, "W": W, "b": b}

def reference(x, emb, W, b):
    # vec = self._emb[x] -> gather on first dim of [5,10,3]
    vec = jnp.take(emb, x, axis=0)          # [B, 10, 3]
    vec = vec.reshape(-1, 12)                # [B*30/12, 12]
    out = vec @ W.T + b                      # Linear(12, 3)
    return out

if __name__ == "__main__":
    import jax
    _d = setup_inputs()
    print(jax.jit(kernel)(*tuple(_d.values())))

</pallas_src>

<mosaic_0001>
#map = affine_map<(d0, d1) -> (0)>
module attributes {stable_mosaic.version = 14 : i64} {
  func.func @body(%arg0: i32, %arg1: i32, %arg2: memref<16384xi32, #tpu.memory_space<hbm>>, %arg3: memref<400xf32, #tpu.memory_space<hbm>>, %arg4: memref<160xi32, #tpu.memory_space<hbm>>, %arg5: memref<122880xf32, #tpu.memory_space<hbm>>, %arg6: memref<512xi32, #tpu.memory_space<vmem>>, %arg7: memref<400xf32, #tpu.memory_space<vmem>>, %arg8: memref<160xi32, #tpu.memory_space<vmem>>, %arg9: memref<256xi32, #tpu.memory_space<vmem>>, %arg10: memref<3840xf32, #tpu.memory_space<vmem>>, %arg11: memref<!tpu.dma_semaphore, #tpu.memory_space<semaphore_mem>>) attributes {dimension_semantics = [#tpu.dimension_semantics<core_parallel>, #tpu.dimension_semantics<subcore_parallel>], iteration_bounds = array<i64: 2, 16>, scalar_prefetch = 0 : i64, scratch_operands = 6 : i64, tpu.core_type = #tpu.core_type<sc_vector_subcore>, window_params = [{transform_indices = #map}, {transform_indices = #map}, {transform_indices = #map}, {transform_indices = #map}]} {
    %mul3A = arith.constant 2 : i32
    %mul3A_0 = arith.muli %arg1, %mul3A : i32
    %add3A = arith.addi %mul3A_0, %arg0 : i32
    %iota3A = tpu.iota {dimensions = array<i32: 0>} : vector<16xi32>
    %mul3A_1 = arith.constant 512 : i32
    %mul3A_2 = arith.muli %add3A, %mul3A_1 : i32
    %dma_start3A = tpu.memref_slice %arg2[%mul3A_2] : memref<16384xi32, #tpu.memory_space<hbm>> -> memref<512xi32, #tpu.memory_space<hbm>>
    %dma_start3A_3 = tpu.memref_slice %arg2[%mul3A_2] : memref<16384xi32, #tpu.memory_space<hbm>> -> memref<512xi32, #tpu.memory_space<hbm>>
    tpu.enqueue_dma source(%dma_start3A_3 : memref<512xi32, #tpu.memory_space<hbm>>) target(%arg6 : memref<512xi32, #tpu.memory_space<vmem>>) target_semaphore(%arg11 : memref<!tpu.dma_semaphore, #tpu.memory_space<semaphore_mem>>)
    tpu.enqueue_dma source(%arg3 : memref<400xf32, #tpu.memory_space<hbm>>) target(%arg7 : memref<400xf32, #tpu.memory_space<vmem>>) target_semaphore(%arg11 : memref<!tpu.dma_semaphore, #tpu.memory_space<semaphore_mem>>)
    tpu.enqueue_dma source(%arg4 : memref<160xi32, #tpu.memory_space<hbm>>) target(%arg8 : memref<160xi32, #tpu.memory_space<vmem>>) target_semaphore(%arg11 : memref<!tpu.dma_semaphore, #tpu.memory_space<semaphore_mem>>)
    %dma_wait3A = tpu.memref_slice %arg2[%mul3A_2] : memref<16384xi32, #tpu.memory_space<hbm>> -> memref<512xi32, #tpu.memory_space<hbm>>
    %dma_wait3A_4 = tpu.memref_slice %arg2[%mul3A_2] : memref<16384xi32, #tpu.memory_space<hbm>> -> memref<512xi32, #tpu.memory_space<hbm>>
    tpu.wait_dma2 semaphore(%arg11 : memref<!tpu.dma_semaphore, #tpu.memory_space<semaphore_mem>>) src(%dma_wait3A_4 : memref<512xi32, #tpu.memory_space<hbm>>) dst(%arg6 : memref<512xi32, #tpu.memory_space<vmem>>)
    tpu.wait_dma2 semaphore(%arg11 : memref<!tpu.dma_semaphore, #tpu.memory_space<semaphore_mem>>) src(%arg3 : memref<400xf32, #tpu.memory_space<hbm>>) dst(%arg7 : memref<400xf32, #tpu.memory_space<vmem>>)
    tpu.wait_dma2 semaphore(%arg11 : memref<!tpu.dma_semaphore, #tpu.memory_space<semaphore_mem>>) src(%arg4 : memref<160xi32, #tpu.memory_space<hbm>>) dst(%arg8 : memref<160xi32, #tpu.memory_space<vmem>>)
    %mul3A_5 = arith.constant 2 : i32
    %mul3A_6 = vector.broadcast %mul3A_5 : i32 to vector<16xi32>
    %mul3A_7 = arith.muli %iota3A, %mul3A_6 : vector<16xi32>
    %add3A_8 = arith.constant 0 : i32
    %add3A_9 = vector.broadcast %add3A_8 : i32 to vector<16xi32>
    %add3A_10 = arith.addi %mul3A_7, %add3A_9 : vector<16xi32>
    %gather3A = tpu.vector_load_idx %arg6[%add3A_10] : memref<512xi32, #tpu.memory_space<vmem>>[vector<16xi32>], vector<16xi32>,
    %mul3A_11 = arith.constant 2 : i32
    %mul3A_12 = vector.broadcast %mul3A_11 : i32 to vector<16xi32>
    %mul3A_13 = arith.muli %iota3A, %mul3A_12 : vector<16xi32>
    %add3A_14 = arith.constant 1 : i32
    %add3A_15 = vector.broadcast %add3A_14 : i32 to vector<16xi32>
    %add3A_16 = arith.addi %mul3A_13, %add3A_15 : vector<16xi32>
    %gather3A_17 = tpu.vector_load_idx %arg6[%add3A_16] : memref<512xi32, #tpu.memory_space<vmem>>[vector<16xi32>], vector<16xi32>,
    %mul3A_18 = arith.constant 80 : i32
    %mul3A_19 = vector.broadcast %mul3A_18 : i32 to vector<16xi32>
    %mul3A_20 = arith.muli %gather3A, %mul3A_19 : vector<16xi32>
    %mul3A_21 = arith.constant 16 : i32
    %mul3A_22 = vector.broadcast %mul3A_21 : i32 to vector<16xi32>
    %mul3A_23 = arith.muli %gather3A_17, %mul3A_22 : vector<16xi32>
    %add3A_24 = arith.addi %mul3A_20, %mul3A_23 : vector<16xi32>
    %swap3A = arith.constant 0 : index
    %swap3A_25 = tpu.vector_load %arg9[%swap3A] {strides = array<i32>} : memref<256xi32, #tpu.memory_space<vmem>>, vector<16xi32>,
    tpu.vector_store %arg9[%swap3A], %add3A_24 {strides = array<i32>} : memref<256xi32, #tpu.memory_space<vmem>>, vector<16xi32>,
    %mul3A_26 = arith.constant 2 : i32
    %mul3A_27 = vector.broadcast %mul3A_26 : i32 to vector<16xi32>
    %mul3A_28 = arith.muli %iota3A, %mul3A_27 : vector<16xi32>
    %add3A_29 = arith.constant 32 : i32
    %add3A_30 = vector.broadcast %add3A_29 : i32 to vector<16xi32>
    %add3A_31 = arith.addi %mul3A_28, %add3A_30 : vector<16xi32>
    %gather3A_32 = tpu.vector_load_idx %arg6[%add3A_31] : memref<512xi32, #tpu.memory_space<vmem>>[vector<16xi32>], vector<16xi32>,
    %mul3A_33 = arith.constant 2 : i32
    %mul3A_34 = vector.broadcast %mul3A_33 : i32 to vector<16xi32>
    %mul3A_35 = arith.muli %iota3A, %mul3A_34 : vector<16xi32>
    %add3A_36 = arith.constant 33 : i32
    %add3A_37 = vector.broadcast %add3A_36 : i32 to vector<16xi32>
    %add3A_38 = arith.addi %mul3A_35, %add3A_37 : vector<16xi32>
    %gather3A_39 = tpu.vector_load_idx %arg6[%add3A_38] : memref<512xi32, #tpu.memory_space<vmem>>[vector<16xi32>], vector<16xi32>,
    %mul3A_40 = arith.constant 80 : i32
    %mul3A_41 = vector.broadcast %mul3A_40 : i32 to vector<16xi32>
    %mul3A_42 = arith.muli %gather3A_32, %mul3A_41 : vector<16xi32>
    %mul3A_43 = arith.constant 16 : i32
    %mul3A_44 = vector.broadcast %mul3A_43 : i32 to vector<16xi32>
    %mul3A_45 = arith.muli %gather3A_39, %mul3A_44 : vector<16xi32>
    %add3A_46 = arith.addi %mul3A_42, %mul3A_45 : vector<16xi32>
    %swap3A_47 = arith.constant 16 : index
    %swap3A_48 = tpu.vector_load %arg9[%swap3A_47] {strides = array<i32>} : memref<256xi32, #tpu.memory_space<vmem>>, vector<16xi32>,
    tpu.vector_store %arg9[%swap3A_47], %add3A_46 {strides = array<i32>} : memref<256xi32, #tpu.memory_space<vmem>>, vector<16xi32>,
    %mul3A_49 = arith.constant 2 : i32
    %mul3A_50 = vector.broadcast %mul3A_49 : i32 to vector<16xi32>
    %mul3A_51 = arith.muli %iota3A, %mul3A_50 : vector<16xi32>
    %add3A_52 = arith.constant 64 : i32
    %add3A_53 = vector.broadcast %add3A_52 : i32 to vector<16xi32>
    %add3A_54 = arith.addi %mul3A_51, %add3A_53 : vector<16xi32>
    %gather3A_55 = tpu.vector_load_idx %arg6[%add3A_54] : memref<512xi32, #tpu.memory_space<vmem>>[vector<16xi32>], vector<16xi32>,
    %mul3A_56 = arith.constant 2 : i32
    %mul3A_57 = vector.broadcast %mul3A_56 : i32 to vector<16xi32>
    %mul3A_58 = arith.muli %iota3A, %mul3A_57 : vector<16xi32>
    %add3A_59 = arith.constant 65 : i32
    %add3A_60 = vector.broadcast %add3A_59 : i32 to vector<16xi32>
    %add3A_61 = arith.addi %mul3A_58, %add3A_60 : vector<16xi32>
    %gather3A_62 = tpu.vector_load_idx %arg6[%add3A_61] : memref<512xi32, #tpu.memory_space<vmem>>[vector<16xi32>], vector<16xi32>,
    %mul3A_63 = arith.constant 80 : i32
    %mul3A_64 = vector.broadcast %mul3A_63 : i32 to vector<16xi32>
    %mul3A_65 = arith.muli %gather3A_55, %mul3A_64 : vector<16xi32>
    %mul3A_66 = arith.constant 16 : i32
    %mul3A_67 = vector.broadcast %mul3A_66 : i32 to vector<16xi32>
    %mul3A_68 = arith.muli %gather3A_62, %mul3A_67 : vector<16xi32>
    %add3A_69 = arith.addi %mul3A_65, %mul3A_68 : vector<16xi32>
    %swap3A_70 = arith.constant 32 : index
    %swap3A_71 = tpu.vector_load %arg9[%swap3A_70] {strides = array<i32>} : memref<256xi32, #tpu.memory_space<vmem>>, vector<16xi32>,
    tpu.vector_store %arg9[%swap3A_70], %add3A_69 {strides = array<i32>} : memref<256xi32, #tpu.memory_space<vmem>>, vector<16xi32>,
    %mul3A_72 = arith.constant 2 : i32
    %mul3A_73 = vector.broadcast %mul3A_72 : i32 to vector<16xi32>
    %mul3A_74 = arith.muli %iota3A, %mul3A_73 : vector<16xi32>
    %add3A_75 = arith.constant 96 : i32
    %add3A_76 = vector.broadcast %add3A_75 : i32 to vector<16xi32>
    %add3A_77 = arith.addi %mul3A_74, %add3A_76 : vector<16xi32>
    %gather3A_78 = tpu.vector_load_idx %arg6[%add3A_77] : memref<512xi32, #tpu.memory_space<vmem>>[vector<16xi32>], vector<16xi32>,
    %mul3A_79 = arith.constant 2 : i32
    %mul3A_80 = vector.broadcast %mul3A_79 : i32 to vector<16xi32>
    %mul3A_81 = arith.muli %iota3A, %mul3A_80 : vector<16xi32>
    %add3A_82 = arith.constant 97 : i32
    %add3A_83 = vector.broadcast %add3A_82 : i32 to vector<16xi32>
    %add3A_84 = arith.addi %mul3A_81, %add3A_83 : vector<16xi32>
    %gather3A_85 = tpu.vector_load_idx %arg6[%add3A_84] : memref<512xi32, #tpu.memory_space<vmem>>[vector<16xi32>], vector<16xi32>,
    %mul3A_86 = arith.constant 80 : i32
    %mul3A_87 = vector.broadcast %mul3A_86 : i32 to vector<16xi32>
    %mul3A_88 = arith.muli %gather3A_78, %mul3A_87 : vector<16xi32>
    %mul3A_89 = arith.constant 16 : i32
    %mul3A_90 = vector.broadcast %mul3A_89 : i32 to vector<16xi32>
    %mul3A_91 = arith.muli %gather3A_85, %mul3A_90 : vector<16xi32>
    %add3A_92 = arith.addi %mul3A_88, %mul3A_91 : vector<16xi32>
    %swap3A_93 = arith.constant 48 : index
    %swap3A_94 = tpu.vector_load %arg9[%swap3A_93] {strides = array<i32>} : memref<256xi32, #tpu.memory_space<vmem>>, vector<16xi32>,
    tpu.vector_store %arg9[%swap3A_93], %add3A_92 {strides = array<i32>} : memref<256xi32, #tpu.memory_space<vmem>>, vector<16xi32>,
    %mul3A_95 = arith.constant 2 : i32
    %mul3A_96 = vector.broadcast %mul3A_95 : i32 to vector<16xi32>
    %mul3A_97 = arith.muli %iota3A, %mul3A_96 : vector<16xi32>
    %add3A_98 = arith.constant 128 : i32
    %add3A_99 = vector.broadcast %add3A_98 : i32 to vector<16xi32>
    %add3A_100 = arith.addi %mul3A_97, %add3A_99 : vector<16xi32>
    %gather3A_101 = tpu.vector_load_idx %arg6[%add3A_100] : memref<512xi32, #tpu.memory_space<vmem>>[vector<16xi32>], vector<16xi32>,
    %mul3A_102 = arith.constant 2 : i32
    %mul3A_103 = vector.broadcast %mul3A_102 : i32 to vector<16xi32>
    %mul3A_104 = arith.muli %iota3A, %mul3A_103 : vector<16xi32>
    %add3A_105 = arith.constant 129 : i32
    %add3A_106 = vector.broadcast %add3A_105 : i32 to vector<16xi32>
    %add3A_107 = arith.addi %mul3A_104, %add3A_106 : vector<16xi32>
    %gather3A_108 = tpu.vector_load_idx %arg6[%add3A_107] : memref<512xi32, #tpu.memory_space<vmem>>[vector<16xi32>], vector<16xi32>,
    %mul3A_109 = arith.constant 80 : i32
    %mul3A_110 = vector.broadcast %mul3A_109 : i32 to vector<16xi32>
    %mul3A_111 = arith.muli %gather3A_101, %mul3A_110 : vector<16xi32>
    %mul3A_112 = arith.constant 16 : i32
    %mul3A_113 = vector.broadcast %mul3A_112 : i32 to vector<16xi32>
    %mul3A_114 = arith.muli %gather3A_108, %mul3A_113 : vector<16xi32>
    %add3A_115 = arith.addi %mul3A_111, %mul3A_114 : vector<16xi32>
    %swap3A_116 = arith.constant 64 : index
    %swap3A_117 = tpu.vector_load %arg9[%swap3A_116] {strides = array<i32>} : memref<256xi32, #tpu.memory_space<vmem>>, vector<16xi32>,
    tpu.vector_store %arg9[%swap3A_116], %add3A_115 {strides = array<i32>} : memref<256xi32, #tpu.memory_space<vmem>>, vector<16xi32>,
    %mul3A_118 = arith.constant 2 : i32
    %mul3A_119 = vector.broadcast %mul3A_118 : i32 to vector<16xi32>
    %mul3A_120 = arith.muli %iota3A, %mul3A_119 : vector<16xi32>
    %add3A_121 = arith.constant 160 : i32
    %add3A_122 = vector.broadcast %add3A_121 : i32 to vector<16xi32>
    %add3A_123 = arith.addi %mul3A_120, %add3A_122 : vector<16xi32>
    %gather3A_124 = tpu.vector_load_idx %arg6[%add3A_123] : memref<512xi32, #tpu.memory_space<vmem>>[vector<16xi32>], vector<16xi32>,
    %mul3A_125 = arith.constant 2 : i32
    %mul3A_126 = vector.broadcast %mul3A_125 : i32 to vector<16xi32>
    %mul3A_127 = arith.muli %iota3A, %mul3A_126 : vector<16xi32>
    %add3A_128 = arith.constant 161 : i32
    %add3A_129 = vector.broadcast %add3A_128 : i32 to vector<16xi32>
    %add3A_130 = arith.addi %mul3A_127, %add3A_129 : vector<16xi32>
    %gather3A_131 = tpu.vector_load_idx %arg6[%add3A_130] : memref<512xi32, #tpu.memory_space<vmem>>[vector<16xi32>], vector<16xi32>,
    %mul3A_132 = arith.constant 80 : i32
    %mul3A_133 = vector.broadcast %mul3A_132 : i32 to vector<16xi32>
    %mul3A_134 = arith.muli %gather3A_124, %mul3A_133 : vector<16xi32>
    %mul3A_135 = arith.constant 16 : i32
    %mul3A_136 = vector.broadcast %mul3A_135 : i32 to vector<16xi32>
    %mul3A_137 = arith.muli %gather3A_131, %mul3A_136 : vector<16xi32>
    %add3A_138 = arith.addi %mul3A_134, %mul3A_137 : vector<16xi32>
    %swap3A_139 = arith.constant 80 : index
    %swap3A_140 = tpu.vector_load %arg9[%swap3A_139] {strides = array<i32>} : memref<256xi32, #tpu.memory_space<vmem>>, vector<16xi32>,
    tpu.vector_store %arg9[%swap3A_139], %add3A_138 {strides = array<i32>} : memref<256xi32, #tpu.memory_space<vmem>>, vector<16xi32>,
    %mul3A_141 = arith.constant 2 : i32
    %mul3A_142 = vector.broadcast %mul3A_141 : i32 to vector<16xi32>
    %mul3A_143 = arith.muli %iota3A, %mul3A_142 : vector<16xi32>
    %add3A_144 = arith.constant 192 : i32
    %add3A_145 = vector.broadcast %add3A_144 : i32 to vector<16xi32>
    %add3A_146 = arith.addi %mul3A_143, %add3A_145 : vector<16xi32>
    %gather3A_147 = tpu.vector_load_idx %arg6[%add3A_146] : memref<512xi32, #tpu.memory_space<vmem>>[vector<16xi32>], vector<16xi32>,
    %mul3A_148 = arith.constant 2 : i32
    %mul3A_149 = vector.broadcast %mul3A_148 : i32 to vector<16xi32>
    %mul3A_150 = arith.muli %iota3A, %mul3A_149 : vector<16xi32>
    %add3A_151 = arith.constant 193 : i32
    %add3A_152 = vector.broadcast %add3A_151 : i32 to vector<16xi32>
    %add3A_153 = arith.addi %mul3A_150, %add3A_152 : vector<16xi32>
    %gather3A_154 = tpu.vector_load_idx %arg6[%add3A_153] : memref<512xi32, #tpu.memory_space<vmem>>[vector<16xi32>], vector<16xi32>,
    %mul3A_155 = arith.constant 80 : i32
    %mul3A_156 = vector.broadcast %mul3A_155 : i32 to vector<16xi32>
    %mul3A_157 = arith.muli %gather3A_147, %mul3A_156 : vector<16xi32>
    %mul3A_158 = arith.constant 16 : i32
    %mul3A_159 = vector.broadcast %mul3A_158 : i32 to vector<16xi32>
    %mul3A_160 = arith.muli %gather3A_154, %mul3A_159 : vector<16xi32>
    %add3A_161 = arith.addi %mul3A_157, %mul3A_160 : vector<16xi32>
    %swap3A_162 = arith.constant 96 : index
    %swap3A_163 = tpu.vector_load %arg9[%swap3A_162] {strides = array<i32>} : memref<256xi32, #tpu.memory_space<vmem>>, vector<16xi32>,
    tpu.vector_store %arg9[%swap3A_162], %add3A_161 {strides = array<i32>} : memref<256xi32, #tpu.memory_space<vmem>>, vector<16xi32>,
    %mul3A_164 = arith.constant 2 : i32
    %mul3A_165 = vector.broadcast %mul3A_164 : i32 to vector<16xi32>
    %mul3A_166 = arith.muli %iota3A, %mul3A_165 : vector<16xi32>
    %add3A_167 = arith.constant 224 : i32
    %add3A_168 = vector.broadcast %add3A_167 : i32 to vector<16xi32>
    %add3A_169 = arith.addi %mul3A_166, %add3A_168 : vector<16xi32>
    %gather3A_170 = tpu.vector_load_idx %arg6[%add3A_169] : memref<512xi32, #tpu.memory_space<vmem>>[vector<16xi32>], vector<16xi32>,
    %mul3A_171 = arith.constant 2 : i32
    %mul3A_172 = vector.broadcast %mul3A_171 : i32 to vector<16xi32>
    %mul3A_173 = arith.muli %iota3A, %mul3A_172 : vector<16xi32>
    %add3A_174 = arith.constant 225 : i32
    %add3A_175 = vector.broadcast %add3A_174 : i32 to vector<16xi32>
    %add3A_176 = arith.addi %mul3A_173, %add3A_175 : vector<16xi32>
    %gather3A_177 = tpu.vector_load_idx %arg6[%add3A_176] : memref<512xi32, #tpu.memory_space<vmem>>[vector<16xi32>], vector<16xi32>,
    %mul3A_178 = arith.constant 80 : i32
    %mul3A_179 = vector.broadcast %mul3A_178 : i32 to vector<16xi32>
    %mul3A_180 = arith.muli %gather3A_170, %mul3A_179 : vector<16xi32>
    %mul3A_181 = arith.constant 16 : i32
    %mul3A_182 = vector.broadcast %mul3A_181 : i32 to vector<16xi32>
    %mul3A_183 = arith.muli %gather3A_177, %mul3A_182 : vector<16xi32>
    %add3A_184 = arith.addi %mul3A_180, %mul3A_183 : vector<16xi32>
    %swap3A_185 = arith.constant 112 : index
    %swap3A_186 = tpu.vector_load %arg9[%swap3A_185] {strides = array<i32>} : memref<256xi32, #tpu.memory_space<vmem>>, vector<16xi32>,
    tpu.vector_store %arg9[%swap3A_185], %add3A_184 {strides = array<i32>} : memref<256xi32, #tpu.memory_space<vmem>>, vector<16xi32>,
    %mul3A_187 = arith.constant 2 : i32
    %mul3A_188 = vector.broadcast %mul3A_187 : i32 to vector<16xi32>
    %mul3A_189 = arith.muli %iota3A, %mul3A_188 : vector<16xi32>
    %add3A_190 = arith.constant 256 : i32
    %add3A_191 = vector.broadcast %add3A_190 : i32 to vector<16xi32>
    %add3A_192 = arith.addi %mul3A_189, %add3A_191 : vector<16xi32>
    %gather3A_193 = tpu.vector_load_idx %arg6[%add3A_192] : memref<512xi32, #tpu.memory_space<vmem>>[vector<16xi32>], vector<16xi32>,
    %mul3A_194 = arith.constant 2 : i32
    %mul3A_195 = vector.broadcast %mul3A_194 : i32 to vector<16xi32>
    %mul3A_196 = arith.muli %iota3A, %mul3A_195 : vector<16xi32>
    %add3A_197 = arith.constant 257 : i32
    %add3A_198 = vector.broadcast %add3A_197 : i32 to vector<16xi32>
    %add3A_199 = arith.addi %mul3A_196, %add3A_198 : vector<16xi32>
    %gather3A_200 = tpu.vector_load_idx %arg6[%add3A_199] : memref<512xi32, #tpu.memory_space<vmem>>[vector<16xi32>], vector<16xi32>,
    %mul3A_201 = arith.constant 80 : i32
    %mul3A_202 = vector.broadcast %mul3A_201 : i32 to vector<16xi32>
    %mul3A_203 = arith.muli %gather3A_193, %mul3A_202 : vector<16xi32>
    %mul3A_204 = arith.constant 16 : i32
    %mul3A_205 = vector.broadcast %mul3A_204 : i32 to vector<16xi32>
    %mul3A_206 = arith.muli %gather3A_200, %mul3A_205 : vector<16xi32>
    %add3A_207 = arith.addi %mul3A_203, %mul3A_206 : vector<16xi32>
    %swap3A_208 = arith.constant 128 : index
    %swap3A_209 = tpu.vector_load %arg9[%swap3A_208] {strides = array<i32>} : memref<256xi32, #tpu.memory_space<vmem>>, vector<16xi32>,
    tpu.vector_store %arg9[%swap3A_208], %add3A_207 {strides = array<i32>} : memref<256xi32, #tpu.memory_space<vmem>>, vector<16xi32>,
    %mul3A_210 = arith.constant 2 : i32
    %mul3A_211 = vector.broadcast %mul3A_210 : i32 to vector<16xi32>
    %mul3A_212 = arith.muli %iota3A, %mul3A_211 : vector<16xi32>
    %add3A_213 = arith.constant 288 : i32
    %add3A_214 = vector.broadcast %add3A_213 : i32 to vector<16xi32>
    %add3A_215 = arith.addi %mul3A_212, %add3A_214 : vector<16xi32>
    %gather3A_216 = tpu.vector_load_idx %arg6[%add3A_215] : memref<512xi32, #tpu.memory_space<vmem>>[vector<16xi32>], vector<16xi32>,
    %mul3A_217 = arith.constant 2 : i32
    %mul3A_218 = vector.broadcast %mul3A_217 : i32 to vector<16xi32>
    %mul3A_219 = arith.muli %iota3A, %mul3A_218 : vector<16xi32>
    %add3A_220 = arith.constant 289 : i32
    %add3A_221 = vector.broadcast %add3A_220 : i32 to vector<16xi32>
    %add3A_222 = arith.addi %mul3A_219, %add3A_221 : vector<16xi32>
    %gather3A_223 = tpu.vector_load_idx %arg6[%add3A_222] : memref<512xi32, #tpu.memory_space<vmem>>[vector<16xi32>], vector<16xi32>,
    %mul3A_224 = arith.constant 80 : i32
    %mul3A_225 = vector.broadcast %mul3A_224 : i32 to vector<16xi32>
    %mul3A_226 = arith.muli %gather3A_216, %mul3A_225 : vector<16xi32>
    %mul3A_227 = arith.constant 16 : i32
    %mul3A_228 = vector.broadcast %mul3A_227 : i32 to vector<16xi32>
    %mul3A_229 = arith.muli %gather3A_223, %mul3A_228 : vector<16xi32>
    %add3A_230 = arith.addi %mul3A_226, %mul3A_229 : vector<16xi32>
    %swap3A_231 = arith.constant 144 : index
    %swap3A_232 = tpu.vector_load %arg9[%swap3A_231] {strides = array<i32>} : memref<256xi32, #tpu.memory_space<vmem>>, vector<16xi32>,
    tpu.vector_store %arg9[%swap3A_231], %add3A_230 {strides = array<i32>} : memref<256xi32, #tpu.memory_space<vmem>>, vector<16xi32>,
    %mul3A_233 = arith.constant 2 : i32
    %mul3A_234 = vector.broadcast %mul3A_233 : i32 to vector<16xi32>
    %mul3A_235 = arith.muli %iota3A, %mul3A_234 : vector<16xi32>
    %add3A_236 = arith.constant 320 : i32
    %add3A_237 = vector.broadcast %add3A_236 : i32 to vector<16xi32>
    %add3A_238 = arith.addi %mul3A_235, %add3A_237 : vector<16xi32>
    %gather3A_239 = tpu.vector_load_idx %arg6[%add3A_238] : memref<512xi32, #tpu.memory_space<vmem>>[vector<16xi32>], vector<16xi32>,
    %mul3A_240 = arith.constant 2 : i32
    %mul3A_241 = vector.broadcast %mul3A_240 : i32 to vector<16xi32>
    %mul3A_242 = arith.muli %iota3A, %mul3A_241 : vector<16xi32>
    %add3A_243 = arith.constant 321 : i32
    %add3A_244 = vector.broadcast %add3A_243 : i32 to vector<16xi32>
    %add3A_245 = arith.addi %mul3A_242, %add3A_244 : vector<16xi32>
    %gather3A_246 = tpu.vector_load_idx %arg6[%add3A_245] : memref<512xi32, #tpu.memory_space<vmem>>[vector<16xi32>], vector<16xi32>,
    %mul3A_247 = arith.constant 80 : i32
    %mul3A_248 = vector.broadcast %mul3A_247 : i32 to vector<16xi32>
    %mul3A_249 = arith.muli %gather3A_239, %mul3A_248 : vector<16xi32>
    %mul3A_250 = arith.constant 16 : i32
    %mul3A_251 = vector.broadcast %mul3A_250 : i32 to vector<16xi32>
    %mul3A_252 = arith.muli %gather3A_246, %mul3A_251 : vector<16xi32>
    %add3A_253 = arith.addi %mul3A_249, %mul3A_252 : vector<16xi32>
    %swap3A_254 = arith.constant 160 : index
    %swap3A_255 = tpu.vector_load %arg9[%swap3A_254] {strides = array<i32>} : memref<256xi32, #tpu.memory_space<vmem>>, vector<16xi32>,
    tpu.vector_store %arg9[%swap3A_254], %add3A_253 {strides = array<i32>} : memref<256xi32, #tpu.memory_space<vmem>>, vector<16xi32>,
    %mul3A_256 = arith.constant 2 : i32
    %mul3A_257 = vector.broadcast %mul3A_256 : i32 to vector<16xi32>
    %mul3A_258 = arith.muli %iota3A, %mul3A_257 : vector<16xi32>
    %add3A_259 = arith.constant 352 : i32
    %add3A_260 = vector.broadcast %add3A_259 : i32 to vector<16xi32>
    %add3A_261 = arith.addi %mul3A_258, %add3A_260 : vector<16xi32>
    %gather3A_262 = tpu.vector_load_idx %arg6[%add3A_261] : memref<512xi32, #tpu.memory_space<vmem>>[vector<16xi32>], vector<16xi32>,
    %mul3A_263 = arith.constant 2 : i32
    %mul3A_264 = vector.broadcast %mul3A_263 : i32 to vector<16xi32>
    %mul3A_265 = arith.muli %iota3A, %mul3A_264 : vector<16xi32>
    %add3A_266 = arith.constant 353 : i32
    %add3A_267 = vector.broadcast %add3A_266 : i32 to vector<16xi32>
    %add3A_268 = arith.addi %mul3A_265, %add3A_267 : vector<16xi32>
    %gather3A_269 = tpu.vector_load_idx %arg6[%add3A_268] : memref<512xi32, #tpu.memory_space<vmem>>[vector<16xi32>], vector<16xi32>,
    %mul3A_270 = arith.constant 80 : i32
    %mul3A_271 = vector.broadcast %mul3A_270 : i32 to vector<16xi32>
    %mul3A_272 = arith.muli %gather3A_262, %mul3A_271 : vector<16xi32>
    %mul3A_273 = arith.constant 16 : i32
    %mul3A_274 = vector.broadcast %mul3A_273 : i32 to vector<16xi32>
    %mul3A_275 = arith.muli %gather3A_269, %mul3A_274 : vector<16xi32>
    %add3A_276 = arith.addi %mul3A_272, %mul3A_275 : vector<16xi32>
    %swap3A_277 = arith.constant 176 : index
    %swap3A_278 = tpu.vector_load %arg9[%swap3A_277] {strides = array<i32>} : memref<256xi32, #tpu.memory_space<vmem>>, vector<16xi32>,
    tpu.vector_store %arg9[%swap3A_277], %add3A_276 {strides = array<i32>} : memref<256xi32, #tpu.memory_space<vmem>>, vector<16xi32>,
    %mul3A_279 = arith.constant 2 : i32
    %mul3A_280 = vector.broadcast %mul3A_279 : i32 to vector<16xi32>
    %mul3A_281 = arith.muli %iota3A, %mul3A_280 : vector<16xi32>
    %add3A_282 = arith.constant 384 : i32
    %add3A_283 = vector.broadcast %add3A_282 : i32 to vector<16xi32>
    %add3A_284 = arith.addi %mul3A_281, %add3A_283 : vector<16xi32>
    %gather3A_285 = tpu.vector_load_idx %arg6[%add3A_284] : memref<512xi32, #tpu.memory_space<vmem>>[vector<16xi32>], vector<16xi32>,
    %mul3A_286 = arith.constant 2 : i32
    %mul3A_287 = vector.broadcast %mul3A_286 : i32 to vector<16xi32>
    %mul3A_288 = arith.muli %iota3A, %mul3A_287 : vector<16xi32>
    %add3A_289 = arith.constant 385 : i32
    %add3A_290 = vector.broadcast %add3A_289 : i32 to vector<16xi32>
    %add3A_291 = arith.addi %mul3A_288, %add3A_290 : vector<16xi32>
    %gather3A_292 = tpu.vector_load_idx %arg6[%add3A_291] : memref<512xi32, #tpu.memory_space<vmem>>[vector<16xi32>], vector<16xi32>,
    %mul3A_293 = arith.constant 80 : i32
    %mul3A_294 = vector.broadcast %mul3A_293 : i32 to vector<16xi32>
    %mul3A_295 = arith.muli %gather3A_285, %mul3A_294 : vector<16xi32>
    %mul3A_296 = arith.constant 16 : i32
    %mul3A_297 = vector.broadcast %mul3A_296 : i32 to vector<16xi32>
    %mul3A_298 = arith.muli %gather3A_292, %mul3A_297 : vector<16xi32>
    %add3A_299 = arith.addi %mul3A_295, %mul3A_298 : vector<16xi32>
    %swap3A_300 = arith.constant 192 : index
    %swap3A_301 = tpu.vector_load %arg9[%swap3A_300] {strides = array<i32>} : memref<256xi32, #tpu.memory_space<vmem>>, vector<16xi32>,
    tpu.vector_store %arg9[%swap3A_300], %add3A_299 {strides = array<i32>} : memref<256xi32, #tpu.memory_space<vmem>>, vector<16xi32>,
    %mul3A_302 = arith.constant 2 : i32
    %mul3A_303 = vector.broadcast %mul3A_302 : i32 to vector<16xi32>
    %mul3A_304 = arith.muli %iota3A, %mul3A_303 : vector<16xi32>
    %add3A_305 = arith.constant 416 : i32
    %add3A_306 = vector.broadcast %add3A_305 : i32 to vector<16xi32>
    %add3A_307 = arith.addi %mul3A_304, %add3A_306 : vector<16xi32>
    %gather3A_308 = tpu.vector_load_idx %arg6[%add3A_307] : memref<512xi32, #tpu.memory_space<vmem>>[vector<16xi32>], vector<16xi32>,
    %mul3A_309 = arith.constant 2 : i32
    %mul3A_310 = vector.broadcast %mul3A_309 : i32 to vector<16xi32>
    %mul3A_311 = arith.muli %iota3A, %mul3A_310 : vector<16xi32>
    %add3A_312 = arith.constant 417 : i32
    %add3A_313 = vector.broadcast %add3A_312 : i32 to vector<16xi32>
    %add3A_314 = arith.addi %mul3A_311, %add3A_313 : vector<16xi32>
    %gather3A_315 = tpu.vector_load_idx %arg6[%add3A_314] : memref<512xi32, #tpu.memory_space<vmem>>[vector<16xi32>], vector<16xi32>,
    %mul3A_316 = arith.constant 80 : i32
    %mul3A_317 = vector.broadcast %mul3A_316 : i32 to vector<16xi32>
    %mul3A_318 = arith.muli %gather3A_308, %mul3A_317 : vector<16xi32>
    %mul3A_319 = arith.constant 16 : i32
    %mul3A_320 = vector.broadcast %mul3A_319 : i32 to vector<16xi32>
    %mul3A_321 = arith.muli %gather3A_315, %mul3A_320 : vector<16xi32>
    %add3A_322 = arith.addi %mul3A_318, %mul3A_321 : vector<16xi32>
    %swap3A_323 = arith.constant 208 : index
    %swap3A_324 = tpu.vector_load %arg9[%swap3A_323] {strides = array<i32>} : memref<256xi32, #tpu.memory_space<vmem>>, vector<16xi32>,
    tpu.vector_store %arg9[%swap3A_323], %add3A_322 {strides = array<i32>} : memref<256xi32, #tpu.memory_space<vmem>>, vector<16xi32>,
    %mul3A_325 = arith.constant 2 : i32
    %mul3A_326 = vector.broadcast %mul3A_325 : i32 to vector<16xi32>
    %mul3A_327 = arith.muli %iota3A, %mul3A_326 : vector<16xi32>
    %add3A_328 = arith.constant 448 : i32
    %add3A_329 = vector.broadcast %add3A_328 : i32 to vector<16xi32>
    %add3A_330 = arith.addi %mul3A_327, %add3A_329 : vector<16xi32>
    %gather3A_331 = tpu.vector_load_idx %arg6[%add3A_330] : memref<512xi32, #tpu.memory_space<vmem>>[vector<16xi32>], vector<16xi32>,
    %mul3A_332 = arith.constant 2 : i32
    %mul3A_333 = vector.broadcast %mul3A_332 : i32 to vector<16xi32>
    %mul3A_334 = arith.muli %iota3A, %mul3A_333 : vector<16xi32>
    %add3A_335 = arith.constant 449 : i32
    %add3A_336 = vector.broadcast %add3A_335 : i32 to vector<16xi32>
    %add3A_337 = arith.addi %mul3A_334, %add3A_336 : vector<16xi32>
    %gather3A_338 = tpu.vector_load_idx %arg6[%add3A_337] : memref<512xi32, #tpu.memory_space<vmem>>[vector<16xi32>], vector<16xi32>,
    %mul3A_339 = arith.constant 80 : i32
    %mul3A_340 = vector.broadcast %mul3A_339 : i32 to vector<16xi32>
    %mul3A_341 = arith.muli %gather3A_331, %mul3A_340 : vector<16xi32>
    %mul3A_342 = arith.constant 16 : i32
    %mul3A_343 = vector.broadcast %mul3A_342 : i32 to vector<16xi32>
    %mul3A_344 = arith.muli %gather3A_338, %mul3A_343 : vector<16xi32>
    %add3A_345 = arith.addi %mul3A_341, %mul3A_344 : vector<16xi32>
    %swap3A_346 = arith.constant 224 : index
    %swap3A_347 = tpu.vector_load %arg9[%swap3A_346] {strides = array<i32>} : memref<256xi32, #tpu.memory_space<vmem>>, vector<16xi32>,
    tpu.vector_store %arg9[%swap3A_346], %add3A_345 {strides = array<i32>} : memref<256xi32, #tpu.memory_space<vmem>>, vector<16xi32>,
    %mul3A_348 = arith.constant 2 : i32
    %mul3A_349 = vector.broadcast %mul3A_348 : i32 to vector<16xi32>
    %mul3A_350 = arith.muli %iota3A, %mul3A_349 : vector<16xi32>
    %add3A_351 = arith.constant 480 : i32
    %add3A_352 = vector.broadcast %add3A_351 : i32 to vector<16xi32>
    %add3A_353 = arith.addi %mul3A_350, %add3A_352 : vector<16xi32>
    %gather3A_354 = tpu.vector_load_idx %arg6[%add3A_353] : memref<512xi32, #tpu.memory_space<vmem>>[vector<16xi32>], vector<16xi32>,
    %mul3A_355 = arith.constant 2 : i32
    %mul3A_356 = vector.broadcast %mul3A_355 : i32 to vector<16xi32>
    %mul3A_357 = arith.muli %iota3A, %mul3A_356 : vector<16xi32>
    %add3A_358 = arith.constant 481 : i32
    %add3A_359 = vector.broadcast %add3A_358 : i32 to vector<16xi32>
    %add3A_360 = arith.addi %mul3A_357, %add3A_359 : vector<16xi32>
    %gather3A_361 = tpu.vector_load_idx %arg6[%add3A_360] : memref<512xi32, #tpu.memory_space<vmem>>[vector<16xi32>], vector<16xi32>,
    %mul3A_362 = arith.constant 80 : i32
    %mul3A_363 = vector.broadcast %mul3A_362 : i32 to vector<16xi32>
    %mul3A_364 = arith.muli %gather3A_354, %mul3A_363 : vector<16xi32>
    %mul3A_365 = arith.constant 16 : i32
    %mul3A_366 = vector.broadcast %mul3A_365 : i32 to vector<16xi32>
    %mul3A_367 = arith.muli %gather3A_361, %mul3A_366 : vector<16xi32>
    %add3A_368 = arith.addi %mul3A_364, %mul3A_367 : vector<16xi32>
    %swap3A_369 = arith.constant 240 : index
    %swap3A_370 = tpu.vector_load %arg9[%swap3A_369] {strides = array<i32>} : memref<256xi32, #tpu.memory_space<vmem>>, vector<16xi32>,
    tpu.vector_store %arg9[%swap3A_369], %add3A_368 {strides = array<i32>} : memref<256xi32, #tpu.memory_space<vmem>>, vector<16xi32>,
    %get3A = arith.constant 0 : index
    %get3A_371 = tpu.vector_load %arg8[%get3A] {strides = array<i32>} : memref<160xi32, #tpu.memory_space<vmem>>, vector<16xi32>,
    %get3A_372 = arith.constant 16 : index
    %get3A_373 = tpu.vector_load %arg8[%get3A_372] {strides = array<i32>} : memref<160xi32, #tpu.memory_space<vmem>>, vector<16xi32>,
    %get3A_374 = arith.constant 32 : index
    %get3A_375 = tpu.vector_load %arg8[%get3A_374] {strides = array<i32>} : memref<160xi32, #tpu.memory_space<vmem>>, vector<16xi32>,
    %get3A_376 = arith.constant 48 : index
    %get3A_377 = tpu.vector_load %arg8[%get3A_376] {strides = array<i32>} : memref<160xi32, #tpu.memory_space<vmem>>, vector<16xi32>,
    %get3A_378 = arith.constant 64 : index
    %get3A_379 = tpu.vector_load %arg8[%get3A_378] {strides = array<i32>} : memref<160xi32, #tpu.memory_space<vmem>>, vector<16xi32>,
    %get3A_380 = arith.constant 80 : index
    %get3A_381 = tpu.vector_load %arg8[%get3A_380] {strides = array<i32>} : memref<160xi32, #tpu.memory_space<vmem>>, vector<16xi32>,
    %add3A_382 = arith.constant 0 : i32
    %add3A_383 = vector.broadcast %add3A_382 : i32 to vector<16xi32>
    %add3A_384 = arith.addi %get3A_381, %add3A_383 : vector<16xi32>
    %get3A_385 = arith.constant 80 : index
    %get3A_386 = tpu.vector_load %arg8[%get3A_385] {strides = array<i32>} : memref<160xi32, #tpu.memory_space<vmem>>, vector<16xi32>,
    %add3A_387 = arith.constant 1 : i32
    %add3A_388 = vector.broadcast %add3A_387 : i32 to vector<16xi32>
    %add3A_389 = arith.addi %get3A_386, %add3A_388 : vector<16xi32>
    %get3A_390 = arith.constant 80 : index
    %get3A_391 = tpu.vector_load %arg8[%get3A_390] {strides = array<i32>} : memref<160xi32, #tpu.memory_space<vmem>>, vector<16xi32>,
    %add3A_392 = arith.constant 2 : i32
    %add3A_393 = vector.broadcast %add3A_392 : i32 to vector<16xi32>
    %add3A_394 = arith.addi %get3A_391, %add3A_393 : vector<16xi32>
    %get3A_395 = arith.constant 96 : index
    %get3A_396 = tpu.vector_load %arg8[%get3A_395] {strides = array<i32>} : memref<160xi32, #tpu.memory_space<vmem>>, vector<16xi32>,
    %add3A_397 = arith.constant 0 : i32
    %add3A_398 = vector.broadcast %add3A_397 : i32 to vector<16xi32>
    %add3A_399 = arith.addi %get3A_396, %add3A_398 : vector<16xi32>
    %get3A_400 = arith.constant 96 : index
    %get3A_401 = tpu.vector_load %arg8[%get3A_400] {strides = array<i32>} : memref<160xi32, #tpu.memory_space<vmem>>, vector<16xi32>,
    %add3A_402 = arith.constant 1 : i32
    %add3A_403 = vector.broadcast %add3A_402 : i32 to vector<16xi32>
    %add3A_404 = arith.addi %get3A_401, %add3A_403 : vector<16xi32>
    %get3A_405 = arith.constant 96 : index
    %get3A_406 = tpu.vector_load %arg8[%get3A_405] {strides = array<i32>} : memref<160xi32, #tpu.memory_space<vmem>>, vector<16xi32>,
    %add3A_407 = arith.constant 2 : i32
    %add3A_408 = vector.broadcast %add3A_407 : i32 to vector<16xi32>
    %add3A_409 = arith.addi %get3A_406, %add3A_408 : vector<16xi32>
    %get3A_410 = arith.constant 112 : index
    %get3A_411 = tpu.vector_load %arg8[%get3A_410] {strides = array<i32>} : memref<160xi32, #tpu.memory_space<vmem>>, vector<16xi32>,
    %add3A_412 = arith.constant 0 : i32
    %add3A_413 = vector.broadcast %add3A_412 : i32 to vector<16xi32>
    %add3A_414 = arith.addi %get3A_411, %add3A_413 : vector<16xi32>
    %get3A_415 = arith.constant 112 : index
    %get3A_416 = tpu.vector_load %arg8[%get3A_415] {strides = array<i32>} : memref<160xi32, #tpu.memory_space<vmem>>, vector<16xi32>,
    %add3A_417 = arith.constant 1 : i32
    %add3A_418 = vector.broadcast %add3A_417 : i32 to vector<16xi32>
    %add3A_419 = arith.addi %get3A_416, %add3A_418 : vector<16xi32>
    %get3A_420 = arith.constant 112 : index
    %get3A_421 = tpu.vector_load %arg8[%get3A_420] {strides = array<i32>} : memref<160xi32, #tpu.memory_space<vmem>>, vector<16xi32>,
    %add3A_422 = arith.constant 2 : i32
    %add3A_423 = vector.broadcast %add3A_422 : i32 to vector<16xi32>
    %add3A_424 = arith.addi %get3A_421, %add3A_423 : vector<16xi32>
    %get3A_425 = arith.constant 128 : index
    %get3A_426 = tpu.vector_load %arg8[%get3A_425] {strides = array<i32>} : memref<160xi32, #tpu.memory_space<vmem>>, vector<16xi32>,
    %add3A_427 = arith.constant 0 : i32
    %add3A_428 = vector.broadcast %add3A_427 : i32 to vector<16xi32>
    %add3A_429 = arith.addi %get3A_426, %add3A_428 : vector<16xi32>
    %get3A_430 = arith.constant 128 : index
    %get3A_431 = tpu.vector_load %arg8[%get3A_430] {strides = array<i32>} : memref<160xi32, #tpu.memory_space<vmem>>, vector<16xi32>,
    %add3A_432 = arith.constant 1 : i32
    %add3A_433 = vector.broadcast %add3A_432 : i32 to vector<16xi32>
    %add3A_434 = arith.addi %get3A_431, %add3A_433 : vector<16xi32>
    %get3A_435 = arith.constant 128 : index
    %get3A_436 = tpu.vector_load %arg8[%get3A_435] {strides = array<i32>} : memref<160xi32, #tpu.memory_space<vmem>>, vector<16xi32>,
    %add3A_437 = arith.constant 2 : i32
    %add3A_438 = vector.broadcast %add3A_437 : i32 to vector<16xi32>
    %add3A_439 = arith.addi %get3A_436, %add3A_438 : vector<16xi32>
    %get3A_440 = arith.constant 144 : index
    %get3A_441 = tpu.vector_load %arg8[%get3A_440] {strides = array<i32>} : memref<160xi32, #tpu.memory_space<vmem>>, vector<16xi32>,
    %add3A_442 = arith.constant 0 : i32
    %add3A_443 = vector.broadcast %add3A_442 : i32 to vector<16xi32>
    %add3A_444 = arith.addi %get3A_441, %add3A_443 : vector<16xi32>
    %get3A_445 = arith.constant 144 : index
    %get3A_446 = tpu.vector_load %arg8[%get3A_445] {strides = array<i32>} : memref<160xi32, #tpu.memory_space<vmem>>, vector<16xi32>,
    %add3A_447 = arith.constant 1 : i32
    %add3A_448 = vector.broadcast %add3A_447 : i32 to vector<16xi32>
    %add3A_449 = arith.addi %get3A_446, %add3A_448 : vector<16xi32>
    %get3A_450 = arith.constant 144 : index
    %get3A_451 = tpu.vector_load %arg8[%get3A_450] {strides = array<i32>} : memref<160xi32, #tpu.memory_space<vmem>>, vector<16xi32>,
    %add3A_452 = arith.constant 2 : i32
    %add3A_453 = vector.broadcast %add3A_452 : i32 to vector<16xi32>
    %add3A_454 = arith.addi %get3A_451, %add3A_453 : vector<16xi32>
    %add3A_455 = arith.constant 0 : i32
    %add3A_456 = vector.broadcast %add3A_455 : i32 to vector<16xi32>
    %add3A_457 = arith.addi %get3A_371, %add3A_456 : vector<16xi32>
    %gather3A_458 = tpu.vector_load_idx %arg9[%add3A_457] : memref<256xi32, #tpu.memory_space<vmem>>[vector<16xi32>], vector<16xi32>,
    %add3A_459 = arith.addi %gather3A_458, %add3A_384 : vector<16xi32>
    %gather3A_460 = tpu.vector_load_idx %arg7[%add3A_459] : memref<400xf32, #tpu.memory_space<vmem>>[vector<16xi32>], vector<16xf32>,
    %swap3A_461 = arith.constant 0 : index
    %swap3A_462 = tpu.vector_load %arg10[%swap3A_461] {strides = array<i32>} : memref<3840xf32, #tpu.memory_space<vmem>>, vector<16xf32>,
    tpu.vector_store %arg10[%swap3A_461], %gather3A_460 {strides = array<i32>} : memref<3840xf32, #tpu.memory_space<vmem>>, vector<16xf32>,
    %add3A_463 = arith.addi %gather3A_458, %add3A_389 : vector<16xi32>
    %gather3A_464 = tpu.vector_load_idx %arg7[%add3A_463] : memref<400xf32, #tpu.memory_space<vmem>>[vector<16xi32>], vector<16xf32>,
    %swap3A_465 = arith.constant 1280 : index
    %swap3A_466 = tpu.vector_load %arg10[%swap3A_465] {strides = array<i32>} : memref<3840xf32, #tpu.memory_space<vmem>>, vector<16xf32>,
    tpu.vector_store %arg10[%swap3A_465], %gather3A_464 {strides = array<i32>} : memref<3840xf32, #tpu.memory_space<vmem>>, vector<16xf32>,
    %add3A_467 = arith.addi %gather3A_458, %add3A_394 : vector<16xi32>
    %gather3A_468 = tpu.vector_load_idx %arg7[%add3A_467] : memref<400xf32, #tpu.memory_space<vmem>>[vector<16xi32>], vector<16xf32>,
    %swap3A_469 = arith.constant 2560 : index
    %swap3A_470 = tpu.vector_load %arg10[%swap3A_469] {strides = array<i32>} : memref<3840xf32, #tpu.memory_space<vmem>>, vector<16xf32>,
    tpu.vector_store %arg10[%swap3A_469], %gather3A_468 {strides = array<i32>} : memref<3840xf32, #tpu.memory_space<vmem>>, vector<16xf32>,
    %add3A_471 = arith.constant 0 : i32
    %add3A_472 = vector.broadcast %add3A_471 : i32 to vector<16xi32>
    %add3A_473 = arith.addi %get3A_373, %add3A_472 : vector<16xi32>
    %gather3A_474 = tpu.vector_load_idx %arg9[%add3A_473] : memref<256xi32, #tpu.memory_space<vmem>>[vector<16xi32>], vector<16xi32>,
    %add3A_475 = arith.addi %gather3A_474, %add3A_399 : vector<16xi32>
    %gather3A_476 = tpu.vector_load_idx %arg7[%add3A_475] : memref<400xf32, #tpu.memory_space<vmem>>[vector<16xi32>], vector<16xf32>,
    %swap3A_477 = arith.constant 16 : index
    %swap3A_478 = tpu.vector_load %arg10[%swap3A_477] {strides = array<i32>} : memref<3840xf32, #tpu.memory_space<vmem>>, vector<16xf32>,
    tpu.vector_store %arg10[%swap3A_477], %gather3A_476 {strides = array<i32>} : memref<3840xf32, #tpu.memory_space<vmem>>, vector<16xf32>,
    %add3A_479 = arith.addi %gather3A_474, %add3A_404 : vector<16xi32>
    %gather3A_480 = tpu.vector_load_idx %arg7[%add3A_479] : memref<400xf32, #tpu.memory_space<vmem>>[vector<16xi32>], vector<16xf32>,
    %swap3A_481 = arith.constant 1296 : index
    %swap3A_482 = tpu.vector_load %arg10[%swap3A_481] {strides = array<i32>} : memref<3840xf32, #tpu.memory_space<vmem>>, vector<16xf32>,
    tpu.vector_store %arg10[%swap3A_481], %gather3A_480 {strides = array<i32>} : memref<3840xf32, #tpu.memory_space<vmem>>, vector<16xf32>,
    %add3A_483 = arith.addi %gather3A_474, %add3A_409 : vector<16xi32>
    %gather3A_484 = tpu.vector_load_idx %arg7[%add3A_483] : memref<400xf32, #tpu.memory_space<vmem>>[vector<16xi32>], vector<16xf32>,
    %swap3A_485 = arith.constant 2576 : index
    %swap3A_486 = tpu.vector_load %arg10[%swap3A_485] {strides = array<i32>} : memref<3840xf32, #tpu.memory_space<vmem>>, vector<16xf32>,
    tpu.vector_store %arg10[%swap3A_485], %gather3A_484 {strides = array<i32>} : memref<3840xf32, #tpu.memory_space<vmem>>, vector<16xf32>,
    %add3A_487 = arith.constant 0 : i32
    %add3A_488 = vector.broadcast %add3A_487 : i32 to vector<16xi32>
    %add3A_489 = arith.addi %get3A_375, %add3A_488 : vector<16xi32>
    %gather3A_490 = tpu.vector_load_idx %arg9[%add3A_489] : memref<256xi32, #tpu.memory_space<vmem>>[vector<16xi32>], vector<16xi32>,
    %add3A_491 = arith.addi %gather3A_490, %add3A_414 : vector<16xi32>
    %gather3A_492 = tpu.vector_load_idx %arg7[%add3A_491] : memref<400xf32, #tpu.memory_space<vmem>>[vector<16xi32>], vector<16xf32>,
    %swap3A_493 = arith.constant 32 : index
    %swap3A_494 = tpu.vector_load %arg10[%swap3A_493] {strides = array<i32>} : memref<3840xf32, #tpu.memory_space<vmem>>, vector<16xf32>,
    tpu.vector_store %arg10[%swap3A_493], %gather3A_492 {strides = array<i32>} : memref<3840xf32, #tpu.memory_space<vmem>>, vector<16xf32>,
    %add3A_495 = arith.addi %gather3A_490, %add3A_419 : vector<16xi32>
    %gather3A_496 = tpu.vector_load_idx %arg7[%add3A_495] : memref<400xf32, #tpu.memory_space<vmem>>[vector<16xi32>], vector<16xf32>,
    %swap3A_497 = arith.constant 1312 : index
    %swap3A_498 = tpu.vector_load %arg10[%swap3A_497] {strides = array<i32>} : memref<3840xf32, #tpu.memory_space<vmem>>, vector<16xf32>,
    tpu.vector_store %arg10[%swap3A_497], %gather3A_496 {strides = array<i32>} : memref<3840xf32, #tpu.memory_space<vmem>>, vector<16xf32>,
    %add3A_499 = arith.addi %gather3A_490, %add3A_424 : vector<16xi32>
    %gather3A_500 = tpu.vector_load_idx %arg7[%add3A_499] : memref<400xf32, #tpu.memory_space<vmem>>[vector<16xi32>], vector<16xf32>,
    %swap3A_501 = arith.constant 2592 : index
    %swap3A_502 = tpu.vector_load %arg10[%swap3A_501] {strides = array<i32>} : memref<3840xf32, #tpu.memory_space<vmem>>, vector<16xf32>,
    tpu.vector_store %arg10[%swap3A_501], %gather3A_500 {strides = array<i32>} : memref<3840xf32, #tpu.memory_space<vmem>>, vector<16xf32>,
    %add3A_503 = arith.constant 0 : i32
    %add3A_504 = vector.broadcast %add3A_503 : i32 to vector<16xi32>
    %add3A_505 = arith.addi %get3A_377, %add3A_504 : vector<16xi32>
    %gather3A_506 = tpu.vector_load_idx %arg9[%add3A_505] : memref<256xi32, #tpu.memory_space<vmem>>[vector<16xi32>], vector<16xi32>,
    %add3A_507 = arith.addi %gather3A_506, %add3A_429 : vector<16xi32>
    %gather3A_508 = tpu.vector_load_idx %arg7[%add3A_507] : memref<400xf32, #tpu.memory_space<vmem>>[vector<16xi32>], vector<16xf32>,
    %swap3A_509 = arith.constant 48 : index
    %swap3A_510 = tpu.vector_load %arg10[%swap3A_509] {strides = array<i32>} : memref<3840xf32, #tpu.memory_space<vmem>>, vector<16xf32>,
    tpu.vector_store %arg10[%swap3A_509], %gather3A_508 {strides = array<i32>} : memref<3840xf32, #tpu.memory_space<vmem>>, vector<16xf32>,
    %add3A_511 = arith.addi %gather3A_506, %add3A_434 : vector<16xi32>
    %gather3A_512 = tpu.vector_load_idx %arg7[%add3A_511] : memref<400xf32, #tpu.memory_space<vmem>>[vector<16xi32>], vector<16xf32>,
    %swap3A_513 = arith.constant 1328 : index
    %swap3A_514 = tpu.vector_load %arg10[%swap3A_513] {strides = array<i32>} : memref<3840xf32, #tpu.memory_space<vmem>>, vector<16xf32>,
    tpu.vector_store %arg10[%swap3A_513], %gather3A_512 {strides = array<i32>} : memref<3840xf32, #tpu.memory_space<vmem>>, vector<16xf32>,
    %add3A_515 = arith.addi %gather3A_506, %add3A_439 : vector<16xi32>
    %gather3A_516 = tpu.vector_load_idx %arg7[%add3A_515] : memref<400xf32, #tpu.memory_space<vmem>>[vector<16xi32>], vector<16xf32>,
    %swap3A_517 = arith.constant 2608 : index
    %swap3A_518 = tpu.vector_load %arg10[%swap3A_517] {strides = array<i32>} : memref<3840xf32, #tpu.memory_space<vmem>>, vector<16xf32>,
    tpu.vector_store %arg10[%swap3A_517], %gather3A_516 {strides = array<i32>} : memref<3840xf32, #tpu.memory_space<vmem>>, vector<16xf32>,
    %add3A_519 = arith.constant 0 : i32
    %add3A_520 = vector.broadcast %add3A_519 : i32 to vector<16xi32>
    %add3A_521 = arith.addi %get3A_379, %add3A_520 : vector<16xi32>
    %gather3A_522 = tpu.vector_load_idx %arg9[%add3A_521] : memref<256xi32, #tpu.memory_space<vmem>>[vector<16xi32>], vector<16xi32>,
    %add3A_523 = arith.addi %gather3A_522, %add3A_444 : vector<16xi32>
    %gather3A_524 = tpu.vector_load_idx %arg7[%add3A_523] : memref<400xf32, #tpu.memory_space<vmem>>[vector<16xi32>], vector<16xf32>,
    %swap3A_525 = arith.constant 64 : index
    %swap3A_526 = tpu.vector_load %arg10[%swap3A_525] {strides = array<i32>} : memref<3840xf32, #tpu.memory_space<vmem>>, vector<16xf32>,
    tpu.vector_store %arg10[%swap3A_525], %gather3A_524 {strides = array<i32>} : memref<3840xf32, #tpu.memory_space<vmem>>, vector<16xf32>,
    %add3A_527 = arith.addi %gather3A_522, %add3A_449 : vector<16xi32>
    %gather3A_528 = tpu.vector_load_idx %arg7[%add3A_527] : memref<400xf32, #tpu.memory_space<vmem>>[vector<16xi32>], vector<16xf32>,
    %swap3A_529 = arith.constant 1344 : index
    %swap3A_530 = tpu.vector_load %arg10[%swap3A_529] {strides = array<i32>} : memref<3840xf32, #tpu.memory_space<vmem>>, vector<16xf32>,
    tpu.vector_store %arg10[%swap3A_529], %gather3A_528 {strides = array<i32>} : memref<3840xf32, #tpu.memory_space<vmem>>, vector<16xf32>,
    %add3A_531 = arith.addi %gather3A_522, %add3A_454 : vector<16xi32>
    %gather3A_532 = tpu.vector_load_idx %arg7[%add3A_531] : memref<400xf32, #tpu.memory_space<vmem>>[vector<16xi32>], vector<16xf32>,
    %swap3A_533 = arith.constant 2624 : index
    %swap3A_534 = tpu.vector_load %arg10[%swap3A_533] {strides = array<i32>} : memref<3840xf32, #tpu.memory_space<vmem>>, vector<16xf32>,
    tpu.vector_store %arg10[%swap3A_533], %gather3A_532 {strides = array<i32>} : memref<3840xf32, #tpu.memory_space<vmem>>, vector<16xf32>,
    %add3A_535 = arith.constant 16 : i32
    %add3A_536 = vector.broadcast %add3A_535 : i32 to vector<16xi32>
    %add3A_537 = arith.addi %get3A_371, %add3A_536 : vector<16xi32>
    %gather3A_538 = tpu.vector_load_idx %arg9[%add3A_537] : memref<256xi32, #tpu.memory_space<vmem>>[vector<16xi32>], vector<16xi32>,
    %add3A_539 = arith.addi %gather3A_538, %add3A_384 : vector<16xi32>
    %gather3A_540 = tpu.vector_load_idx %arg7[%add3A_539] : memref<400xf32, #tpu.memory_space<vmem>>[vector<16xi32>], vector<16xf32>,
    %swap3A_541 = arith.constant 80 : index
    %swap3A_542 = tpu.vector_load %arg10[%swap3A_541] {strides = array<i32>} : memref<3840xf32, #tpu.memory_space<vmem>>, vector<16xf32>,
    tpu.vector_store %arg10[%swap3A_541], %gather3A_540 {strides = array<i32>} : memref<3840xf32, #tpu.memory_space<vmem>>, vector<16xf32>,
    %add3A_543 = arith.addi %gather3A_538, %add3A_389 : vector<16xi32>
    %gather3A_544 = tpu.vector_load_idx %arg7[%add3A_543] : memref<400xf32, #tpu.memory_space<vmem>>[vector<16xi32>], vector<16xf32>,
    %swap3A_545 = arith.constant 1360 : index
    %swap3A_546 = tpu.vector_load %arg10[%swap3A_545] {strides = array<i32>} : memref<3840xf32, #tpu.memory_space<vmem>>, vector<16xf32>,
    tpu.vector_store %arg10[%swap3A_545], %gather3A_544 {strides = array<i32>} : memref<3840xf32, #tpu.memory_space<vmem>>, vector<16xf32>,
    %add3A_547 = arith.addi %gather3A_538, %add3A_394 : vector<16xi32>
    %gather3A_548 = tpu.vector_load_idx %arg7[%add3A_547] : memref<400xf32, #tpu.memory_space<vmem>>[vector<16xi32>], vector<16xf32>,
    %swap3A_549 = arith.constant 2640 : index
    %swap3A_550 = tpu.vector_load %arg10[%swap3A_549] {strides = array<i32>} : memref<3840xf32, #tpu.memory_space<vmem>>, vector<16xf32>,
    tpu.vector_store %arg10[%swap3A_549], %gather3A_548 {strides = array<i32>} : memref<3840xf32, #tpu.memory_space<vmem>>, vector<16xf32>,
    %add3A_551 = arith.constant 16 : i32
    %add3A_552 = vector.broadcast %add3A_551 : i32 to vector<16xi32>
    %add3A_553 = arith.addi %get3A_373, %add3A_552 : vector<16xi32>
    %gather3A_554 = tpu.vector_load_idx %arg9[%add3A_553] : memref<256xi32, #tpu.memory_space<vmem>>[vector<16xi32>], vector<16xi32>,
    %add3A_555 = arith.addi %gather3A_554, %add3A_399 : vector<16xi32>
    %gather3A_556 = tpu.vector_load_idx %arg7[%add3A_555] : memref<400xf32, #tpu.memory_space<vmem>>[vector<16xi32>], vector<16xf32>,
    %swap3A_557 = arith.constant 96 : index
    %swap3A_558 = tpu.vector_load %arg10[%swap3A_557] {strides = array<i32>} : memref<3840xf32, #tpu.memory_space<vmem>>, vector<16xf32>,
    tpu.vector_store %arg10[%swap3A_557], %gather3A_556 {strides = array<i32>} : memref<3840xf32, #tpu.memory_space<vmem>>, vector<16xf32>,
    %add3A_559 = arith.addi %gather3A_554, %add3A_404 : vector<16xi32>
    %gather3A_560 = tpu.vector_load_idx %arg7[%add3A_559] : memref<400xf32, #tpu.memory_space<vmem>>[vector<16xi32>], vector<16xf32>,
    %swap3A_561 = arith.constant 1376 : index
    %swap3A_562 = tpu.vector_load %arg10[%swap3A_561] {strides = array<i32>} : memref<3840xf32, #tpu.memory_space<vmem>>, vector<16xf32>,
    tpu.vector_store %arg10[%swap3A_561], %gather3A_560 {strides = array<i32>} : memref<3840xf32, #tpu.memory_space<vmem>>, vector<16xf32>,
    %add3A_563 = arith.addi %gather3A_554, %add3A_409 : vector<16xi32>
    %gather3A_564 = tpu.vector_load_idx %arg7[%add3A_563] : memref<400xf32, #tpu.memory_space<vmem>>[vector<16xi32>], vector<16xf32>,
    %swap3A_565 = arith.constant 2656 : index
    %swap3A_566 = tpu.vector_load %arg10[%swap3A_565] {strides = array<i32>} : memref<3840xf32, #tpu.memory_space<vmem>>, vector<16xf32>,
    tpu.vector_store %arg10[%swap3A_565], %gather3A_564 {strides = array<i32>} : memref<3840xf32, #tpu.memory_space<vmem>>, vector<16xf32>,
    %add3A_567 = arith.constant 16 : i32
    %add3A_568 = vector.broadcast %add3A_567 : i32 to vector<16xi32>
    %add3A_569 = arith.addi %get3A_375, %add3A_568 : vector<16xi32>
    %gather3A_570 = tpu.vector_load_idx %arg9[%add3A_569] : memref<256xi32, #tpu.memory_space<vmem>>[vector<16xi32>], vector<16xi32>,
    %add3A_571 = arith.addi %gather3A_570, %add3A_414 : vector<16xi32>
    %gather3A_572 = tpu.vector_load_idx %arg7[%add3A_571] : memref<400xf32, #tpu.memory_space<vmem>>[vector<16xi32>], vector<16xf32>,
    %swap3A_573 = arith.constant 112 : index
    %swap3A_574 = tpu.vector_load %arg10[%swap3A_573] {strides = array<i32>} : memref<3840xf32, #tpu.memory_space<vmem>>, vector<16xf32>,
    tpu.vector_store %arg10[%swap3A_573], %gather3A_572 {strides = array<i32>} : memref<3840xf32, #tpu.memory_space<vmem>>, vector<16xf32>,
    %add3A_575 = arith.addi %gather3A_570, %add3A_419 : vector<16xi32>
    %gather3A_576 = tpu.vector_load_idx %arg7[%add3A_575] : memref<400xf32, #tpu.memory_space<vmem>>[vector<16xi32>], vector<16xf32>,
    %swap3A_577 = arith.constant 1392 : index
    %swap3A_578 = tpu.vector_load %arg10[%swap3A_577] {strides = array<i32>} : memref<3840xf32, #tpu.memory_space<vmem>>, vector<16xf32>,
    tpu.vector_store %arg10[%swap3A_577], %gather3A_576 {strides = array<i32>} : memref<3840xf32, #tpu.memory_space<vmem>>, vector<16xf32>,
    %add3A_579 = arith.addi %gather3A_570, %add3A_424 : vector<16xi32>
    %gather3A_580 = tpu.vector_load_idx %arg7[%add3A_579] : memref<400xf32, #tpu.memory_space<vmem>>[vector<16xi32>], vector<16xf32>,
    %swap3A_581 = arith.constant 2672 : index
    %swap3A_582 = tpu.vector_load %arg10[%swap3A_581] {strides = array<i32>} : memref<3840xf32, #tpu.memory_space<vmem>>, vector<16xf32>,
    tpu.vector_store %arg10[%swap3A_581], %gather3A_580 {strides = array<i32>} : memref<3840xf32, #tpu.memory_space<vmem>>, vector<16xf32>,
    %add3A_583 = arith.constant 16 : i32
    %add3A_584 = vector.broadcast %add3A_583 : i32 to vector<16xi32>
    %add3A_585 = arith.addi %get3A_377, %add3A_584 : vector<16xi32>
    %gather3A_586 = tpu.vector_load_idx %arg9[%add3A_585] : memref<256xi32, #tpu.memory_space<vmem>>[vector<16xi32>], vector<16xi32>,
    %add3A_587 = arith.addi %gather3A_586, %add3A_429 : vector<16xi32>
    %gather3A_588 = tpu.vector_load_idx %arg7[%add3A_587] : memref<400xf32, #tpu.memory_space<vmem>>[vector<16xi32>], vector<16xf32>,
    %swap3A_589 = arith.constant 128 : index
    %swap3A_590 = tpu.vector_load %arg10[%swap3A_589] {strides = array<i32>} : memref<3840xf32, #tpu.memory_space<vmem>>, vector<16xf32>,
    tpu.vector_store %arg10[%swap3A_589], %gather3A_588 {strides = array<i32>} : memref<3840xf32, #tpu.memory_space<vmem>>, vector<16xf32>,
    %add3A_591 = arith.addi %gather3A_586, %add3A_434 : vector<16xi32>
    %gather3A_592 = tpu.vector_load_idx %arg7[%add3A_591] : memref<400xf32, #tpu.memory_space<vmem>>[vector<16xi32>], vector<16xf32>,
    %swap3A_593 = arith.constant 1408 : index
    %swap3A_594 = tpu.vector_load %arg10[%swap3A_593] {strides = array<i32>} : memref<3840xf32, #tpu.memory_space<vmem>>, vector<16xf32>,
    tpu.vector_store %arg10[%swap3A_593], %gather3A_592 {strides = array<i32>} : memref<3840xf32, #tpu.memory_space<vmem>>, vector<16xf32>,
    %add3A_595 = arith.addi %gather3A_586, %add3A_439 : vector<16xi32>
    %gather3A_596 = tpu.vector_load_idx %arg7[%add3A_595] : memref<400xf32, #tpu.memory_space<vmem>>[vector<16xi32>], vector<16xf32>,
    %swap3A_597 = arith.constant 2688 : index
    %swap3A_598 = tpu.vector_load %arg10[%swap3A_597] {strides = array<i32>} : memref<3840xf32, #tpu.memory_space<vmem>>, vector<16xf32>,
    tpu.vector_store %arg10[%swap3A_597], %gather3A_596 {strides = array<i32>} : memref<3840xf32, #tpu.memory_space<vmem>>, vector<16xf32>,
    %add3A_599 = arith.constant 16 : i32
    %add3A_600 = vector.broadcast %add3A_599 : i32 to vector<16xi32>
    %add3A_601 = arith.addi %get3A_379, %add3A_600 : vector<16xi32>
    %gather3A_602 = tpu.vector_load_idx %arg9[%add3A_601] : memref<256xi32, #tpu.memory_space<vmem>>[vector<16xi32>], vector<16xi32>,
    %add3A_603 = arith.addi %gather3A_602, %add3A_444 : vector<16xi32>
    %gather3A_604 = tpu.vector_load_idx %arg7[%add3A_603] : memref<400xf32, #tpu.memory_space<vmem>>[vector<16xi32>], vector<16xf32>,
    %swap3A_605 = arith.constant 144 : index
    %swap3A_606 = tpu.vector_load %arg10[%swap3A_605] {strides = array<i32>} : memref<3840xf32, #tpu.memory_space<vmem>>, vector<16xf32>,
    tpu.vector_store %arg10[%swap3A_605], %gather3A_604 {strides = array<i32>} : memref<3840xf32, #tpu.memory_space<vmem>>, vector<16xf32>,
    %add3A_607 = arith.addi %gather3A_602, %add3A_449 : vector<16xi32>
    %gather3A_608 = tpu.vector_load_idx %arg7[%add3A_607] : memref<400xf32, #tpu.memory_space<vmem>>[vector<16xi32>], vector<16xf32>,
    %swap3A_609 = arith.constant 1424 : index
    %swap3A_610 = tpu.vector_load %arg10[%swap3A_609] {strides = array<i32>} : memref<3840xf32, #tpu.memory_space<vmem>>, vector<16xf32>,
    tpu.vector_store %arg10[%swap3A_609], %gather3A_608 {strides = array<i32>} : memref<3840xf32, #tpu.memory_space<vmem>>, vector<16xf32>,
    %add3A_611 = arith.addi %gather3A_602, %add3A_454 : vector<16xi32>
    %gather3A_612 = tpu.vector_load_idx %arg7[%add3A_611] : memref<400xf32, #tpu.memory_space<vmem>>[vector<16xi32>], vector<16xf32>,
    %swap3A_613 = arith.constant 2704 : index
    %swap3A_614 = tpu.vector_load %arg10[%swap3A_613] {strides = array<i32>} : memref<3840xf32, #tpu.memory_space<vmem>>, vector<16xf32>,
    tpu.vector_store %arg10[%swap3A_613], %gather3A_612 {strides = array<i32>} : memref<3840xf32, #tpu.memory_space<vmem>>, vector<16xf32>,
    %add3A_615 = arith.constant 32 : i32
    %add3A_616 = vector.broadcast %add3A_615 : i32 to vector<16xi32>
    %add3A_617 = arith.addi %get3A_371, %add3A_616 : vector<16xi32>
    %gather3A_618 = tpu.vector_load_idx %arg9[%add3A_617] : memref<256xi32, #tpu.memory_space<vmem>>[vector<16xi32>], vector<16xi32>,
    %add3A_619 = arith.addi %gather3A_618, %add3A_384 : vector<16xi32>
    %gather3A_620 = tpu.vector_load_idx %arg7[%add3A_619] : memref<400xf32, #tpu.memory_space<vmem>>[vector<16xi32>], vector<16xf32>,
    %swap3A_621 = arith.constant 160 : index
    %swap3A_622 = tpu.vector_load %arg10[%swap3A_621] {strides = array<i32>} : memref<3840xf32, #tpu.memory_space<vmem>>, vector<16xf32>,
    tpu.vector_store %arg10[%swap3A_621], %gather3A_620 {strides = array<i32>} : memref<3840xf32, #tpu.memory_space<vmem>>, vector<16xf32>,
    %add3A_623 = arith.addi %gather3A_618, %add3A_389 : vector<16xi32>
    %gather3A_624 = tpu.vector_load_idx %arg7[%add3A_623] : memref<400xf32, #tpu.memory_space<vmem>>[vector<16xi32>], vector<16xf32>,
    %swap3A_625 = arith.constant 1440 : index
    %swap3A_626 = tpu.vector_load %arg10[%swap3A_625] {strides = array<i32>} : memref<3840xf32, #tpu.memory_space<vmem>>, vector<16xf32>,
    tpu.vector_store %arg10[%swap3A_625], %gather3A_624 {strides = array<i32>} : memref<3840xf32, #tpu.memory_space<vmem>>, vector<16xf32>,
    %add3A_627 = arith.addi %gather3A_618, %add3A_394 : vector<16xi32>
    %gather3A_628 = tpu.vector_load_idx %arg7[%add3A_627] : memref<400xf32, #tpu.memory_space<vmem>>[vector<16xi32>], vector<16xf32>,
    %swap3A_629 = arith.constant 2720 : index
    %swap3A_630 = tpu.vector_load %arg10[%swap3A_629] {strides = array<i32>} : memref<3840xf32, #tpu.memory_space<vmem>>, vector<16xf32>,
    tpu.vector_store %arg10[%swap3A_629], %gather3A_628 {strides = array<i32>} : memref<3840xf32, #tpu.memory_space<vmem>>, vector<16xf32>,
    %add3A_631 = arith.constant 32 : i32
    %add3A_632 = vector.broadcast %add3A_631 : i32 to vector<16xi32>
    %add3A_633 = arith.addi %get3A_373, %add3A_632 : vector<16xi32>
    %gather3A_634 = tpu.vector_load_idx %arg9[%add3A_633] : memref<256xi32, #tpu.memory_space<vmem>>[vector<16xi32>], vector<16xi32>,
    %add3A_635 = arith.addi %gather3A_634, %add3A_399 : vector<16xi32>
    %gather3A_636 = tpu.vector_load_idx %arg7[%add3A_635] : memref<400xf32, #tpu.memory_space<vmem>>[vector<16xi32>], vector<16xf32>,
    %swap3A_637 = arith.constant 176 : index
    %swap3A_638 = tpu.vector_load %arg10[%swap3A_637] {strides = array<i32>} : memref<3840xf32, #tpu.memory_space<vmem>>, vector<16xf32>,
    tpu.vector_store %arg10[%swap3A_637], %gather3A_636 {strides = array<i32>} : memref<3840xf32, #tpu.memory_space<vmem>>, vector<16xf32>,
    %add3A_639 = arith.addi %gather3A_634, %add3A_404 : vector<16xi32>
    %gather3A_640 = tpu.vector_load_idx %arg7[%add3A_639] : memref<400xf32, #tpu.memory_space<vmem>>[vector<16xi32>], vector<16xf32>,
    %swap3A_641 = arith.constant 1456 : index
    %swap3A_642 = tpu.vector_load %arg10[%swap3A_641] {strides = array<i32>} : memref<3840xf32, #tpu.memory_space<vmem>>, vector<16xf32>,
    tpu.vector_store %arg10[%swap3A_641], %gather3A_640 {strides = array<i32>} : memref<3840xf32, #tpu.memory_space<vmem>>, vector<16xf32>,
    %add3A_643 = arith.addi %gather3A_634, %add3A_409 : vector<16xi32>
    %gather3A_644 = tpu.vector_load_idx %arg7[%add3A_643] : memref<400xf32, #tpu.memory_space<vmem>>[vector<16xi32>], vector<16xf32>,
    %swap3A_645 = arith.constant 2736 : index
    %swap3A_646 = tpu.vector_load %arg10[%swap3A_645] {strides = array<i32>} : memref<3840xf32, #tpu.memory_space<vmem>>, vector<16xf32>,
    tpu.vector_store %arg10[%swap3A_645], %gather3A_644 {strides = array<i32>} : memref<3840xf32, #tpu.memory_space<vmem>>, vector<16xf32>,
    %add3A_647 = arith.constant 32 : i32
    %add3A_648 = vector.broadcast %add3A_647 : i32 to vector<16xi32>
    %add3A_649 = arith.addi %get3A_375, %add3A_648 : vector<16xi32>
    %gather3A_650 = tpu.vector_load_idx %arg9[%add3A_649] : memref<256xi32, #tpu.memory_space<vmem>>[vector<16xi32>], vector<16xi32>,
    %add3A_651 = arith.addi %gather3A_650, %add3A_414 : vector<16xi32>
    %gather3A_652 = tpu.vector_load_idx %arg7[%add3A_651] : memref<400xf32, #tpu.memory_space<vmem>>[vector<16xi32>], vector<16xf32>,
    %swap3A_653 = arith.constant 192 : index
    %swap3A_654 = tpu.vector_load %arg10[%swap3A_653] {strides = array<i32>} : memref<3840xf32, #tpu.memory_space<vmem>>, vector<16xf32>,
    tpu.vector_store %arg10[%swap3A_653], %gather3A_652 {strides = array<i32>} : memref<3840xf32, #tpu.memory_space<vmem>>, vector<16xf32>,
    %add3A_655 = arith.addi %gather3A_650, %add3A_419 : vector<16xi32>
    %gather3A_656 = tpu.vector_load_idx %arg7[%add3A_655] : memref<400xf32, #tpu.memory_space<vmem>>[vector<16xi32>], vector<16xf32>,
    %swap3A_657 = arith.constant 1472 : index
    %swap3A_658 = tpu.vector_load %arg10[%swap3A_657] {strides = array<i32>} : memref<3840xf32, #tpu.memory_space<vmem>>, vector<16xf32>,
    tpu.vector_store %arg10[%swap3A_657], %gather3A_656 {strides = array<i32>} : memref<3840xf32, #tpu.memory_space<vmem>>, vector<16xf32>,
    %add3A_659 = arith.addi %gather3A_650, %add3A_424 : vector<16xi32>
    %gather3A_660 = tpu.vector_load_idx %arg7[%add3A_659] : memref<400xf32, #tpu.memory_space<vmem>>[vector<16xi32>], vector<16xf32>,
    %swap3A_661 = arith.constant 2752 : index
    %swap3A_662 = tpu.vector_load %arg10[%swap3A_661] {strides = array<i32>} : memref<3840xf32, #tpu.memory_space<vmem>>, vector<16xf32>,
    tpu.vector_store %arg10[%swap3A_661], %gather3A_660 {strides = array<i32>} : memref<3840xf32, #tpu.memory_space<vmem>>, vector<16xf32>,
    %add3A_663 = arith.constant 32 : i32
    %add3A_664 = vector.broadcast %add3A_663 : i32 to vector<16xi32>
    %add3A_665 = arith.addi %get3A_377, %add3A_664 : vector<16xi32>
    %gather3A_666 = tpu.vector_load_idx %arg9[%add3A_665] : memref<256xi32, #tpu.memory_space<vmem>>[vector<16xi32>], vector<16xi32>,
    %add3A_667 = arith.addi %gather3A_666, %add3A_429 : vector<16xi32>
    %gather3A_668 = tpu.vector_load_idx %arg7[%add3A_667] : memref<400xf32, #tpu.memory_space<vmem>>[vector<16xi32>], vector<16xf32>,
    %swap3A_669 = arith.constant 208 : index
    %swap3A_670 = tpu.vector_load %arg10[%swap3A_669] {strides = array<i32>} : memref<3840xf32, #tpu.memory_space<vmem>>, vector<16xf32>,
    tpu.vector_store %arg10[%swap3A_669], %gather3A_668 {strides = array<i32>} : memref<3840xf32, #tpu.memory_space<vmem>>, vector<16xf32>,
    %add3A_671 = arith.addi %gather3A_666, %add3A_434 : vector<16xi32>
    %gather3A_672 = tpu.vector_load_idx %arg7[%add3A_671] : memref<400xf32, #tpu.memory_space<vmem>>[vector<16xi32>], vector<16xf32>,
    %swap3A_673 = arith.constant 1488 : index
    %swap3A_674 = tpu.vector_load %arg10[%swap3A_673] {strides = array<i32>} : memref<3840xf32, #tpu.memory_space<vmem>>, vector<16xf32>,
    tpu.vector_store %arg10[%swap3A_673], %gather3A_672 {strides = array<i32>} : memref<3840xf32, #tpu.memory_space<vmem>>, vector<16xf32>,
    %add3A_675 = arith.addi %gather3A_666, %add3A_439 : vector<16xi32>
    %gather3A_676 = tpu.vector_load_idx %arg7[%add3A_675] : memref<400xf32, #tpu.memory_space<vmem>>[vector<16xi32>], vector<16xf32>,
    %swap3A_677 = arith.constant 2768 : index
    %swap3A_678 = tpu.vector_load %arg10[%swap3A_677] {strides = array<i32>} : memref<3840xf32, #tpu.memory_space<vmem>>, vector<16xf32>,
    tpu.vector_store %arg10[%swap3A_677], %gather3A_676 {strides = array<i32>} : memref<3840xf32, #tpu.memory_space<vmem>>, vector<16xf32>,
    %add3A_679 = arith.constant 32 : i32
    %add3A_680 = vector.broadcast %add3A_679 : i32 to vector<16xi32>
    %add3A_681 = arith.addi %get3A_379, %add3A_680 : vector<16xi32>
    %gather3A_682 = tpu.vector_load_idx %arg9[%add3A_681] : memref<256xi32, #tpu.memory_space<vmem>>[vector<16xi32>], vector<16xi32>,
    %add3A_683 = arith.addi %gather3A_682, %add3A_444 : vector<16xi32>
    %gather3A_684 = tpu.vector_load_idx %arg7[%add3A_683] : memref<400xf32, #tpu.memory_space<vmem>>[vector<16xi32>], vector<16xf32>,
    %swap3A_685 = arith.constant 224 : index
    %swap3A_686 = tpu.vector_load %arg10[%swap3A_685] {strides = array<i32>} : memref<3840xf32, #tpu.memory_space<vmem>>, vector<16xf32>,
    tpu.vector_store %arg10[%swap3A_685], %gather3A_684 {strides = array<i32>} : memref<3840xf32, #tpu.memory_space<vmem>>, vector<16xf32>,
    %add3A_687 = arith.addi %gather3A_682, %add3A_449 : vector<16xi32>
    %gather3A_688 = tpu.vector_load_idx %arg7[%add3A_687] : memref<400xf32, #tpu.memory_space<vmem>>[vector<16xi32>], vector<16xf32>,
    %swap3A_689 = arith.constant 1504 : index
    %swap3A_690 = tpu.vector_load %arg10[%swap3A_689] {strides = array<i32>} : memref<3840xf32, #tpu.memory_space<vmem>>, vector<16xf32>,
    tpu.vector_store %arg10[%swap3A_689], %gather3A_688 {strides = array<i32>} : memref<3840xf32, #tpu.memory_space<vmem>>, vector<16xf32>,
    %add3A_691 = arith.addi %gather3A_682, %add3A_454 : vector<16xi32>
    %gather3A_692 = tpu.vector_load_idx %arg7[%add3A_691] : memref<400xf32, #tpu.memory_space<vmem>>[vector<16xi32>], vector<16xf32>,
    %swap3A_693 = arith.constant 2784 : index
    %swap3A_694 = tpu.vector_load %arg10[%swap3A_693] {strides = array<i32>} : memref<3840xf32, #tpu.memory_space<vmem>>, vector<16xf32>,
    tpu.vector_store %arg10[%swap3A_693], %gather3A_692 {strides = array<i32>} : memref<3840xf32, #tpu.memory_space<vmem>>, vector<16xf32>,
    %add3A_695 = arith.constant 48 : i32
    %add3A_696 = vector.broadcast %add3A_695 : i32 to vector<16xi32>
    %add3A_697 = arith.addi %get3A_371, %add3A_696 : vector<16xi32>
    %gather3A_698 = tpu.vector_load_idx %arg9[%add3A_697] : memref<256xi32, #tpu.memory_space<vmem>>[vector<16xi32>], vector<16xi32>,
    %add3A_699 = arith.addi %gather3A_698, %add3A_384 : vector<16xi32>
    %gather3A_700 = tpu.vector_load_idx %arg7[%add3A_699] : memref<400xf32, #tpu.memory_space<vmem>>[vector<16xi32>], vector<16xf32>,
    %swap3A_701 = arith.constant 240 : index
    %swap3A_702 = tpu.vector_load %arg10[%swap3A_701] {strides = array<i32>} : memref<3840xf32, #tpu.memory_space<vmem>>, vector<16xf32>,
    tpu.vector_store %arg10[%swap3A_701], %gather3A_700 {strides = array<i32>} : memref<3840xf32, #tpu.memory_space<vmem>>, vector<16xf32>,
    %add3A_703 = arith.addi %gather3A_698, %add3A_389 : vector<16xi32>
    %gather3A_704 = tpu.vector_load_idx %arg7[%add3A_703] : memref<400xf32, #tpu.memory_space<vmem>>[vector<16xi32>], vector<16xf32>,
    %swap3A_705 = arith.constant 1520 : index
    %swap3A_706 = tpu.vector_load %arg10[%swap3A_705] {strides = array<i32>} : memref<3840xf32, #tpu.memory_space<vmem>>, vector<16xf32>,
    tpu.vector_store %arg10[%swap3A_705], %gather3A_704 {strides = array<i32>} : memref<3840xf32, #tpu.memory_space<vmem>>, vector<16xf32>,
    %add3A_707 = arith.addi %gather3A_698, %add3A_394 : vector<16xi32>
    %gather3A_708 = tpu.vector_load_idx %arg7[%add3A_707] : memref<400xf32, #tpu.memory_space<vmem>>[vector<16xi32>], vector<16xf32>,
    %swap3A_709 = arith.constant 2800 : index
    %swap3A_710 = tpu.vector_load %arg10[%swap3A_709] {strides = array<i32>} : memref<3840xf32, #tpu.memory_space<vmem>>, vector<16xf32>,
    tpu.vector_store %arg10[%swap3A_709], %gather3A_708 {strides = array<i32>} : memref<3840xf32, #tpu.memory_space<vmem>>, vector<16xf32>,
    %add3A_711 = arith.constant 48 : i32
    %add3A_712 = vector.broadcast %add3A_711 : i32 to vector<16xi32>
    %add3A_713 = arith.addi %get3A_373, %add3A_712 : vector<16xi32>
    %gather3A_714 = tpu.vector_load_idx %arg9[%add3A_713] : memref<256xi32, #tpu.memory_space<vmem>>[vector<16xi32>], vector<16xi32>,
    %add3A_715 = arith.addi %gather3A_714, %add3A_399 : vector<16xi32>
    %gather3A_716 = tpu.vector_load_idx %arg7[%add3A_715] : memref<400xf32, #tpu.memory_space<vmem>>[vector<16xi32>], vector<16xf32>,
    %swap3A_717 = arith.constant 256 : index
    %swap3A_718 = tpu.vector_load %arg10[%swap3A_717] {strides = array<i32>} : memref<3840xf32, #tpu.memory_space<vmem>>, vector<16xf32>,
    tpu.vector_store %arg10[%swap3A_717], %gather3A_716 {strides = array<i32>} : memref<3840xf32, #tpu.memory_space<vmem>>, vector<16xf32>,
    %add3A_719 = arith.addi %gather3A_714, %add3A_404 : vector<16xi32>
    %gather3A_720 = tpu.vector_load_idx %arg7[%add3A_719] : memref<400xf32, #tpu.memory_space<vmem>>[vector<16xi32>], vector<16xf32>,
    %swap3A_721 = arith.constant 1536 : index
    %swap3A_722 = tpu.vector_load %arg10[%swap3A_721] {strides = array<i32>} : memref<3840xf32, #tpu.memory_space<vmem>>, vector<16xf32>,
    tpu.vector_store %arg10[%swap3A_721], %gather3A_720 {strides = array<i32>} : memref<3840xf32, #tpu.memory_space<vmem>>, vector<16xf32>,
    %add3A_723 = arith.addi %gather3A_714, %add3A_409 : vector<16xi32>
    %gather3A_724 = tpu.vector_load_idx %arg7[%add3A_723] : memref<400xf32, #tpu.memory_space<vmem>>[vector<16xi32>], vector<16xf32>,
    %swap3A_725 = arith.constant 2816 : index
    %swap3A_726 = tpu.vector_load %arg10[%swap3A_725] {strides = array<i32>} : memref<3840xf32, #tpu.memory_space<vmem>>, vector<16xf32>,
    tpu.vector_store %arg10[%swap3A_725], %gather3A_724 {strides = array<i32>} : memref<3840xf32, #tpu.memory_space<vmem>>, vector<16xf32>,
    %add3A_727 = arith.constant 48 : i32
    %add3A_728 = vector.broadcast %add3A_727 : i32 to vector<16xi32>
    %add3A_729 = arith.addi %get3A_375, %add3A_728 : vector<16xi32>
    %gather3A_730 = tpu.vector_load_idx %arg9[%add3A_729] : memref<256xi32, #tpu.memory_space<vmem>>[vector<16xi32>], vector<16xi32>,
    %add3A_731 = arith.addi %gather3A_730, %add3A_414 : vector<16xi32>
    %gather3A_732 = tpu.vector_load_idx %arg7[%add3A_731] : memref<400xf32, #tpu.memory_space<vmem>>[vector<16xi32>], vector<16xf32>,
    %swap3A_733 = arith.constant 272 : index
    %swap3A_734 = tpu.vector_load %arg10[%swap3A_733] {strides = array<i32>} : memref<3840xf32, #tpu.memory_space<vmem>>, vector<16xf32>,
    tpu.vector_store %arg10[%swap3A_733], %gather3A_732 {strides = array<i32>} : memref<3840xf32, #tpu.memory_space<vmem>>, vector<16xf32>,
    %add3A_735 = arith.addi %gather3A_730, %add3A_419 : vector<16xi32>
    %gather3A_736 = tpu.vector_load_idx %arg7[%add3A_735] : memref<400xf32, #tpu.memory_space<vmem>>[vector<16xi32>], vector<16xf32>,
    %swap3A_737 = arith.constant 1552 : index
    %swap3A_738 = tpu.vector_load %arg10[%swap3A_737] {strides = array<i32>} : memref<3840xf32, #tpu.memory_space<vmem>>, vector<16xf32>,
    tpu.vector_store %arg10[%swap3A_737], %gather3A_736 {strides = array<i32>} : memref<3840xf32, #tpu.memory_space<vmem>>, vector<16xf32>,
    %add3A_739 = arith.addi %gather3A_730, %add3A_424 : vector<16xi32>
    %gather3A_740 = tpu.vector_load_idx %arg7[%add3A_739] : memref<400xf32, #tpu.memory_space<vmem>>[vector<16xi32>], vector<16xf32>,
    %swap3A_741 = arith.constant 2832 : index
    %swap3A_742 = tpu.vector_load %arg10[%swap3A_741] {strides = array<i32>} : memref<3840xf32, #tpu.memory_space<vmem>>, vector<16xf32>,
    tpu.vector_store %arg10[%swap3A_741], %gather3A_740 {strides = array<i32>} : memref<3840xf32, #tpu.memory_space<vmem>>, vector<16xf32>,
    %add3A_743 = arith.constant 48 : i32
    %add3A_744 = vector.broadcast %add3A_743 : i32 to vector<16xi32>
    %add3A_745 = arith.addi %get3A_377, %add3A_744 : vector<16xi32>
    %gather3A_746 = tpu.vector_load_idx %arg9[%add3A_745] : memref<256xi32, #tpu.memory_space<vmem>>[vector<16xi32>], vector<16xi32>,
    %add3A_747 = arith.addi %gather3A_746, %add3A_429 : vector<16xi32>
    %gather3A_748 = tpu.vector_load_idx %arg7[%add3A_747] : memref<400xf32, #tpu.memory_space<vmem>>[vector<16xi32>], vector<16xf32>,
    %swap3A_749 = arith.constant 288 : index
    %swap3A_750 = tpu.vector_load %arg10[%swap3A_749] {strides = array<i32>} : memref<3840xf32, #tpu.memory_space<vmem>>, vector<16xf32>,
    tpu.vector_store %arg10[%swap3A_749], %gather3A_748 {strides = array<i32>} : memref<3840xf32, #tpu.memory_space<vmem>>, vector<16xf32>,
    %add3A_751 = arith.addi %gather3A_746, %add3A_434 : vector<16xi32>
    %gather3A_752 = tpu.vector_load_idx %arg7[%add3A_751] : memref<400xf32, #tpu.memory_space<vmem>>[vector<16xi32>], vector<16xf32>,
    %swap3A_753 = arith.constant 1568 : index
    %swap3A_754 = tpu.vector_load %arg10[%swap3A_753] {strides = array<i32>} : memref<3840xf32, #tpu.memory_space<vmem>>, vector<16xf32>,
    tpu.vector_store %arg10[%swap3A_753], %gather3A_752 {strides = array<i32>} : memref<3840xf32, #tpu.memory_space<vmem>>, vector<16xf32>,
    %add3A_755 = arith.addi %gather3A_746, %add3A_439 : vector<16xi32>
    %gather3A_756 = tpu.vector_load_idx %arg7[%add3A_755] : memref<400xf32, #tpu.memory_space<vmem>>[vector<16xi32>], vector<16xf32>,
    %swap3A_757 = arith.constant 2848 : index
    %swap3A_758 = tpu.vector_load %arg10[%swap3A_757] {strides = array<i32>} : memref<3840xf32, #tpu.memory_space<vmem>>, vector<16xf32>,
    tpu.vector_store %arg10[%swap3A_757], %gather3A_756 {strides = array<i32>} : memref<3840xf32, #tpu.memory_space<vmem>>, vector<16xf32>,
    %add3A_759 = arith.constant 48 : i32
    %add3A_760 = vector.broadcast %add3A_759 : i32 to vector<16xi32>
    %add3A_761 = arith.addi %get3A_379, %add3A_760 : vector<16xi32>
    %gather3A_762 = tpu.vector_load_idx %arg9[%add3A_761] : memref<256xi32, #tpu.memory_space<vmem>>[vector<16xi32>], vector<16xi32>,
    %add3A_763 = arith.addi %gather3A_762, %add3A_444 : vector<16xi32>
    %gather3A_764 = tpu.vector_load_idx %arg7[%add3A_763] : memref<400xf32, #tpu.memory_space<vmem>>[vector<16xi32>], vector<16xf32>,
    %swap3A_765 = arith.constant 304 : index
    %swap3A_766 = tpu.vector_load %arg10[%swap3A_765] {strides = array<i32>} : memref<3840xf32, #tpu.memory_space<vmem>>, vector<16xf32>,
    tpu.vector_store %arg10[%swap3A_765], %gather3A_764 {strides = array<i32>} : memref<3840xf32, #tpu.memory_space<vmem>>, vector<16xf32>,
    %add3A_767 = arith.addi %gather3A_762, %add3A_449 : vector<16xi32>
    %gather3A_768 = tpu.vector_load_idx %arg7[%add3A_767] : memref<400xf32, #tpu.memory_space<vmem>>[vector<16xi32>], vector<16xf32>,
    %swap3A_769 = arith.constant 1584 : index
    %swap3A_770 = tpu.vector_load %arg10[%swap3A_769] {strides = array<i32>} : memref<3840xf32, #tpu.memory_space<vmem>>, vector<16xf32>,
    tpu.vector_store %arg10[%swap3A_769], %gather3A_768 {strides = array<i32>} : memref<3840xf32, #tpu.memory_space<vmem>>, vector<16xf32>,
    %add3A_771 = arith.addi %gather3A_762, %add3A_454 : vector<16xi32>
    %gather3A_772 = tpu.vector_load_idx %arg7[%add3A_771] : memref<400xf32, #tpu.memory_space<vmem>>[vector<16xi32>], vector<16xf32>,
    %swap3A_773 = arith.constant 2864 : index
    %swap3A_774 = tpu.vector_load %arg10[%swap3A_773] {strides = array<i32>} : memref<3840xf32, #tpu.memory_space<vmem>>, vector<16xf32>,
    tpu.vector_store %arg10[%swap3A_773], %gather3A_772 {strides = array<i32>} : memref<3840xf32, #tpu.memory_space<vmem>>, vector<16xf32>,
    %add3A_775 = arith.constant 64 : i32
    %add3A_776 = vector.broadcast %add3A_775 : i32 to vector<16xi32>
    %add3A_777 = arith.addi %get3A_371, %add3A_776 : vector<16xi32>
    %gather3A_778 = tpu.vector_load_idx %arg9[%add3A_777] : memref<256xi32, #tpu.memory_space<vmem>>[vector<16xi32>], vector<16xi32>,
    %add3A_779 = arith.addi %gather3A_778, %add3A_384 : vector<16xi32>
    %gather3A_780 = tpu.vector_load_idx %arg7[%add3A_779] : memref<400xf32, #tpu.memory_space<vmem>>[vector<16xi32>], vector<16xf32>,
    %swap3A_781 = arith.constant 320 : index
    %swap3A_782 = tpu.vector_load %arg10[%swap3A_781] {strides = array<i32>} : memref<3840xf32, #tpu.memory_space<vmem>>, vector<16xf32>,
    tpu.vector_store %arg10[%swap3A_781], %gather3A_780 {strides = array<i32>} : memref<3840xf32, #tpu.memory_space<vmem>>, vector<16xf32>,
    %add3A_783 = arith.addi %gather3A_778, %add3A_389 : vector<16xi32>
    %gather3A_784 = tpu.vector_load_idx %arg7[%add3A_783] : memref<400xf32, #tpu.memory_space<vmem>>[vector<16xi32>], vector<16xf32>,
    %swap3A_785 = arith.constant 1600 : index
    %swap3A_786 = tpu.vector_load %arg10[%swap3A_785] {strides = array<i32>} : memref<3840xf32, #tpu.memory_space<vmem>>, vector<16xf32>,
    tpu.vector_store %arg10[%swap3A_785], %gather3A_784 {strides = array<i32>} : memref<3840xf32, #tpu.memory_space<vmem>>, vector<16xf32>,
    %add3A_787 = arith.addi %gather3A_778, %add3A_394 : vector<16xi32>
    %gather3A_788 = tpu.vector_load_idx %arg7[%add3A_787] : memref<400xf32, #tpu.memory_space<vmem>>[vector<16xi32>], vector<16xf32>,
    %swap3A_789 = arith.constant 2880 : index
    %swap3A_790 = tpu.vector_load %arg10[%swap3A_789] {strides = array<i32>} : memref<3840xf32, #tpu.memory_space<vmem>>, vector<16xf32>,
    tpu.vector_store %arg10[%swap3A_789], %gather3A_788 {strides = array<i32>} : memref<3840xf32, #tpu.memory_space<vmem>>, vector<16xf32>,
    %add3A_791 = arith.constant 64 : i32
    %add3A_792 = vector.broadcast %add3A_791 : i32 to vector<16xi32>
    %add3A_793 = arith.addi %get3A_373, %add3A_792 : vector<16xi32>
    %gather3A_794 = tpu.vector_load_idx %arg9[%add3A_793] : memref<256xi32, #tpu.memory_space<vmem>>[vector<16xi32>], vector<16xi32>,
    %add3A_795 = arith.addi %gather3A_794, %add3A_399 : vector<16xi32>
    %gather3A_796 = tpu.vector_load_idx %arg7[%add3A_795] : memref<400xf32, #tpu.memory_space<vmem>>[vector<16xi32>], vector<16xf32>,
    %swap3A_797 = arith.constant 336 : index
    %swap3A_798 = tpu.vector_load %arg10[%swap3A_797] {strides = array<i32>} : memref<3840xf32, #tpu.memory_space<vmem>>, vector<16xf32>,
    tpu.vector_store %arg10[%swap3A_797], %gather3A_796 {strides = array<i32>} : memref<3840xf32, #tpu.memory_space<vmem>>, vector<16xf32>,
    %add3A_799 = arith.addi %gather3A_794, %add3A_404 : vector<16xi32>
    %gather3A_800 = tpu.vector_load_idx %arg7[%add3A_799] : memref<400xf32, #tpu.memory_space<vmem>>[vector<16xi32>], vector<16xf32>,
    %swap3A_801 = arith.constant 1616 : index
    %swap3A_802 = tpu.vector_load %arg10[%swap3A_801] {strides = array<i32>} : memref<3840xf32, #tpu.memory_space<vmem>>, vector<16xf32>,
    tpu.vector_store %arg10[%swap3A_801], %gather3A_800 {strides = array<i32>} : memref<3840xf32, #tpu.memory_space<vmem>>, vector<16xf32>,
    %add3A_803 = arith.addi %gather3A_794, %add3A_409 : vector<16xi32>
    %gather3A_804 = tpu.vector_load_idx %arg7[%add3A_803] : memref<400xf32, #tpu.memory_space<vmem>>[vector<16xi32>], vector<16xf32>,
    %swap3A_805 = arith.constant 2896 : index
    %swap3A_806 = tpu.vector_load %arg10[%swap3A_805] {strides = array<i32>} : memref<3840xf32, #tpu.memory_space<vmem>>, vector<16xf32>,
    tpu.vector_store %arg10[%swap3A_805], %gather3A_804 {strides = array<i32>} : memref<3840xf32, #tpu.memory_space<vmem>>, vector<16xf32>,
    %add3A_807 = arith.constant 64 : i32
    %add3A_808 = vector.broadcast %add3A_807 : i32 to vector<16xi32>
    %add3A_809 = arith.addi %get3A_375, %add3A_808 : vector<16xi32>
    %gather3A_810 = tpu.vector_load_idx %arg9[%add3A_809] : memref<256xi32, #tpu.memory_space<vmem>>[vector<16xi32>], vector<16xi32>,
    %add3A_811 = arith.addi %gather3A_810, %add3A_414 : vector<16xi32>
    %gather3A_812 = tpu.vector_load_idx %arg7[%add3A_811] : memref<400xf32, #tpu.memory_space<vmem>>[vector<16xi32>], vector<16xf32>,
    %swap3A_813 = arith.constant 352 : index
    %swap3A_814 = tpu.vector_load %arg10[%swap3A_813] {strides = array<i32>} : memref<3840xf32, #tpu.memory_space<vmem>>, vector<16xf32>,
    tpu.vector_store %arg10[%swap3A_813], %gather3A_812 {strides = array<i32>} : memref<3840xf32, #tpu.memory_space<vmem>>, vector<16xf32>,
    %add3A_815 = arith.addi %gather3A_810, %add3A_419 : vector<16xi32>
    %gather3A_816 = tpu.vector_load_idx %arg7[%add3A_815] : memref<400xf32, #tpu.memory_space<vmem>>[vector<16xi32>], vector<16xf32>,
    %swap3A_817 = arith.constant 1632 : index
    %swap3A_818 = tpu.vector_load %arg10[%swap3A_817] {strides = array<i32>} : memref<3840xf32, #tpu.memory_space<vmem>>, vector<16xf32>,
    tpu.vector_store %arg10[%swap3A_817], %gather3A_816 {strides = array<i32>} : memref<3840xf32, #tpu.memory_space<vmem>>, vector<16xf32>,
    %add3A_819 = arith.addi %gather3A_810, %add3A_424 : vector<16xi32>
    %gather3A_820 = tpu.vector_load_idx %arg7[%add3A_819] : memref<400xf32, #tpu.memory_space<vmem>>[vector<16xi32>], vector<16xf32>,
    %swap3A_821 = arith.constant 2912 : index
    %swap3A_822 = tpu.vector_load %arg10[%swap3A_821] {strides = array<i32>} : memref<3840xf32, #tpu.memory_space<vmem>>, vector<16xf32>,
    tpu.vector_store %arg10[%swap3A_821], %gather3A_820 {strides = array<i32>} : memref<3840xf32, #tpu.memory_space<vmem>>, vector<16xf32>,
    %add3A_823 = arith.constant 64 : i32
    %add3A_824 = vector.broadcast %add3A_823 : i32 to vector<16xi32>
    %add3A_825 = arith.addi %get3A_377, %add3A_824 : vector<16xi32>
    %gather3A_826 = tpu.vector_load_idx %arg9[%add3A_825] : memref<256xi32, #tpu.memory_space<vmem>>[vector<16xi32>], vector<16xi32>,
    %add3A_827 = arith.addi %gather3A_826, %add3A_429 : vector<16xi32>
    %gather3A_828 = tpu.vector_load_idx %arg7[%add3A_827] : memref<400xf32, #tpu.memory_space<vmem>>[vector<16xi32>], vector<16xf32>,
    %swap3A_829 = arith.constant 368 : index
    %swap3A_830 = tpu.vector_load %arg10[%swap3A_829] {strides = array<i32>} : memref<3840xf32, #tpu.memory_space<vmem>>, vector<16xf32>,
    tpu.vector_store %arg10[%swap3A_829], %gather3A_828 {strides = array<i32>} : memref<3840xf32, #tpu.memory_space<vmem>>, vector<16xf32>,
    %add3A_831 = arith.addi %gather3A_826, %add3A_434 : vector<16xi32>
    %gather3A_832 = tpu.vector_load_idx %arg7[%add3A_831] : memref<400xf32, #tpu.memory_space<vmem>>[vector<16xi32>], vector<16xf32>,
    %swap3A_833 = arith.constant 1648 : index
    %swap3A_834 = tpu.vector_load %arg10[%swap3A_833] {strides = array<i32>} : memref<3840xf32, #tpu.memory_space<vmem>>, vector<16xf32>,
    tpu.vector_store %arg10[%swap3A_833], %gather3A_832 {strides = array<i32>} : memref<3840xf32, #tpu.memory_space<vmem>>, vector<16xf32>,
    %add3A_835 = arith.addi %gather3A_826, %add3A_439 : vector<16xi32>
    %gather3A_836 = tpu.vector_load_idx %arg7[%add3A_835] : memref<400xf32, #tpu.memory_space<vmem>>[vector<16xi32>], vector<16xf32>,
    %swap3A_837 = arith.constant 2928 : index
    %swap3A_838 = tpu.vector_load %arg10[%swap3A_837] {strides = array<i32>} : memref<3840xf32, #tpu.memory_space<vmem>>, vector<16xf32>,
    tpu.vector_store %arg10[%swap3A_837], %gather3A_836 {strides = array<i32>} : memref<3840xf32, #tpu.memory_space<vmem>>, vector<16xf32>,
    %add3A_839 = arith.constant 64 : i32
    %add3A_840 = vector.broadcast %add3A_839 : i32 to vector<16xi32>
    %add3A_841 = arith.addi %get3A_379, %add3A_840 : vector<16xi32>
    %gather3A_842 = tpu.vector_load_idx %arg9[%add3A_841] : memref<256xi32, #tpu.memory_space<vmem>>[vector<16xi32>], vector<16xi32>,
    %add3A_843 = arith.addi %gather3A_842, %add3A_444 : vector<16xi32>
    %gather3A_844 = tpu.vector_load_idx %arg7[%add3A_843] : memref<400xf32, #tpu.memory_space<vmem>>[vector<16xi32>], vector<16xf32>,
    %swap3A_845 = arith.constant 384 : index
    %swap3A_846 = tpu.vector_load %arg10[%swap3A_845] {strides = array<i32>} : memref<3840xf32, #tpu.memory_space<vmem>>, vector<16xf32>,
    tpu.vector_store %arg10[%swap3A_845], %gather3A_844 {strides = array<i32>} : memref<3840xf32, #tpu.memory_space<vmem>>, vector<16xf32>,
    %add3A_847 = arith.addi %gather3A_842, %add3A_449 : vector<16xi32>
    %gather3A_848 = tpu.vector_load_idx %arg7[%add3A_847] : memref<400xf32, #tpu.memory_space<vmem>>[vector<16xi32>], vector<16xf32>,
    %swap3A_849 = arith.constant 1664 : index
    %swap3A_850 = tpu.vector_load %arg10[%swap3A_849] {strides = array<i32>} : memref<3840xf32, #tpu.memory_space<vmem>>, vector<16xf32>,
    tpu.vector_store %arg10[%swap3A_849], %gather3A_848 {strides = array<i32>} : memref<3840xf32, #tpu.memory_space<vmem>>, vector<16xf32>,
    %add3A_851 = arith.addi %gather3A_842, %add3A_454 : vector<16xi32>
    %gather3A_852 = tpu.vector_load_idx %arg7[%add3A_851] : memref<400xf32, #tpu.memory_space<vmem>>[vector<16xi32>], vector<16xf32>,
    %swap3A_853 = arith.constant 2944 : index
    %swap3A_854 = tpu.vector_load %arg10[%swap3A_853] {strides = array<i32>} : memref<3840xf32, #tpu.memory_space<vmem>>, vector<16xf32>,
    tpu.vector_store %arg10[%swap3A_853], %gather3A_852 {strides = array<i32>} : memref<3840xf32, #tpu.memory_space<vmem>>, vector<16xf32>,
    %add3A_855 = arith.constant 80 : i32
    %add3A_856 = vector.broadcast %add3A_855 : i32 to vector<16xi32>
    %add3A_857 = arith.addi %get3A_371, %add3A_856 : vector<16xi32>
    %gather3A_858 = tpu.vector_load_idx %arg9[%add3A_857] : memref<256xi32, #tpu.memory_space<vmem>>[vector<16xi32>], vector<16xi32>,
    %add3A_859 = arith.addi %gather3A_858, %add3A_384 : vector<16xi32>
    %gather3A_860 = tpu.vector_load_idx %arg7[%add3A_859] : memref<400xf32, #tpu.memory_space<vmem>>[vector<16xi32>], vector<16xf32>,
    %swap3A_861 = arith.constant 400 : index
    %swap3A_862 = tpu.vector_load %arg10[%swap3A_861] {strides = array<i32>} : memref<3840xf32, #tpu.memory_space<vmem>>, vector<16xf32>,
    tpu.vector_store %arg10[%swap3A_861], %gather3A_860 {strides = array<i32>} : memref<3840xf32, #tpu.memory_space<vmem>>, vector<16xf32>,
    %add3A_863 = arith.addi %gather3A_858, %add3A_389 : vector<16xi32>
    %gather3A_864 = tpu.vector_load_idx %arg7[%add3A_863] : memref<400xf32, #tpu.memory_space<vmem>>[vector<16xi32>], vector<16xf32>,
    %swap3A_865 = arith.constant 1680 : index
    %swap3A_866 = tpu.vector_load %arg10[%swap3A_865] {strides = array<i32>} : memref<3840xf32, #tpu.memory_space<vmem>>, vector<16xf32>,
    tpu.vector_store %arg10[%swap3A_865], %gather3A_864 {strides = array<i32>} : memref<3840xf32, #tpu.memory_space<vmem>>, vector<16xf32>,
    %add3A_867 = arith.addi %gather3A_858, %add3A_394 : vector<16xi32>
    %gather3A_868 = tpu.vector_load_idx %arg7[%add3A_867] : memref<400xf32, #tpu.memory_space<vmem>>[vector<16xi32>], vector<16xf32>,
    %swap3A_869 = arith.constant 2960 : index
    %swap3A_870 = tpu.vector_load %arg10[%swap3A_869] {strides = array<i32>} : memref<3840xf32, #tpu.memory_space<vmem>>, vector<16xf32>,
    tpu.vector_store %arg10[%swap3A_869], %gather3A_868 {strides = array<i32>} : memref<3840xf32, #tpu.memory_space<vmem>>, vector<16xf32>,
    %add3A_871 = arith.constant 80 : i32
    %add3A_872 = vector.broadcast %add3A_871 : i32 to vector<16xi32>
    %add3A_873 = arith.addi %get3A_373, %add3A_872 : vector<16xi32>
    %gather3A_874 = tpu.vector_load_idx %arg9[%add3A_873] : memref<256xi32, #tpu.memory_space<vmem>>[vector<16xi32>], vector<16xi32>,
    %add3A_875 = arith.addi %gather3A_874, %add3A_399 : vector<16xi32>
    %gather3A_876 = tpu.vector_load_idx %arg7[%add3A_875] : memref<400xf32, #tpu.memory_space<vmem>>[vector<16xi32>], vector<16xf32>,
    %swap3A_877 = arith.constant 416 : index
    %swap3A_878 = tpu.vector_load %arg10[%swap3A_877] {strides = array<i32>} : memref<3840xf32, #tpu.memory_space<vmem>>, vector<16xf32>,
    tpu.vector_store %arg10[%swap3A_877], %gather3A_876 {strides = array<i32>} : memref<3840xf32, #tpu.memory_space<vmem>>, vector<16xf32>,
    %add3A_879 = arith.addi %gather3A_874, %add3A_404 : vector<16xi32>
    %gather3A_880 = tpu.vector_load_idx %arg7[%add3A_879] : memref<400xf32, #tpu.memory_space<vmem>>[vector<16xi32>], vector<16xf32>,
    %swap3A_881 = arith.constant 1696 : index
    %swap3A_882 = tpu.vector_load %arg10[%swap3A_881] {strides = array<i32>} : memref<3840xf32, #tpu.memory_space<vmem>>, vector<16xf32>,
    tpu.vector_store %arg10[%swap3A_881], %gather3A_880 {strides = array<i32>} : memref<3840xf32, #tpu.memory_space<vmem>>, vector<16xf32>,
    %add3A_883 = arith.addi %gather3A_874, %add3A_409 : vector<16xi32>
    %gather3A_884 = tpu.vector_load_idx %arg7[%add3A_883] : memref<400xf32, #tpu.memory_space<vmem>>[vector<16xi32>], vector<16xf32>,
    %swap3A_885 = arith.constant 2976 : index
    %swap3A_886 = tpu.vector_load %arg10[%swap3A_885] {strides = array<i32>} : memref<3840xf32, #tpu.memory_space<vmem>>, vector<16xf32>,
    tpu.vector_store %arg10[%swap3A_885], %gather3A_884 {strides = array<i32>} : memref<3840xf32, #tpu.memory_space<vmem>>, vector<16xf32>,
    %add3A_887 = arith.constant 80 : i32
    %add3A_888 = vector.broadcast %add3A_887 : i32 to vector<16xi32>
    %add3A_889 = arith.addi %get3A_375, %add3A_888 : vector<16xi32>
    %gather3A_890 = tpu.vector_load_idx %arg9[%add3A_889] : memref<256xi32, #tpu.memory_space<vmem>>[vector<16xi32>], vector<16xi32>,
    %add3A_891 = arith.addi %gather3A_890, %add3A_414 : vector<16xi32>
    %gather3A_892 = tpu.vector_load_idx %arg7[%add3A_891] : memref<400xf32, #tpu.memory_space<vmem>>[vector<16xi32>], vector<16xf32>,
    %swap3A_893 = arith.constant 432 : index
    %swap3A_894 = tpu.vector_load %arg10[%swap3A_893] {strides = array<i32>} : memref<3840xf32, #tpu.memory_space<vmem>>, vector<16xf32>,
    tpu.vector_store %arg10[%swap3A_893], %gather3A_892 {strides = array<i32>} : memref<3840xf32, #tpu.memory_space<vmem>>, vector<16xf32>,
    %add3A_895 = arith.addi %gather3A_890, %add3A_419 : vector<16xi32>
    %gather3A_896 = tpu.vector_load_idx %arg7[%add3A_895] : memref<400xf32, #tpu.memory_space<vmem>>[vector<16xi32>], vector<16xf32>,
    %swap3A_897 = arith.constant 1712 : index
    %swap3A_898 = tpu.vector_load %arg10[%swap3A_897] {strides = array<i32>} : memref<3840xf32, #tpu.memory_space<vmem>>, vector<16xf32>,
    tpu.vector_store %arg10[%swap3A_897], %gather3A_896 {strides = array<i32>} : memref<3840xf32, #tpu.memory_space<vmem>>, vector<16xf32>,
    %add3A_899 = arith.addi %gather3A_890, %add3A_424 : vector<16xi32>
    %gather3A_900 = tpu.vector_load_idx %arg7[%add3A_899] : memref<400xf32, #tpu.memory_space<vmem>>[vector<16xi32>], vector<16xf32>,
    %swap3A_901 = arith.constant 2992 : index
    %swap3A_902 = tpu.vector_load %arg10[%swap3A_901] {strides = array<i32>} : memref<3840xf32, #tpu.memory_space<vmem>>, vector<16xf32>,
    tpu.vector_store %arg10[%swap3A_901], %gather3A_900 {strides = array<i32>} : memref<3840xf32, #tpu.memory_space<vmem>>, vector<16xf32>,
    %add3A_903 = arith.constant 80 : i32
    %add3A_904 = vector.broadcast %add3A_903 : i32 to vector<16xi32>
    %add3A_905 = arith.addi %get3A_377, %add3A_904 : vector<16xi32>
    %gather3A_906 = tpu.vector_load_idx %arg9[%add3A_905] : memref<256xi32, #tpu.memory_space<vmem>>[vector<16xi32>], vector<16xi32>,
    %add3A_907 = arith.addi %gather3A_906, %add3A_429 : vector<16xi32>
    %gather3A_908 = tpu.vector_load_idx %arg7[%add3A_907] : memref<400xf32, #tpu.memory_space<vmem>>[vector<16xi32>], vector<16xf32>,
    %swap3A_909 = arith.constant 448 : index
    %swap3A_910 = tpu.vector_load %arg10[%swap3A_909] {strides = array<i32>} : memref<3840xf32, #tpu.memory_space<vmem>>, vector<16xf32>,
    tpu.vector_store %arg10[%swap3A_909], %gather3A_908 {strides = array<i32>} : memref<3840xf32, #tpu.memory_space<vmem>>, vector<16xf32>,
    %add3A_911 = arith.addi %gather3A_906, %add3A_434 : vector<16xi32>
    %gather3A_912 = tpu.vector_load_idx %arg7[%add3A_911] : memref<400xf32, #tpu.memory_space<vmem>>[vector<16xi32>], vector<16xf32>,
    %swap3A_913 = arith.constant 1728 : index
    %swap3A_914 = tpu.vector_load %arg10[%swap3A_913] {strides = array<i32>} : memref<3840xf32, #tpu.memory_space<vmem>>, vector<16xf32>,
    tpu.vector_store %arg10[%swap3A_913], %gather3A_912 {strides = array<i32>} : memref<3840xf32, #tpu.memory_space<vmem>>, vector<16xf32>,
    %add3A_915 = arith.addi %gather3A_906, %add3A_439 : vector<16xi32>
    %gather3A_916 = tpu.vector_load_idx %arg7[%add3A_915] : memref<400xf32, #tpu.memory_space<vmem>>[vector<16xi32>], vector<16xf32>,
    %swap3A_917 = arith.constant 3008 : index
    %swap3A_918 = tpu.vector_load %arg10[%swap3A_917] {strides = array<i32>} : memref<3840xf32, #tpu.memory_space<vmem>>, vector<16xf32>,
    tpu.vector_store %arg10[%swap3A_917], %gather3A_916 {strides = array<i32>} : memref<3840xf32, #tpu.memory_space<vmem>>, vector<16xf32>,
    %add3A_919 = arith.constant 80 : i32
    %add3A_920 = vector.broadcast %add3A_919 : i32 to vector<16xi32>
    %add3A_921 = arith.addi %get3A_379, %add3A_920 : vector<16xi32>
    %gather3A_922 = tpu.vector_load_idx %arg9[%add3A_921] : memref<256xi32, #tpu.memory_space<vmem>>[vector<16xi32>], vector<16xi32>,
    %add3A_923 = arith.addi %gather3A_922, %add3A_444 : vector<16xi32>
    %gather3A_924 = tpu.vector_load_idx %arg7[%add3A_923] : memref<400xf32, #tpu.memory_space<vmem>>[vector<16xi32>], vector<16xf32>,
    %swap3A_925 = arith.constant 464 : index
    %swap3A_926 = tpu.vector_load %arg10[%swap3A_925] {strides = array<i32>} : memref<3840xf32, #tpu.memory_space<vmem>>, vector<16xf32>,
    tpu.vector_store %arg10[%swap3A_925], %gather3A_924 {strides = array<i32>} : memref<3840xf32, #tpu.memory_space<vmem>>, vector<16xf32>,
    %add3A_927 = arith.addi %gather3A_922, %add3A_449 : vector<16xi32>
    %gather3A_928 = tpu.vector_load_idx %arg7[%add3A_927] : memref<400xf32, #tpu.memory_space<vmem>>[vector<16xi32>], vector<16xf32>,
    %swap3A_929 = arith.constant 1744 : index
    %swap3A_930 = tpu.vector_load %arg10[%swap3A_929] {strides = array<i32>} : memref<3840xf32, #tpu.memory_space<vmem>>, vector<16xf32>,
    tpu.vector_store %arg10[%swap3A_929], %gather3A_928 {strides = array<i32>} : memref<3840xf32, #tpu.memory_space<vmem>>, vector<16xf32>,
    %add3A_931 = arith.addi %gather3A_922, %add3A_454 : vector<16xi32>
    %gather3A_932 = tpu.vector_load_idx %arg7[%add3A_931] : memref<400xf32, #tpu.memory_space<vmem>>[vector<16xi32>], vector<16xf32>,
    %swap3A_933 = arith.constant 3024 : index
    %swap3A_934 = tpu.vector_load %arg10[%swap3A_933] {strides = array<i32>} : memref<3840xf32, #tpu.memory_space<vmem>>, vector<16xf32>,
    tpu.vector_store %arg10[%swap3A_933], %gather3A_932 {strides = array<i32>} : memref<3840xf32, #tpu.memory_space<vmem>>, vector<16xf32>,
    %add3A_935 = arith.constant 96 : i32
    %add3A_936 = vector.broadcast %add3A_935 : i32 to vector<16xi32>
    %add3A_937 = arith.addi %get3A_371, %add3A_936 : vector<16xi32>
    %gather3A_938 = tpu.vector_load_idx %arg9[%add3A_937] : memref<256xi32, #tpu.memory_space<vmem>>[vector<16xi32>], vector<16xi32>,
    %add3A_939 = arith.addi %gather3A_938, %add3A_384 : vector<16xi32>
    %gather3A_940 = tpu.vector_load_idx %arg7[%add3A_939] : memref<400xf32, #tpu.memory_space<vmem>>[vector<16xi32>], vector<16xf32>,
    %swap3A_941 = arith.constant 480 : index
    %swap3A_942 = tpu.vector_load %arg10[%swap3A_941] {strides = array<i32>} : memref<3840xf32, #tpu.memory_space<vmem>>, vector<16xf32>,
    tpu.vector_store %arg10[%swap3A_941], %gather3A_940 {strides = array<i32>} : memref<3840xf32, #tpu.memory_space<vmem>>, vector<16xf32>,
    %add3A_943 = arith.addi %gather3A_938, %add3A_389 : vector<16xi32>
    %gather3A_944 = tpu.vector_load_idx %arg7[%add3A_943] : memref<400xf32, #tpu.memory_space<vmem>>[vector<16xi32>], vector<16xf32>,
    %swap3A_945 = arith.constant 1760 : index
    %swap3A_946 = tpu.vector_load %arg10[%swap3A_945] {strides = array<i32>} : memref<3840xf32, #tpu.memory_space<vmem>>, vector<16xf32>,
    tpu.vector_store %arg10[%swap3A_945], %gather3A_944 {strides = array<i32>} : memref<3840xf32, #tpu.memory_space<vmem>>, vector<16xf32>,
    %add3A_947 = arith.addi %gather3A_938, %add3A_394 : vector<16xi32>
    %gather3A_948 = tpu.vector_load_idx %arg7[%add3A_947] : memref<400xf32, #tpu.memory_space<vmem>>[vector<16xi32>], vector<16xf32>,
    %swap3A_949 = arith.constant 3040 : index
    %swap3A_950 = tpu.vector_load %arg10[%swap3A_949] {strides = array<i32>} : memref<3840xf32, #tpu.memory_space<vmem>>, vector<16xf32>,
    tpu.vector_store %arg10[%swap3A_949], %gather3A_948 {strides = array<i32>} : memref<3840xf32, #tpu.memory_space<vmem>>, vector<16xf32>,
    %add3A_951 = arith.constant 96 : i32
    %add3A_952 = vector.broadcast %add3A_951 : i32 to vector<16xi32>
    %add3A_953 = arith.addi %get3A_373, %add3A_952 : vector<16xi32>
    %gather3A_954 = tpu.vector_load_idx %arg9[%add3A_953] : memref<256xi32, #tpu.memory_space<vmem>>[vector<16xi32>], vector<16xi32>,
    %add3A_955 = arith.addi %gather3A_954, %add3A_399 : vector<16xi32>
    %gather3A_956 = tpu.vector_load_idx %arg7[%add3A_955] : memref<400xf32, #tpu.memory_space<vmem>>[vector<16xi32>], vector<16xf32>,
    %swap3A_957 = arith.constant 496 : index
    %swap3A_958 = tpu.vector_load %arg10[%swap3A_957] {strides = array<i32>} : memref<3840xf32, #tpu.memory_space<vmem>>, vector<16xf32>,
    tpu.vector_store %arg10[%swap3A_957], %gather3A_956 {strides = array<i32>} : memref<3840xf32, #tpu.memory_space<vmem>>, vector<16xf32>,
    %add3A_959 = arith.addi %gather3A_954, %add3A_404 : vector<16xi32>
    %gather3A_960 = tpu.vector_load_idx %arg7[%add3A_959] : memref<400xf32, #tpu.memory_space<vmem>>[vector<16xi32>], vector<16xf32>,
    %swap3A_961 = arith.constant 1776 : index
    %swap3A_962 = tpu.vector_load %arg10[%swap3A_961] {strides = array<i32>} : memref<3840xf32, #tpu.memory_space<vmem>>, vector<16xf32>,
    tpu.vector_store %arg10[%swap3A_961], %gather3A_960 {strides = array<i32>} : memref<3840xf32, #tpu.memory_space<vmem>>, vector<16xf32>,
    %add3A_963 = arith.addi %gather3A_954, %add3A_409 : vector<16xi32>
    %gather3A_964 = tpu.vector_load_idx %arg7[%add3A_963] : memref<400xf32, #tpu.memory_space<vmem>>[vector<16xi32>], vector<16xf32>,
    %swap3A_965 = arith.constant 3056 : index
    %swap3A_966 = tpu.vector_load %arg10[%swap3A_965] {strides = array<i32>} : memref<3840xf32, #tpu.memory_space<vmem>>, vector<16xf32>,
    tpu.vector_store %arg10[%swap3A_965], %gather3A_964 {strides = array<i32>} : memref<3840xf32, #tpu.memory_space<vmem>>, vector<16xf32>,
    %add3A_967 = arith.constant 96 : i32
    %add3A_968 = vector.broadcast %add3A_967 : i32 to vector<16xi32>
    %add3A_969 = arith.addi %get3A_375, %add3A_968 : vector<16xi32>
    %gather3A_970 = tpu.vector_load_idx %arg9[%add3A_969] : memref<256xi32, #tpu.memory_space<vmem>>[vector<16xi32>], vector<16xi32>,
    %add3A_971 = arith.addi %gather3A_970, %add3A_414 : vector<16xi32>
    %gather3A_972 = tpu.vector_load_idx %arg7[%add3A_971] : memref<400xf32, #tpu.memory_space<vmem>>[vector<16xi32>], vector<16xf32>,
    %swap3A_973 = arith.constant 512 : index
    %swap3A_974 = tpu.vector_load %arg10[%swap3A_973] {strides = array<i32>} : memref<3840xf32, #tpu.memory_space<vmem>>, vector<16xf32>,
    tpu.vector_store %arg10[%swap3A_973], %gather3A_972 {strides = array<i32>} : memref<3840xf32, #tpu.memory_space<vmem>>, vector<16xf32>,
    %add3A_975 = arith.addi %gather3A_970, %add3A_419 : vector<16xi32>
    %gather3A_976 = tpu.vector_load_idx %arg7[%add3A_975] : memref<400xf32, #tpu.memory_space<vmem>>[vector<16xi32>], vector<16xf32>,
    %swap3A_977 = arith.constant 1792 : index
    %swap3A_978 = tpu.vector_load %arg10[%swap3A_977] {strides = array<i32>} : memref<3840xf32, #tpu.memory_space<vmem>>, vector<16xf32>,
    tpu.vector_store %arg10[%swap3A_977], %gather3A_976 {strides = array<i32>} : memref<3840xf32, #tpu.memory_space<vmem>>, vector<16xf32>,
    %add3A_979 = arith.addi %gather3A_970, %add3A_424 : vector<16xi32>
    %gather3A_980 = tpu.vector_load_idx %arg7[%add3A_979] : memref<400xf32, #tpu.memory_space<vmem>>[vector<16xi32>], vector<16xf32>,
    %swap3A_981 = arith.constant 3072 : index
    %swap3A_982 = tpu.vector_load %arg10[%swap3A_981] {strides = array<i32>} : memref<3840xf32, #tpu.memory_space<vmem>>, vector<16xf32>,
    tpu.vector_store %arg10[%swap3A_981], %gather3A_980 {strides = array<i32>} : memref<3840xf32, #tpu.memory_space<vmem>>, vector<16xf32>,
    %add3A_983 = arith.constant 96 : i32
    %add3A_984 = vector.broadcast %add3A_983 : i32 to vector<16xi32>
    %add3A_985 = arith.addi %get3A_377, %add3A_984 : vector<16xi32>
    %gather3A_986 = tpu.vector_load_idx %arg9[%add3A_985] : memref<256xi32, #tpu.memory_space<vmem>>[vector<16xi32>], vector<16xi32>,
    %add3A_987 = arith.addi %gather3A_986, %add3A_429 : vector<16xi32>
    %gather3A_988 = tpu.vector_load_idx %arg7[%add3A_987] : memref<400xf32, #tpu.memory_space<vmem>>[vector<16xi32>], vector<16xf32>,
    %swap3A_989 = arith.constant 528 : index
    %swap3A_990 = tpu.vector_load %arg10[%swap3A_989] {strides = array<i32>} : memref<3840xf32, #tpu.memory_space<vmem>>, vector<16xf32>,
    tpu.vector_store %arg10[%swap3A_989], %gather3A_988 {strides = array<i32>} : memref<3840xf32, #tpu.memory_space<vmem>>, vector<16xf32>,
    %add3A_991 = arith.addi %gather3A_986, %add3A_434 : vector<16xi32>
    %gather3A_992 = tpu.vector_load_idx %arg7[%add3A_991] : memref<400xf32, #tpu.memory_space<vmem>>[vector<16xi32>], vector<16xf32>,
    %swap3A_993 = arith.constant 1808 : index
    %swap3A_994 = tpu.vector_load %arg10[%swap3A_993] {strides = array<i32>} : memref<3840xf32, #tpu.memory_space<vmem>>, vector<16xf32>,
    tpu.vector_store %arg10[%swap3A_993], %gather3A_992 {strides = array<i32>} : memref<3840xf32, #tpu.memory_space<vmem>>, vector<16xf32>,
    %add3A_995 = arith.addi %gather3A_986, %add3A_439 : vector<16xi32>
    %gather3A_996 = tpu.vector_load_idx %arg7[%add3A_995] : memref<400xf32, #tpu.memory_space<vmem>>[vector<16xi32>], vector<16xf32>,
    %swap3A_997 = arith.constant 3088 : index
    %swap3A_998 = tpu.vector_load %arg10[%swap3A_997] {strides = array<i32>} : memref<3840xf32, #tpu.memory_space<vmem>>, vector<16xf32>,
    tpu.vector_store %arg10[%swap3A_997], %gather3A_996 {strides = array<i32>} : memref<3840xf32, #tpu.memory_space<vmem>>, vector<16xf32>,
    %add3A_999 = arith.constant 96 : i32
    %add3A_1000 = vector.broadcast %add3A_999 : i32 to vector<16xi32>
    %add3A_1001 = arith.addi %get3A_379, %add3A_1000 : vector<16xi32>
    %gather3A_1002 = tpu.vector_load_idx %arg9[%add3A_1001] : memref<256xi32, #tpu.memory_space<vmem>>[vector<16xi32>], vector<16xi32>,
    %add3A_1003 = arith.addi %gather3A_1002, %add3A_444 : vector<16xi32>
    %gather3A_1004 = tpu.vector_load_idx %arg7[%add3A_1003] : memref<400xf32, #tpu.memory_space<vmem>>[vector<16xi32>], vector<16xf32>,
    %swap3A_1005 = arith.constant 544 : index
    %swap3A_1006 = tpu.vector_load %arg10[%swap3A_1005] {strides = array<i32>} : memref<3840xf32, #tpu.memory_space<vmem>>, vector<16xf32>,
    tpu.vector_store %arg10[%swap3A_1005], %gather3A_1004 {strides = array<i32>} : memref<3840xf32, #tpu.memory_space<vmem>>, vector<16xf32>,
    %add3A_1007 = arith.addi %gather3A_1002, %add3A_449 : vector<16xi32>
    %gather3A_1008 = tpu.vector_load_idx %arg7[%add3A_1007] : memref<400xf32, #tpu.memory_space<vmem>>[vector<16xi32>], vector<16xf32>,
    %swap3A_1009 = arith.constant 1824 : index
    %swap3A_1010 = tpu.vector_load %arg10[%swap3A_1009] {strides = array<i32>} : memref<3840xf32, #tpu.memory_space<vmem>>, vector<16xf32>,
    tpu.vector_store %arg10[%swap3A_1009], %gather3A_1008 {strides = array<i32>} : memref<3840xf32, #tpu.memory_space<vmem>>, vector<16xf32>,
    %add3A_1011 = arith.addi %gather3A_1002, %add3A_454 : vector<16xi32>
    %gather3A_1012 = tpu.vector_load_idx %arg7[%add3A_1011] : memref<400xf32, #tpu.memory_space<vmem>>[vector<16xi32>], vector<16xf32>,
    %swap3A_1013 = arith.constant 3104 : index
    %swap3A_1014 = tpu.vector_load %arg10[%swap3A_1013] {strides = array<i32>} : memref<3840xf32, #tpu.memory_space<vmem>>, vector<16xf32>,
    tpu.vector_store %arg10[%swap3A_1013], %gather3A_1012 {strides = array<i32>} : memref<3840xf32, #tpu.memory_space<vmem>>, vector<16xf32>,
    %add3A_1015 = arith.constant 112 : i32
    %add3A_1016 = vector.broadcast %add3A_1015 : i32 to vector<16xi32>
    %add3A_1017 = arith.addi %get3A_371, %add3A_1016 : vector<16xi32>
    %gather3A_1018 = tpu.vector_load_idx %arg9[%add3A_1017] : memref<256xi32, #tpu.memory_space<vmem>>[vector<16xi32>], vector<16xi32>,
    %add3A_1019 = arith.addi %gather3A_1018, %add3A_384 : vector<16xi32>
    %gather3A_1020 = tpu.vector_load_idx %arg7[%add3A_1019] : memref<400xf32, #tpu.memory_space<vmem>>[vector<16xi32>], vector<16xf32>,
    %swap3A_1021 = arith.constant 560 : index
    %swap3A_1022 = tpu.vector_load %arg10[%swap3A_1021] {strides = array<i32>} : memref<3840xf32, #tpu.memory_space<vmem>>, vector<16xf32>,
    tpu.vector_store %arg10[%swap3A_1021], %gather3A_1020 {strides = array<i32>} : memref<3840xf32, #tpu.memory_space<vmem>>, vector<16xf32>,
    %add3A_1023 = arith.addi %gather3A_1018, %add3A_389 : vector<16xi32>
    %gather3A_1024 = tpu.vector_load_idx %arg7[%add3A_1023] : memref<400xf32, #tpu.memory_space<vmem>>[vector<16xi32>], vector<16xf32>,
    %swap3A_1025 = arith.constant 1840 : index
    %swap3A_1026 = tpu.vector_load %arg10[%swap3A_1025] {strides = array<i32>} : memref<3840xf32, #tpu.memory_space<vmem>>, vector<16xf32>,
    tpu.vector_store %arg10[%swap3A_1025], %gather3A_1024 {strides = array<i32>} : memref<3840xf32, #tpu.memory_space<vmem>>, vector<16xf32>,
    %add3A_1027 = arith.addi %gather3A_1018, %add3A_394 : vector<16xi32>
    %gather3A_1028 = tpu.vector_load_idx %arg7[%add3A_1027] : memref<400xf32, #tpu.memory_space<vmem>>[vector<16xi32>], vector<16xf32>,
    %swap3A_1029 = arith.constant 3120 : index
    %swap3A_1030 = tpu.vector_load %arg10[%swap3A_1029] {strides = array<i32>} : memref<3840xf32, #tpu.memory_space<vmem>>, vector<16xf32>,
    tpu.vector_store %arg10[%swap3A_1029], %gather3A_1028 {strides = array<i32>} : memref<3840xf32, #tpu.memory_space<vmem>>, vector<16xf32>,
    %add3A_1031 = arith.constant 112 : i32
    %add3A_1032 = vector.broadcast %add3A_1031 : i32 to vector<16xi32>
    %add3A_1033 = arith.addi %get3A_373, %add3A_1032 : vector<16xi32>
    %gather3A_1034 = tpu.vector_load_idx %arg9[%add3A_1033] : memref<256xi32, #tpu.memory_space<vmem>>[vector<16xi32>], vector<16xi32>,
    %add3A_1035 = arith.addi %gather3A_1034, %add3A_399 : vector<16xi32>
    %gather3A_1036 = tpu.vector_load_idx %arg7[%add3A_1035] : memref<400xf32, #tpu.memory_space<vmem>>[vector<16xi32>], vector<16xf32>,
    %swap3A_1037 = arith.constant 576 : index
    %swap3A_1038 = tpu.vector_load %arg10[%swap3A_1037] {strides = array<i32>} : memref<3840xf32, #tpu.memory_space<vmem>>, vector<16xf32>,
    tpu.vector_store %arg10[%swap3A_1037], %gather3A_1036 {strides = array<i32>} : memref<3840xf32, #tpu.memory_space<vmem>>, vector<16xf32>,
    %add3A_1039 = arith.addi %gather3A_1034, %add3A_404 : vector<16xi32>
    %gather3A_1040 = tpu.vector_load_idx %arg7[%add3A_1039] : memref<400xf32, #tpu.memory_space<vmem>>[vector<16xi32>], vector<16xf32>,
    %swap3A_1041 = arith.constant 1856 : index
    %swap3A_1042 = tpu.vector_load %arg10[%swap3A_1041] {strides = array<i32>} : memref<3840xf32, #tpu.memory_space<vmem>>, vector<16xf32>,
    tpu.vector_store %arg10[%swap3A_1041], %gather3A_1040 {strides = array<i32>} : memref<3840xf32, #tpu.memory_space<vmem>>, vector<16xf32>,
    %add3A_1043 = arith.addi %gather3A_1034, %add3A_409 : vector<16xi32>
    %gather3A_1044 = tpu.vector_load_idx %arg7[%add3A_1043] : memref<400xf32, #tpu.memory_space<vmem>>[vector<16xi32>], vector<16xf32>,
    %swap3A_1045 = arith.constant 3136 : index
    %swap3A_1046 = tpu.vector_load %arg10[%swap3A_1045] {strides = array<i32>} : memref<3840xf32, #tpu.memory_space<vmem>>, vector<16xf32>,
    tpu.vector_store %arg10[%swap3A_1045], %gather3A_1044 {strides = array<i32>} : memref<3840xf32, #tpu.memory_space<vmem>>, vector<16xf32>,
    %add3A_1047 = arith.constant 112 : i32
    %add3A_1048 = vector.broadcast %add3A_1047 : i32 to vector<16xi32>
    %add3A_1049 = arith.addi %get3A_375, %add3A_1048 : vector<16xi32>
    %gather3A_1050 = tpu.vector_load_idx %arg9[%add3A_1049] : memref<256xi32, #tpu.memory_space<vmem>>[vector<16xi32>], vector<16xi32>,
    %add3A_1051 = arith.addi %gather3A_1050, %add3A_414 : vector<16xi32>
    %gather3A_1052 = tpu.vector_load_idx %arg7[%add3A_1051] : memref<400xf32, #tpu.memory_space<vmem>>[vector<16xi32>], vector<16xf32>,
    %swap3A_1053 = arith.constant 592 : index
    %swap3A_1054 = tpu.vector_load %arg10[%swap3A_1053] {strides = array<i32>} : memref<3840xf32, #tpu.memory_space<vmem>>, vector<16xf32>,
    tpu.vector_store %arg10[%swap3A_1053], %gather3A_1052 {strides = array<i32>} : memref<3840xf32, #tpu.memory_space<vmem>>, vector<16xf32>,
    %add3A_1055 = arith.addi %gather3A_1050, %add3A_419 : vector<16xi32>
    %gather3A_1056 = tpu.vector_load_idx %arg7[%add3A_1055] : memref<400xf32, #tpu.memory_space<vmem>>[vector<16xi32>], vector<16xf32>,
    %swap3A_1057 = arith.constant 1872 : index
    %swap3A_1058 = tpu.vector_load %arg10[%swap3A_1057] {strides = array<i32>} : memref<3840xf32, #tpu.memory_space<vmem>>, vector<16xf32>,
    tpu.vector_store %arg10[%swap3A_1057], %gather3A_1056 {strides = array<i32>} : memref<3840xf32, #tpu.memory_space<vmem>>, vector<16xf32>,
    %add3A_1059 = arith.addi %gather3A_1050, %add3A_424 : vector<16xi32>
    %gather3A_1060 = tpu.vector_load_idx %arg7[%add3A_1059] : memref<400xf32, #tpu.memory_space<vmem>>[vector<16xi32>], vector<16xf32>,
    %swap3A_1061 = arith.constant 3152 : index
    %swap3A_1062 = tpu.vector_load %arg10[%swap3A_1061] {strides = array<i32>} : memref<3840xf32, #tpu.memory_space<vmem>>, vector<16xf32>,
    tpu.vector_store %arg10[%swap3A_1061], %gather3A_1060 {strides = array<i32>} : memref<3840xf32, #tpu.memory_space<vmem>>, vector<16xf32>,
    %add3A_1063 = arith.constant 112 : i32
    %add3A_1064 = vector.broadcast %add3A_1063 : i32 to vector<16xi32>
    %add3A_1065 = arith.addi %get3A_377, %add3A_1064 : vector<16xi32>
    %gather3A_1066 = tpu.vector_load_idx %arg9[%add3A_1065] : memref<256xi32, #tpu.memory_space<vmem>>[vector<16xi32>], vector<16xi32>,
    %add3A_1067 = arith.addi %gather3A_1066, %add3A_429 : vector<16xi32>
    %gather3A_1068 = tpu.vector_load_idx %arg7[%add3A_1067] : memref<400xf32, #tpu.memory_space<vmem>>[vector<16xi32>], vector<16xf32>,
    %swap3A_1069 = arith.constant 608 : index
    %swap3A_1070 = tpu.vector_load %arg10[%swap3A_1069] {strides = array<i32>} : memref<3840xf32, #tpu.memory_space<vmem>>, vector<16xf32>,
    tpu.vector_store %arg10[%swap3A_1069], %gather3A_1068 {strides = array<i32>} : memref<3840xf32, #tpu.memory_space<vmem>>, vector<16xf32>,
    %add3A_1071 = arith.addi %gather3A_1066, %add3A_434 : vector<16xi32>
    %gather3A_1072 = tpu.vector_load_idx %arg7[%add3A_1071] : memref<400xf32, #tpu.memory_space<vmem>>[vector<16xi32>], vector<16xf32>,
    %swap3A_1073 = arith.constant 1888 : index
    %swap3A_1074 = tpu.vector_load %arg10[%swap3A_1073] {strides = array<i32>} : memref<3840xf32, #tpu.memory_space<vmem>>, vector<16xf32>,
    tpu.vector_store %arg10[%swap3A_1073], %gather3A_1072 {strides = array<i32>} : memref<3840xf32, #tpu.memory_space<vmem>>, vector<16xf32>,
    %add3A_1075 = arith.addi %gather3A_1066, %add3A_439 : vector<16xi32>
    %gather3A_1076 = tpu.vector_load_idx %arg7[%add3A_1075] : memref<400xf32, #tpu.memory_space<vmem>>[vector<16xi32>], vector<16xf32>,
    %swap3A_1077 = arith.constant 3168 : index
    %swap3A_1078 = tpu.vector_load %arg10[%swap3A_1077] {strides = array<i32>} : memref<3840xf32, #tpu.memory_space<vmem>>, vector<16xf32>,
    tpu.vector_store %arg10[%swap3A_1077], %gather3A_1076 {strides = array<i32>} : memref<3840xf32, #tpu.memory_space<vmem>>, vector<16xf32>,
    %add3A_1079 = arith.constant 112 : i32
    %add3A_1080 = vector.broadcast %add3A_1079 : i32 to vector<16xi32>
    %add3A_1081 = arith.addi %get3A_379, %add3A_1080 : vector<16xi32>
    %gather3A_1082 = tpu.vector_load_idx %arg9[%add3A_1081] : memref<256xi32, #tpu.memory_space<vmem>>[vector<16xi32>], vector<16xi32>,
    %add3A_1083 = arith.addi %gather3A_1082, %add3A_444 : vector<16xi32>
    %gather3A_1084 = tpu.vector_load_idx %arg7[%add3A_1083] : memref<400xf32, #tpu.memory_space<vmem>>[vector<16xi32>], vector<16xf32>,
    %swap3A_1085 = arith.constant 624 : index
    %swap3A_1086 = tpu.vector_load %arg10[%swap3A_1085] {strides = array<i32>} : memref<3840xf32, #tpu.memory_space<vmem>>, vector<16xf32>,
    tpu.vector_store %arg10[%swap3A_1085], %gather3A_1084 {strides = array<i32>} : memref<3840xf32, #tpu.memory_space<vmem>>, vector<16xf32>,
    %add3A_1087 = arith.addi %gather3A_1082, %add3A_449 : vector<16xi32>
    %gather3A_1088 = tpu.vector_load_idx %arg7[%add3A_1087] : memref<400xf32, #tpu.memory_space<vmem>>[vector<16xi32>], vector<16xf32>,
    %swap3A_1089 = arith.constant 1904 : index
    %swap3A_1090 = tpu.vector_load %arg10[%swap3A_1089] {strides = array<i32>} : memref<3840xf32, #tpu.memory_space<vmem>>, vector<16xf32>,
    tpu.vector_store %arg10[%swap3A_1089], %gather3A_1088 {strides = array<i32>} : memref<3840xf32, #tpu.memory_space<vmem>>, vector<16xf32>,
    %add3A_1091 = arith.addi %gather3A_1082, %add3A_454 : vector<16xi32>
    %gather3A_1092 = tpu.vector_load_idx %arg7[%add3A_1091] : memref<400xf32, #tpu.memory_space<vmem>>[vector<16xi32>], vector<16xf32>,
    %swap3A_1093 = arith.constant 3184 : index
    %swap3A_1094 = tpu.vector_load %arg10[%swap3A_1093] {strides = array<i32>} : memref<3840xf32, #tpu.memory_space<vmem>>, vector<16xf32>,
    tpu.vector_store %arg10[%swap3A_1093], %gather3A_1092 {strides = array<i32>} : memref<3840xf32, #tpu.memory_space<vmem>>, vector<16xf32>,
    %add3A_1095 = arith.constant 128 : i32
    %add3A_1096 = vector.broadcast %add3A_1095 : i32 to vector<16xi32>
    %add3A_1097 = arith.addi %get3A_371, %add3A_1096 : vector<16xi32>
    %gather3A_1098 = tpu.vector_load_idx %arg9[%add3A_1097] : memref<256xi32, #tpu.memory_space<vmem>>[vector<16xi32>], vector<16xi32>,
    %add3A_1099 = arith.addi %gather3A_1098, %add3A_384 : vector<16xi32>
    %gather3A_1100 = tpu.vector_load_idx %arg7[%add3A_1099] : memref<400xf32, #tpu.memory_space<vmem>>[vector<16xi32>], vector<16xf32>,
    %swap3A_1101 = arith.constant 640 : index
    %swap3A_1102 = tpu.vector_load %arg10[%swap3A_1101] {strides = array<i32>} : memref<3840xf32, #tpu.memory_space<vmem>>, vector<16xf32>,
    tpu.vector_store %arg10[%swap3A_1101], %gather3A_1100 {strides = array<i32>} : memref<3840xf32, #tpu.memory_space<vmem>>, vector<16xf32>,
    %add3A_1103 = arith.addi %gather3A_1098, %add3A_389 : vector<16xi32>
    %gather3A_1104 = tpu.vector_load_idx %arg7[%add3A_1103] : memref<400xf32, #tpu.memory_space<vmem>>[vector<16xi32>], vector<16xf32>,
    %swap3A_1105 = arith.constant 1920 : index
    %swap3A_1106 = tpu.vector_load %arg10[%swap3A_1105] {strides = array<i32>} : memref<3840xf32, #tpu.memory_space<vmem>>, vector<16xf32>,
    tpu.vector_store %arg10[%swap3A_1105], %gather3A_1104 {strides = array<i32>} : memref<3840xf32, #tpu.memory_space<vmem>>, vector<16xf32>,
    %add3A_1107 = arith.addi %gather3A_1098, %add3A_394 : vector<16xi32>
    %gather3A_1108 = tpu.vector_load_idx %arg7[%add3A_1107] : memref<400xf32, #tpu.memory_space<vmem>>[vector<16xi32>], vector<16xf32>,
    %swap3A_1109 = arith.constant 3200 : index
    %swap3A_1110 = tpu.vector_load %arg10[%swap3A_1109] {strides = array<i32>} : memref<3840xf32, #tpu.memory_space<vmem>>, vector<16xf32>,
    tpu.vector_store %arg10[%swap3A_1109], %gather3A_1108 {strides = array<i32>} : memref<3840xf32, #tpu.memory_space<vmem>>, vector<16xf32>,
    %add3A_1111 = arith.constant 128 : i32
    %add3A_1112 = vector.broadcast %add3A_1111 : i32 to vector<16xi32>
    %add3A_1113 = arith.addi %get3A_373, %add3A_1112 : vector<16xi32>
    %gather3A_1114 = tpu.vector_load_idx %arg9[%add3A_1113] : memref<256xi32, #tpu.memory_space<vmem>>[vector<16xi32>], vector<16xi32>,
    %add3A_1115 = arith.addi %gather3A_1114, %add3A_399 : vector<16xi32>
    %gather3A_1116 = tpu.vector_load_idx %arg7[%add3A_1115] : memref<400xf32, #tpu.memory_space<vmem>>[vector<16xi32>], vector<16xf32>,
    %swap3A_1117 = arith.constant 656 : index
    %swap3A_1118 = tpu.vector_load %arg10[%swap3A_1117] {strides = array<i32>} : memref<3840xf32, #tpu.memory_space<vmem>>, vector<16xf32>,
    tpu.vector_store %arg10[%swap3A_1117], %gather3A_1116 {strides = array<i32>} : memref<3840xf32, #tpu.memory_space<vmem>>, vector<16xf32>,
    %add3A_1119 = arith.addi %gather3A_1114, %add3A_404 : vector<16xi32>
    %gather3A_1120 = tpu.vector_load_idx %arg7[%add3A_1119] : memref<400xf32, #tpu.memory_space<vmem>>[vector<16xi32>], vector<16xf32>,
    %swap3A_1121 = arith.constant 1936 : index
    %swap3A_1122 = tpu.vector_load %arg10[%swap3A_1121] {strides = array<i32>} : memref<3840xf32, #tpu.memory_space<vmem>>, vector<16xf32>,
    tpu.vector_store %arg10[%swap3A_1121], %gather3A_1120 {strides = array<i32>} : memref<3840xf32, #tpu.memory_space<vmem>>, vector<16xf32>,
    %add3A_1123 = arith.addi %gather3A_1114, %add3A_409 : vector<16xi32>
    %gather3A_1124 = tpu.vector_load_idx %arg7[%add3A_1123] : memref<400xf32, #tpu.memory_space<vmem>>[vector<16xi32>], vector<16xf32>,
    %swap3A_1125 = arith.constant 3216 : index
    %swap3A_1126 = tpu.vector_load %arg10[%swap3A_1125] {strides = array<i32>} : memref<3840xf32, #tpu.memory_space<vmem>>, vector<16xf32>,
    tpu.vector_store %arg10[%swap3A_1125], %gather3A_1124 {strides = array<i32>} : memref<3840xf32, #tpu.memory_space<vmem>>, vector<16xf32>,
    %add3A_1127 = arith.constant 128 : i32
    %add3A_1128 = vector.broadcast %add3A_1127 : i32 to vector<16xi32>
    %add3A_1129 = arith.addi %get3A_375, %add3A_1128 : vector<16xi32>
    %gather3A_1130 = tpu.vector_load_idx %arg9[%add3A_1129] : memref<256xi32, #tpu.memory_space<vmem>>[vector<16xi32>], vector<16xi32>,
    %add3A_1131 = arith.addi %gather3A_1130, %add3A_414 : vector<16xi32>
    %gather3A_1132 = tpu.vector_load_idx %arg7[%add3A_1131] : memref<400xf32, #tpu.memory_space<vmem>>[vector<16xi32>], vector<16xf32>,
    %swap3A_1133 = arith.constant 672 : index
    %swap3A_1134 = tpu.vector_load %arg10[%swap3A_1133] {strides = array<i32>} : memref<3840xf32, #tpu.memory_space<vmem>>, vector<16xf32>,
    tpu.vector_store %arg10[%swap3A_1133], %gather3A_1132 {strides = array<i32>} : memref<3840xf32, #tpu.memory_space<vmem>>, vector<16xf32>,
    %add3A_1135 = arith.addi %gather3A_1130, %add3A_419 : vector<16xi32>
    %gather3A_1136 = tpu.vector_load_idx %arg7[%add3A_1135] : memref<400xf32, #tpu.memory_space<vmem>>[vector<16xi32>], vector<16xf32>,
    %swap3A_1137 = arith.constant 1952 : index
    %swap3A_1138 = tpu.vector_load %arg10[%swap3A_1137] {strides = array<i32>} : memref<3840xf32, #tpu.memory_space<vmem>>, vector<16xf32>,
    tpu.vector_store %arg10[%swap3A_1137], %gather3A_1136 {strides = array<i32>} : memref<3840xf32, #tpu.memory_space<vmem>>, vector<16xf32>,
    %add3A_1139 = arith.addi %gather3A_1130, %add3A_424 : vector<16xi32>
    %gather3A_1140 = tpu.vector_load_idx %arg7[%add3A_1139] : memref<400xf32, #tpu.memory_space<vmem>>[vector<16xi32>], vector<16xf32>,
    %swap3A_1141 = arith.constant 3232 : index
    %swap3A_1142 = tpu.vector_load %arg10[%swap3A_1141] {strides = array<i32>} : memref<3840xf32, #tpu.memory_space<vmem>>, vector<16xf32>,
    tpu.vector_store %arg10[%swap3A_1141], %gather3A_1140 {strides = array<i32>} : memref<3840xf32, #tpu.memory_space<vmem>>, vector<16xf32>,
    %add3A_1143 = arith.constant 128 : i32
    %add3A_1144 = vector.broadcast %add3A_1143 : i32 to vector<16xi32>
    %add3A_1145 = arith.addi %get3A_377, %add3A_1144 : vector<16xi32>
    %gather3A_1146 = tpu.vector_load_idx %arg9[%add3A_1145] : memref<256xi32, #tpu.memory_space<vmem>>[vector<16xi32>], vector<16xi32>,
    %add3A_1147 = arith.addi %gather3A_1146, %add3A_429 : vector<16xi32>
    %gather3A_1148 = tpu.vector_load_idx %arg7[%add3A_1147] : memref<400xf32, #tpu.memory_space<vmem>>[vector<16xi32>], vector<16xf32>,
    %swap3A_1149 = arith.constant 688 : index
    %swap3A_1150 = tpu.vector_load %arg10[%swap3A_1149] {strides = array<i32>} : memref<3840xf32, #tpu.memory_space<vmem>>, vector<16xf32>,
    tpu.vector_store %arg10[%swap3A_1149], %gather3A_1148 {strides = array<i32>} : memref<3840xf32, #tpu.memory_space<vmem>>, vector<16xf32>,
    %add3A_1151 = arith.addi %gather3A_1146, %add3A_434 : vector<16xi32>
    %gather3A_1152 = tpu.vector_load_idx %arg7[%add3A_1151] : memref<400xf32, #tpu.memory_space<vmem>>[vector<16xi32>], vector<16xf32>,
    %swap3A_1153 = arith.constant 1968 : index
    %swap3A_1154 = tpu.vector_load %arg10[%swap3A_1153] {strides = array<i32>} : memref<3840xf32, #tpu.memory_space<vmem>>, vector<16xf32>,
    tpu.vector_store %arg10[%swap3A_1153], %gather3A_1152 {strides = array<i32>} : memref<3840xf32, #tpu.memory_space<vmem>>, vector<16xf32>,
    %add3A_1155 = arith.addi %gather3A_1146, %add3A_439 : vector<16xi32>
    %gather3A_1156 = tpu.vector_load_idx %arg7[%add3A_1155] : memref<400xf32, #tpu.memory_space<vmem>>[vector<16xi32>], vector<16xf32>,
    %swap3A_1157 = arith.constant 3248 : index
    %swap3A_1158 = tpu.vector_load %arg10[%swap3A_1157] {strides = array<i32>} : memref<3840xf32, #tpu.memory_space<vmem>>, vector<16xf32>,
    tpu.vector_store %arg10[%swap3A_1157], %gather3A_1156 {strides = array<i32>} : memref<3840xf32, #tpu.memory_space<vmem>>, vector<16xf32>,
    %add3A_1159 = arith.constant 128 : i32
    %add3A_1160 = vector.broadcast %add3A_1159 : i32 to vector<16xi32>
    %add3A_1161 = arith.addi %get3A_379, %add3A_1160 : vector<16xi32>
    %gather3A_1162 = tpu.vector_load_idx %arg9[%add3A_1161] : memref<256xi32, #tpu.memory_space<vmem>>[vector<16xi32>], vector<16xi32>,
    %add3A_1163 = arith.addi %gather3A_1162, %add3A_444 : vector<16xi32>
    %gather3A_1164 = tpu.vector_load_idx %arg7[%add3A_1163] : memref<400xf32, #tpu.memory_space<vmem>>[vector<16xi32>], vector<16xf32>,
    %swap3A_1165 = arith.constant 704 : index
    %swap3A_1166 = tpu.vector_load %arg10[%swap3A_1165] {strides = array<i32>} : memref<3840xf32, #tpu.memory_space<vmem>>, vector<16xf32>,
    tpu.vector_store %arg10[%swap3A_1165], %gather3A_1164 {strides = array<i32>} : memref<3840xf32, #tpu.memory_space<vmem>>, vector<16xf32>,
    %add3A_1167 = arith.addi %gather3A_1162, %add3A_449 : vector<16xi32>
    %gather3A_1168 = tpu.vector_load_idx %arg7[%add3A_1167] : memref<400xf32, #tpu.memory_space<vmem>>[vector<16xi32>], vector<16xf32>,
    %swap3A_1169 = arith.constant 1984 : index
    %swap3A_1170 = tpu.vector_load %arg10[%swap3A_1169] {strides = array<i32>} : memref<3840xf32, #tpu.memory_space<vmem>>, vector<16xf32>,
    tpu.vector_store %arg10[%swap3A_1169], %gather3A_1168 {strides = array<i32>} : memref<3840xf32, #tpu.memory_space<vmem>>, vector<16xf32>,
    %add3A_1171 = arith.addi %gather3A_1162, %add3A_454 : vector<16xi32>
    %gather3A_1172 = tpu.vector_load_idx %arg7[%add3A_1171] : memref<400xf32, #tpu.memory_space<vmem>>[vector<16xi32>], vector<16xf32>,
    %swap3A_1173 = arith.constant 3264 : index
    %swap3A_1174 = tpu.vector_load %arg10[%swap3A_1173] {strides = array<i32>} : memref<3840xf32, #tpu.memory_space<vmem>>, vector<16xf32>,
    tpu.vector_store %arg10[%swap3A_1173], %gather3A_1172 {strides = array<i32>} : memref<3840xf32, #tpu.memory_space<vmem>>, vector<16xf32>,
    %add3A_1175 = arith.constant 144 : i32
    %add3A_1176 = vector.broadcast %add3A_1175 : i32 to vector<16xi32>
    %add3A_1177 = arith.addi %get3A_371, %add3A_1176 : vector<16xi32>
    %gather3A_1178 = tpu.vector_load_idx %arg9[%add3A_1177] : memref<256xi32, #tpu.memory_space<vmem>>[vector<16xi32>], vector<16xi32>,
    %add3A_1179 = arith.addi %gather3A_1178, %add3A_384 : vector<16xi32>
    %gather3A_1180 = tpu.vector_load_idx %arg7[%add3A_1179] : memref<400xf32, #tpu.memory_space<vmem>>[vector<16xi32>], vector<16xf32>,
    %swap3A_1181 = arith.constant 720 : index
    %swap3A_1182 = tpu.vector_load %arg10[%swap3A_1181] {strides = array<i32>} : memref<3840xf32, #tpu.memory_space<vmem>>, vector<16xf32>,
    tpu.vector_store %arg10[%swap3A_1181], %gather3A_1180 {strides = array<i32>} : memref<3840xf32, #tpu.memory_space<vmem>>, vector<16xf32>,
    %add3A_1183 = arith.addi %gather3A_1178, %add3A_389 : vector<16xi32>
    %gather3A_1184 = tpu.vector_load_idx %arg7[%add3A_1183] : memref<400xf32, #tpu.memory_space<vmem>>[vector<16xi32>], vector<16xf32>,
    %swap3A_1185 = arith.constant 2000 : index
    %swap3A_1186 = tpu.vector_load %arg10[%swap3A_1185] {strides = array<i32>} : memref<3840xf32, #tpu.memory_space<vmem>>, vector<16xf32>,
    tpu.vector_store %arg10[%swap3A_1185], %gather3A_1184 {strides = array<i32>} : memref<3840xf32, #tpu.memory_space<vmem>>, vector<16xf32>,
    %add3A_1187 = arith.addi %gather3A_1178, %add3A_394 : vector<16xi32>
    %gather3A_1188 = tpu.vector_load_idx %arg7[%add3A_1187] : memref<400xf32, #tpu.memory_space<vmem>>[vector<16xi32>], vector<16xf32>,
    %swap3A_1189 = arith.constant 3280 : index
    %swap3A_1190 = tpu.vector_load %arg10[%swap3A_1189] {strides = array<i32>} : memref<3840xf32, #tpu.memory_space<vmem>>, vector<16xf32>,
    tpu.vector_store %arg10[%swap3A_1189], %gather3A_1188 {strides = array<i32>} : memref<3840xf32, #tpu.memory_space<vmem>>, vector<16xf32>,
    %add3A_1191 = arith.constant 144 : i32
    %add3A_1192 = vector.broadcast %add3A_1191 : i32 to vector<16xi32>
    %add3A_1193 = arith.addi %get3A_373, %add3A_1192 : vector<16xi32>
    %gather3A_1194 = tpu.vector_load_idx %arg9[%add3A_1193] : memref<256xi32, #tpu.memory_space<vmem>>[vector<16xi32>], vector<16xi32>,
    %add3A_1195 = arith.addi %gather3A_1194, %add3A_399 : vector<16xi32>
    %gather3A_1196 = tpu.vector_load_idx %arg7[%add3A_1195] : memref<400xf32, #tpu.memory_space<vmem>>[vector<16xi32>], vector<16xf32>,
    %swap3A_1197 = arith.constant 736 : index
    %swap3A_1198 = tpu.vector_load %arg10[%swap3A_1197] {strides = array<i32>} : memref<3840xf32, #tpu.memory_space<vmem>>, vector<16xf32>,
    tpu.vector_store %arg10[%swap3A_1197], %gather3A_1196 {strides = array<i32>} : memref<3840xf32, #tpu.memory_space<vmem>>, vector<16xf32>,
    %add3A_1199 = arith.addi %gather3A_1194, %add3A_404 : vector<16xi32>
    %gather3A_1200 = tpu.vector_load_idx %arg7[%add3A_1199] : memref<400xf32, #tpu.memory_space<vmem>>[vector<16xi32>], vector<16xf32>,
    %swap3A_1201 = arith.constant 2016 : index
    %swap3A_1202 = tpu.vector_load %arg10[%swap3A_1201] {strides = array<i32>} : memref<3840xf32, #tpu.memory_space<vmem>>, vector<16xf32>,
    tpu.vector_store %arg10[%swap3A_1201], %gather3A_1200 {strides = array<i32>} : memref<3840xf32, #tpu.memory_space<vmem>>, vector<16xf32>,
    %add3A_1203 = arith.addi %gather3A_1194, %add3A_409 : vector<16xi32>
    %gather3A_1204 = tpu.vector_load_idx %arg7[%add3A_1203] : memref<400xf32, #tpu.memory_space<vmem>>[vector<16xi32>], vector<16xf32>,
    %swap3A_1205 = arith.constant 3296 : index
    %swap3A_1206 = tpu.vector_load %arg10[%swap3A_1205] {strides = array<i32>} : memref<3840xf32, #tpu.memory_space<vmem>>, vector<16xf32>,
    tpu.vector_store %arg10[%swap3A_1205], %gather3A_1204 {strides = array<i32>} : memref<3840xf32, #tpu.memory_space<vmem>>, vector<16xf32>,
    %add3A_1207 = arith.constant 144 : i32
    %add3A_1208 = vector.broadcast %add3A_1207 : i32 to vector<16xi32>
    %add3A_1209 = arith.addi %get3A_375, %add3A_1208 : vector<16xi32>
    %gather3A_1210 = tpu.vector_load_idx %arg9[%add3A_1209] : memref<256xi32, #tpu.memory_space<vmem>>[vector<16xi32>], vector<16xi32>,
    %add3A_1211 = arith.addi %gather3A_1210, %add3A_414 : vector<16xi32>
    %gather3A_1212 = tpu.vector_load_idx %arg7[%add3A_1211] : memref<400xf32, #tpu.memory_space<vmem>>[vector<16xi32>], vector<16xf32>,
    %swap3A_1213 = arith.constant 752 : index
    %swap3A_1214 = tpu.vector_load %arg10[%swap3A_1213] {strides = array<i32>} : memref<3840xf32, #tpu.memory_space<vmem>>, vector<16xf32>,
    tpu.vector_store %arg10[%swap3A_1213], %gather3A_1212 {strides = array<i32>} : memref<3840xf32, #tpu.memory_space<vmem>>, vector<16xf32>,
    %add3A_1215 = arith.addi %gather3A_1210, %add3A_419 : vector<16xi32>
    %gather3A_1216 = tpu.vector_load_idx %arg7[%add3A_1215] : memref<400xf32, #tpu.memory_space<vmem>>[vector<16xi32>], vector<16xf32>,
    %swap3A_1217 = arith.constant 2032 : index
    %swap3A_1218 = tpu.vector_load %arg10[%swap3A_1217] {strides = array<i32>} : memref<3840xf32, #tpu.memory_space<vmem>>, vector<16xf32>,
    tpu.vector_store %arg10[%swap3A_1217], %gather3A_1216 {strides = array<i32>} : memref<3840xf32, #tpu.memory_space<vmem>>, vector<16xf32>,
    %add3A_1219 = arith.addi %gather3A_1210, %add3A_424 : vector<16xi32>
    %gather3A_1220 = tpu.vector_load_idx %arg7[%add3A_1219] : memref<400xf32, #tpu.memory_space<vmem>>[vector<16xi32>], vector<16xf32>,
    %swap3A_1221 = arith.constant 3312 : index
    %swap3A_1222 = tpu.vector_load %arg10[%swap3A_1221] {strides = array<i32>} : memref<3840xf32, #tpu.memory_space<vmem>>, vector<16xf32>,
    tpu.vector_store %arg10[%swap3A_1221], %gather3A_1220 {strides = array<i32>} : memref<3840xf32, #tpu.memory_space<vmem>>, vector<16xf32>,
    %add3A_1223 = arith.constant 144 : i32
    %add3A_1224 = vector.broadcast %add3A_1223 : i32 to vector<16xi32>
    %add3A_1225 = arith.addi %get3A_377, %add3A_1224 : vector<16xi32>
    %gather3A_1226 = tpu.vector_load_idx %arg9[%add3A_1225] : memref<256xi32, #tpu.memory_space<vmem>>[vector<16xi32>], vector<16xi32>,
    %add3A_1227 = arith.addi %gather3A_1226, %add3A_429 : vector<16xi32>
    %gather3A_1228 = tpu.vector_load_idx %arg7[%add3A_1227] : memref<400xf32, #tpu.memory_space<vmem>>[vector<16xi32>], vector<16xf32>,
    %swap3A_1229 = arith.constant 768 : index
    %swap3A_1230 = tpu.vector_load %arg10[%swap3A_1229] {strides = array<i32>} : memref<3840xf32, #tpu.memory_space<vmem>>, vector<16xf32>,
    tpu.vector_store %arg10[%swap3A_1229], %gather3A_1228 {strides = array<i32>} : memref<3840xf32, #tpu.memory_space<vmem>>, vector<16xf32>,
    %add3A_1231 = arith.addi %gather3A_1226, %add3A_434 : vector<16xi32>
    %gather3A_1232 = tpu.vector_load_idx %arg7[%add3A_1231] : memref<400xf32, #tpu.memory_space<vmem>>[vector<16xi32>], vector<16xf32>,
    %swap3A_1233 = arith.constant 2048 : index
    %swap3A_1234 = tpu.vector_load %arg10[%swap3A_1233] {strides = array<i32>} : memref<3840xf32, #tpu.memory_space<vmem>>, vector<16xf32>,
    tpu.vector_store %arg10[%swap3A_1233], %gather3A_1232 {strides = array<i32>} : memref<3840xf32, #tpu.memory_space<vmem>>, vector<16xf32>,
    %add3A_1235 = arith.addi %gather3A_1226, %add3A_439 : vector<16xi32>
    %gather3A_1236 = tpu.vector_load_idx %arg7[%add3A_1235] : memref<400xf32, #tpu.memory_space<vmem>>[vector<16xi32>], vector<16xf32>,
    %swap3A_1237 = arith.constant 3328 : index
    %swap3A_1238 = tpu.vector_load %arg10[%swap3A_1237] {strides = array<i32>} : memref<3840xf32, #tpu.memory_space<vmem>>, vector<16xf32>,
    tpu.vector_store %arg10[%swap3A_1237], %gather3A_1236 {strides = array<i32>} : memref<3840xf32, #tpu.memory_space<vmem>>, vector<16xf32>,
    %add3A_1239 = arith.constant 144 : i32
    %add3A_1240 = vector.broadcast %add3A_1239 : i32 to vector<16xi32>
    %add3A_1241 = arith.addi %get3A_379, %add3A_1240 : vector<16xi32>
    %gather3A_1242 = tpu.vector_load_idx %arg9[%add3A_1241] : memref<256xi32, #tpu.memory_space<vmem>>[vector<16xi32>], vector<16xi32>,
    %add3A_1243 = arith.addi %gather3A_1242, %add3A_444 : vector<16xi32>
    %gather3A_1244 = tpu.vector_load_idx %arg7[%add3A_1243] : memref<400xf32, #tpu.memory_space<vmem>>[vector<16xi32>], vector<16xf32>,
    %swap3A_1245 = arith.constant 784 : index
    %swap3A_1246 = tpu.vector_load %arg10[%swap3A_1245] {strides = array<i32>} : memref<3840xf32, #tpu.memory_space<vmem>>, vector<16xf32>,
    tpu.vector_store %arg10[%swap3A_1245], %gather3A_1244 {strides = array<i32>} : memref<3840xf32, #tpu.memory_space<vmem>>, vector<16xf32>,
    %add3A_1247 = arith.addi %gather3A_1242, %add3A_449 : vector<16xi32>
    %gather3A_1248 = tpu.vector_load_idx %arg7[%add3A_1247] : memref<400xf32, #tpu.memory_space<vmem>>[vector<16xi32>], vector<16xf32>,
    %swap3A_1249 = arith.constant 2064 : index
    %swap3A_1250 = tpu.vector_load %arg10[%swap3A_1249] {strides = array<i32>} : memref<3840xf32, #tpu.memory_space<vmem>>, vector<16xf32>,
    tpu.vector_store %arg10[%swap3A_1249], %gather3A_1248 {strides = array<i32>} : memref<3840xf32, #tpu.memory_space<vmem>>, vector<16xf32>,
    %add3A_1251 = arith.addi %gather3A_1242, %add3A_454 : vector<16xi32>
    %gather3A_1252 = tpu.vector_load_idx %arg7[%add3A_1251] : memref<400xf32, #tpu.memory_space<vmem>>[vector<16xi32>], vector<16xf32>,
    %swap3A_1253 = arith.constant 3344 : index
    %swap3A_1254 = tpu.vector_load %arg10[%swap3A_1253] {strides = array<i32>} : memref<3840xf32, #tpu.memory_space<vmem>>, vector<16xf32>,
    tpu.vector_store %arg10[%swap3A_1253], %gather3A_1252 {strides = array<i32>} : memref<3840xf32, #tpu.memory_space<vmem>>, vector<16xf32>,
    %add3A_1255 = arith.constant 160 : i32
    %add3A_1256 = vector.broadcast %add3A_1255 : i32 to vector<16xi32>
    %add3A_1257 = arith.addi %get3A_371, %add3A_1256 : vector<16xi32>
    %gather3A_1258 = tpu.vector_load_idx %arg9[%add3A_1257] : memref<256xi32, #tpu.memory_space<vmem>>[vector<16xi32>], vector<16xi32>,
    %add3A_1259 = arith.addi %gather3A_1258, %add3A_384 : vector<16xi32>
    %gather3A_1260 = tpu.vector_load_idx %arg7[%add3A_1259] : memref<400xf32, #tpu.memory_space<vmem>>[vector<16xi32>], vector<16xf32>,
    %swap3A_1261 = arith.constant 800 : index
    %swap3A_1262 = tpu.vector_load %arg10[%swap3A_1261] {strides = array<i32>} : memref<3840xf32, #tpu.memory_space<vmem>>, vector<16xf32>,
    tpu.vector_store %arg10[%swap3A_1261], %gather3A_1260 {strides = array<i32>} : memref<3840xf32, #tpu.memory_space<vmem>>, vector<16xf32>,
    %add3A_1263 = arith.addi %gather3A_1258, %add3A_389 : vector<16xi32>
    %gather3A_1264 = tpu.vector_load_idx %arg7[%add3A_1263] : memref<400xf32, #tpu.memory_space<vmem>>[vector<16xi32>], vector<16xf32>,
    %swap3A_1265 = arith.constant 2080 : index
    %swap3A_1266 = tpu.vector_load %arg10[%swap3A_1265] {strides = array<i32>} : memref<3840xf32, #tpu.memory_space<vmem>>, vector<16xf32>,
    tpu.vector_store %arg10[%swap3A_1265], %gather3A_1264 {strides = array<i32>} : memref<3840xf32, #tpu.memory_space<vmem>>, vector<16xf32>,
    %add3A_1267 = arith.addi %gather3A_1258, %add3A_394 : vector<16xi32>
    %gather3A_1268 = tpu.vector_load_idx %arg7[%add3A_1267] : memref<400xf32, #tpu.memory_space<vmem>>[vector<16xi32>], vector<16xf32>,
    %swap3A_1269 = arith.constant 3360 : index
    %swap3A_1270 = tpu.vector_load %arg10[%swap3A_1269] {strides = array<i32>} : memref<3840xf32, #tpu.memory_space<vmem>>, vector<16xf32>,
    tpu.vector_store %arg10[%swap3A_1269], %gather3A_1268 {strides = array<i32>} : memref<3840xf32, #tpu.memory_space<vmem>>, vector<16xf32>,
    %add3A_1271 = arith.constant 160 : i32
    %add3A_1272 = vector.broadcast %add3A_1271 : i32 to vector<16xi32>
    %add3A_1273 = arith.addi %get3A_373, %add3A_1272 : vector<16xi32>
    %gather3A_1274 = tpu.vector_load_idx %arg9[%add3A_1273] : memref<256xi32, #tpu.memory_space<vmem>>[vector<16xi32>], vector<16xi32>,
    %add3A_1275 = arith.addi %gather3A_1274, %add3A_399 : vector<16xi32>
    %gather3A_1276 = tpu.vector_load_idx %arg7[%add3A_1275] : memref<400xf32, #tpu.memory_space<vmem>>[vector<16xi32>], vector<16xf32>,
    %swap3A_1277 = arith.constant 816 : index
    %swap3A_1278 = tpu.vector_load %arg10[%swap3A_1277] {strides = array<i32>} : memref<3840xf32, #tpu.memory_space<vmem>>, vector<16xf32>,
    tpu.vector_store %arg10[%swap3A_1277], %gather3A_1276 {strides = array<i32>} : memref<3840xf32, #tpu.memory_space<vmem>>, vector<16xf32>,
    %add3A_1279 = arith.addi %gather3A_1274, %add3A_404 : vector<16xi32>
    %gather3A_1280 = tpu.vector_load_idx %arg7[%add3A_1279] : memref<400xf32, #tpu.memory_space<vmem>>[vector<16xi32>], vector<16xf32>,
    %swap3A_1281 = arith.constant 2096 : index
    %swap3A_1282 = tpu.vector_load %arg10[%swap3A_1281] {strides = array<i32>} : memref<3840xf32, #tpu.memory_space<vmem>>, vector<16xf32>,
    tpu.vector_store %arg10[%swap3A_1281], %gather3A_1280 {strides = array<i32>} : memref<3840xf32, #tpu.memory_space<vmem>>, vector<16xf32>,
    %add3A_1283 = arith.addi %gather3A_1274, %add3A_409 : vector<16xi32>
    %gather3A_1284 = tpu.vector_load_idx %arg7[%add3A_1283] : memref<400xf32, #tpu.memory_space<vmem>>[vector<16xi32>], vector<16xf32>,
    %swap3A_1285 = arith.constant 3376 : index
    %swap3A_1286 = tpu.vector_load %arg10[%swap3A_1285] {strides = array<i32>} : memref<3840xf32, #tpu.memory_space<vmem>>, vector<16xf32>,
    tpu.vector_store %arg10[%swap3A_1285], %gather3A_1284 {strides = array<i32>} : memref<3840xf32, #tpu.memory_space<vmem>>, vector<16xf32>,
    %add3A_1287 = arith.constant 160 : i32
    %add3A_1288 = vector.broadcast %add3A_1287 : i32 to vector<16xi32>
    %add3A_1289 = arith.addi %get3A_375, %add3A_1288 : vector<16xi32>
    %gather3A_1290 = tpu.vector_load_idx %arg9[%add3A_1289] : memref<256xi32, #tpu.memory_space<vmem>>[vector<16xi32>], vector<16xi32>,
    %add3A_1291 = arith.addi %gather3A_1290, %add3A_414 : vector<16xi32>
    %gather3A_1292 = tpu.vector_load_idx %arg7[%add3A_1291] : memref<400xf32, #tpu.memory_space<vmem>>[vector<16xi32>], vector<16xf32>,
    %swap3A_1293 = arith.constant 832 : index
    %swap3A_1294 = tpu.vector_load %arg10[%swap3A_1293] {strides = array<i32>} : memref<3840xf32, #tpu.memory_space<vmem>>, vector<16xf32>,
    tpu.vector_store %arg10[%swap3A_1293], %gather3A_1292 {strides = array<i32>} : memref<3840xf32, #tpu.memory_space<vmem>>, vector<16xf32>,
    %add3A_1295 = arith.addi %gather3A_1290, %add3A_419 : vector<16xi32>
    %gather3A_1296 = tpu.vector_load_idx %arg7[%add3A_1295] : memref<400xf32, #tpu.memory_space<vmem>>[vector<16xi32>], vector<16xf32>,
    %swap3A_1297 = arith.constant 2112 : index
    %swap3A_1298 = tpu.vector_load %arg10[%swap3A_1297] {strides = array<i32>} : memref<3840xf32, #tpu.memory_space<vmem>>, vector<16xf32>,
    tpu.vector_store %arg10[%swap3A_1297], %gather3A_1296 {strides = array<i32>} : memref<3840xf32, #tpu.memory_space<vmem>>, vector<16xf32>,
    %add3A_1299 = arith.addi %gather3A_1290, %add3A_424 : vector<16xi32>
    %gather3A_1300 = tpu.vector_load_idx %arg7[%add3A_1299] : memref<400xf32, #tpu.memory_space<vmem>>[vector<16xi32>], vector<16xf32>,
    %swap3A_1301 = arith.constant 3392 : index
    %swap3A_1302 = tpu.vector_load %arg10[%swap3A_1301] {strides = array<i32>} : memref<3840xf32, #tpu.memory_space<vmem>>, vector<16xf32>,
    tpu.vector_store %arg10[%swap3A_1301], %gather3A_1300 {strides = array<i32>} : memref<3840xf32, #tpu.memory_space<vmem>>, vector<16xf32>,
    %add3A_1303 = arith.constant 160 : i32
    %add3A_1304 = vector.broadcast %add3A_1303 : i32 to vector<16xi32>
    %add3A_1305 = arith.addi %get3A_377, %add3A_1304 : vector<16xi32>
    %gather3A_1306 = tpu.vector_load_idx %arg9[%add3A_1305] : memref<256xi32, #tpu.memory_space<vmem>>[vector<16xi32>], vector<16xi32>,
    %add3A_1307 = arith.addi %gather3A_1306, %add3A_429 : vector<16xi32>
    %gather3A_1308 = tpu.vector_load_idx %arg7[%add3A_1307] : memref<400xf32, #tpu.memory_space<vmem>>[vector<16xi32>], vector<16xf32>,
    %swap3A_1309 = arith.constant 848 : index
    %swap3A_1310 = tpu.vector_load %arg10[%swap3A_1309] {strides = array<i32>} : memref<3840xf32, #tpu.memory_space<vmem>>, vector<16xf32>,
    tpu.vector_store %arg10[%swap3A_1309], %gather3A_1308 {strides = array<i32>} : memref<3840xf32, #tpu.memory_space<vmem>>, vector<16xf32>,
    %add3A_1311 = arith.addi %gather3A_1306, %add3A_434 : vector<16xi32>
    %gather3A_1312 = tpu.vector_load_idx %arg7[%add3A_1311] : memref<400xf32, #tpu.memory_space<vmem>>[vector<16xi32>], vector<16xf32>,
    %swap3A_1313 = arith.constant 2128 : index
    %swap3A_1314 = tpu.vector_load %arg10[%swap3A_1313] {strides = array<i32>} : memref<3840xf32, #tpu.memory_space<vmem>>, vector<16xf32>,
    tpu.vector_store %arg10[%swap3A_1313], %gather3A_1312 {strides = array<i32>} : memref<3840xf32, #tpu.memory_space<vmem>>, vector<16xf32>,
    %add3A_1315 = arith.addi %gather3A_1306, %add3A_439 : vector<16xi32>
    %gather3A_1316 = tpu.vector_load_idx %arg7[%add3A_1315] : memref<400xf32, #tpu.memory_space<vmem>>[vector<16xi32>], vector<16xf32>,
    %swap3A_1317 = arith.constant 3408 : index
    %swap3A_1318 = tpu.vector_load %arg10[%swap3A_1317] {strides = array<i32>} : memref<3840xf32, #tpu.memory_space<vmem>>, vector<16xf32>,
    tpu.vector_store %arg10[%swap3A_1317], %gather3A_1316 {strides = array<i32>} : memref<3840xf32, #tpu.memory_space<vmem>>, vector<16xf32>,
    %add3A_1319 = arith.constant 160 : i32
    %add3A_1320 = vector.broadcast %add3A_1319 : i32 to vector<16xi32>
    %add3A_1321 = arith.addi %get3A_379, %add3A_1320 : vector<16xi32>
    %gather3A_1322 = tpu.vector_load_idx %arg9[%add3A_1321] : memref<256xi32, #tpu.memory_space<vmem>>[vector<16xi32>], vector<16xi32>,
    %add3A_1323 = arith.addi %gather3A_1322, %add3A_444 : vector<16xi32>
    %gather3A_1324 = tpu.vector_load_idx %arg7[%add3A_1323] : memref<400xf32, #tpu.memory_space<vmem>>[vector<16xi32>], vector<16xf32>,
    %swap3A_1325 = arith.constant 864 : index
    %swap3A_1326 = tpu.vector_load %arg10[%swap3A_1325] {strides = array<i32>} : memref<3840xf32, #tpu.memory_space<vmem>>, vector<16xf32>,
    tpu.vector_store %arg10[%swap3A_1325], %gather3A_1324 {strides = array<i32>} : memref<3840xf32, #tpu.memory_space<vmem>>, vector<16xf32>,
    %add3A_1327 = arith.addi %gather3A_1322, %add3A_449 : vector<16xi32>
    %gather3A_1328 = tpu.vector_load_idx %arg7[%add3A_1327] : memref<400xf32, #tpu.memory_space<vmem>>[vector<16xi32>], vector<16xf32>,
    %swap3A_1329 = arith.constant 2144 : index
    %swap3A_1330 = tpu.vector_load %arg10[%swap3A_1329] {strides = array<i32>} : memref<3840xf32, #tpu.memory_space<vmem>>, vector<16xf32>,
    tpu.vector_store %arg10[%swap3A_1329], %gather3A_1328 {strides = array<i32>} : memref<3840xf32, #tpu.memory_space<vmem>>, vector<16xf32>,
    %add3A_1331 = arith.addi %gather3A_1322, %add3A_454 : vector<16xi32>
    %gather3A_1332 = tpu.vector_load_idx %arg7[%add3A_1331] : memref<400xf32, #tpu.memory_space<vmem>>[vector<16xi32>], vector<16xf32>,
    %swap3A_1333 = arith.constant 3424 : index
    %swap3A_1334 = tpu.vector_load %arg10[%swap3A_1333] {strides = array<i32>} : memref<3840xf32, #tpu.memory_space<vmem>>, vector<16xf32>,
    tpu.vector_store %arg10[%swap3A_1333], %gather3A_1332 {strides = array<i32>} : memref<3840xf32, #tpu.memory_space<vmem>>, vector<16xf32>,
    %add3A_1335 = arith.constant 176 : i32
    %add3A_1336 = vector.broadcast %add3A_1335 : i32 to vector<16xi32>
    %add3A_1337 = arith.addi %get3A_371, %add3A_1336 : vector<16xi32>
    %gather3A_1338 = tpu.vector_load_idx %arg9[%add3A_1337] : memref<256xi32, #tpu.memory_space<vmem>>[vector<16xi32>], vector<16xi32>,
    %add3A_1339 = arith.addi %gather3A_1338, %add3A_384 : vector<16xi32>
    %gather3A_1340 = tpu.vector_load_idx %arg7[%add3A_1339] : memref<400xf32, #tpu.memory_space<vmem>>[vector<16xi32>], vector<16xf32>,
    %swap3A_1341 = arith.constant 880 : index
    %swap3A_1342 = tpu.vector_load %arg10[%swap3A_1341] {strides = array<i32>} : memref<3840xf32, #tpu.memory_space<vmem>>, vector<16xf32>,
    tpu.vector_store %arg10[%swap3A_1341], %gather3A_1340 {strides = array<i32>} : memref<3840xf32, #tpu.memory_space<vmem>>, vector<16xf32>,
    %add3A_1343 = arith.addi %gather3A_1338, %add3A_389 : vector<16xi32>
    %gather3A_1344 = tpu.vector_load_idx %arg7[%add3A_1343] : memref<400xf32, #tpu.memory_space<vmem>>[vector<16xi32>], vector<16xf32>,
    %swap3A_1345 = arith.constant 2160 : index
    %swap3A_1346 = tpu.vector_load %arg10[%swap3A_1345] {strides = array<i32>} : memref<3840xf32, #tpu.memory_space<vmem>>, vector<16xf32>,
    tpu.vector_store %arg10[%swap3A_1345], %gather3A_1344 {strides = array<i32>} : memref<3840xf32, #tpu.memory_space<vmem>>, vector<16xf32>,
    %add3A_1347 = arith.addi %gather3A_1338, %add3A_394 : vector<16xi32>
    %gather3A_1348 = tpu.vector_load_idx %arg7[%add3A_1347] : memref<400xf32, #tpu.memory_space<vmem>>[vector<16xi32>], vector<16xf32>,
    %swap3A_1349 = arith.constant 3440 : index
    %swap3A_1350 = tpu.vector_load %arg10[%swap3A_1349] {strides = array<i32>} : memref<3840xf32, #tpu.memory_space<vmem>>, vector<16xf32>,
    tpu.vector_store %arg10[%swap3A_1349], %gather3A_1348 {strides = array<i32>} : memref<3840xf32, #tpu.memory_space<vmem>>, vector<16xf32>,
    %add3A_1351 = arith.constant 176 : i32
    %add3A_1352 = vector.broadcast %add3A_1351 : i32 to vector<16xi32>
    %add3A_1353 = arith.addi %get3A_373, %add3A_1352 : vector<16xi32>
    %gather3A_1354 = tpu.vector_load_idx %arg9[%add3A_1353] : memref<256xi32, #tpu.memory_space<vmem>>[vector<16xi32>], vector<16xi32>,
    %add3A_1355 = arith.addi %gather3A_1354, %add3A_399 : vector<16xi32>
    %gather3A_1356 = tpu.vector_load_idx %arg7[%add3A_1355] : memref<400xf32, #tpu.memory_space<vmem>>[vector<16xi32>], vector<16xf32>,
    %swap3A_1357 = arith.constant 896 : index
    %swap3A_1358 = tpu.vector_load %arg10[%swap3A_1357] {strides = array<i32>} : memref<3840xf32, #tpu.memory_space<vmem>>, vector<16xf32>,
    tpu.vector_store %arg10[%swap3A_1357], %gather3A_1356 {strides = array<i32>} : memref<3840xf32, #tpu.memory_space<vmem>>, vector<16xf32>,
    %add3A_1359 = arith.addi %gather3A_1354, %add3A_404 : vector<16xi32>
    %gather3A_1360 = tpu.vector_load_idx %arg7[%add3A_1359] : memref<400xf32, #tpu.memory_space<vmem>>[vector<16xi32>], vector<16xf32>,
    %swap3A_1361 = arith.constant 2176 : index
    %swap3A_1362 = tpu.vector_load %arg10[%swap3A_1361] {strides = array<i32>} : memref<3840xf32, #tpu.memory_space<vmem>>, vector<16xf32>,
    tpu.vector_store %arg10[%swap3A_1361], %gather3A_1360 {strides = array<i32>} : memref<3840xf32, #tpu.memory_space<vmem>>, vector<16xf32>,
    %add3A_1363 = arith.addi %gather3A_1354, %add3A_409 : vector<16xi32>
    %gather3A_1364 = tpu.vector_load_idx %arg7[%add3A_1363] : memref<400xf32, #tpu.memory_space<vmem>>[vector<16xi32>], vector<16xf32>,
    %swap3A_1365 = arith.constant 3456 : index
    %swap3A_1366 = tpu.vector_load %arg10[%swap3A_1365] {strides = array<i32>} : memref<3840xf32, #tpu.memory_space<vmem>>, vector<16xf32>,
    tpu.vector_store %arg10[%swap3A_1365], %gather3A_1364 {strides = array<i32>} : memref<3840xf32, #tpu.memory_space<vmem>>, vector<16xf32>,
    %add3A_1367 = arith.constant 176 : i32
    %add3A_1368 = vector.broadcast %add3A_1367 : i32 to vector<16xi32>
    %add3A_1369 = arith.addi %get3A_375, %add3A_1368 : vector<16xi32>
    %gather3A_1370 = tpu.vector_load_idx %arg9[%add3A_1369] : memref<256xi32, #tpu.memory_space<vmem>>[vector<16xi32>], vector<16xi32>,
    %add3A_1371 = arith.addi %gather3A_1370, %add3A_414 : vector<16xi32>
    %gather3A_1372 = tpu.vector_load_idx %arg7[%add3A_1371] : memref<400xf32, #tpu.memory_space<vmem>>[vector<16xi32>], vector<16xf32>,
    %swap3A_1373 = arith.constant 912 : index
    %swap3A_1374 = tpu.vector_load %arg10[%swap3A_1373] {strides = array<i32>} : memref<3840xf32, #tpu.memory_space<vmem>>, vector<16xf32>,
    tpu.vector_store %arg10[%swap3A_1373], %gather3A_1372 {strides = array<i32>} : memref<3840xf32, #tpu.memory_space<vmem>>, vector<16xf32>,
    %add3A_1375 = arith.addi %gather3A_1370, %add3A_419 : vector<16xi32>
    %gather3A_1376 = tpu.vector_load_idx %arg7[%add3A_1375] : memref<400xf32, #tpu.memory_space<vmem>>[vector<16xi32>], vector<16xf32>,
    %swap3A_1377 = arith.constant 2192 : index
    %swap3A_1378 = tpu.vector_load %arg10[%swap3A_1377] {strides = array<i32>} : memref<3840xf32, #tpu.memory_space<vmem>>, vector<16xf32>,
    tpu.vector_store %arg10[%swap3A_1377], %gather3A_1376 {strides = array<i32>} : memref<3840xf32, #tpu.memory_space<vmem>>, vector<16xf32>,
    %add3A_1379 = arith.addi %gather3A_1370, %add3A_424 : vector<16xi32>
    %gather3A_1380 = tpu.vector_load_idx %arg7[%add3A_1379] : memref<400xf32, #tpu.memory_space<vmem>>[vector<16xi32>], vector<16xf32>,
    %swap3A_1381 = arith.constant 3472 : index
    %swap3A_1382 = tpu.vector_load %arg10[%swap3A_1381] {strides = array<i32>} : memref<3840xf32, #tpu.memory_space<vmem>>, vector<16xf32>,
    tpu.vector_store %arg10[%swap3A_1381], %gather3A_1380 {strides = array<i32>} : memref<3840xf32, #tpu.memory_space<vmem>>, vector<16xf32>,
    %add3A_1383 = arith.constant 176 : i32
    %add3A_1384 = vector.broadcast %add3A_1383 : i32 to vector<16xi32>
    %add3A_1385 = arith.addi %get3A_377, %add3A_1384 : vector<16xi32>
    %gather3A_1386 = tpu.vector_load_idx %arg9[%add3A_1385] : memref<256xi32, #tpu.memory_space<vmem>>[vector<16xi32>], vector<16xi32>,
    %add3A_1387 = arith.addi %gather3A_1386, %add3A_429 : vector<16xi32>
    %gather3A_1388 = tpu.vector_load_idx %arg7[%add3A_1387] : memref<400xf32, #tpu.memory_space<vmem>>[vector<16xi32>], vector<16xf32>,
    %swap3A_1389 = arith.constant 928 : index
    %swap3A_1390 = tpu.vector_load %arg10[%swap3A_1389] {strides = array<i32>} : memref<3840xf32, #tpu.memory_space<vmem>>, vector<16xf32>,
    tpu.vector_store %arg10[%swap3A_1389], %gather3A_1388 {strides = array<i32>} : memref<3840xf32, #tpu.memory_space<vmem>>, vector<16xf32>,
    %add3A_1391 = arith.addi %gather3A_1386, %add3A_434 : vector<16xi32>
    %gather3A_1392 = tpu.vector_load_idx %arg7[%add3A_1391] : memref<400xf32, #tpu.memory_space<vmem>>[vector<16xi32>], vector<16xf32>,
    %swap3A_1393 = arith.constant 2208 : index
    %swap3A_1394 = tpu.vector_load %arg10[%swap3A_1393] {strides = array<i32>} : memref<3840xf32, #tpu.memory_space<vmem>>, vector<16xf32>,
    tpu.vector_store %arg10[%swap3A_1393], %gather3A_1392 {strides = array<i32>} : memref<3840xf32, #tpu.memory_space<vmem>>, vector<16xf32>,
    %add3A_1395 = arith.addi %gather3A_1386, %add3A_439 : vector<16xi32>
    %gather3A_1396 = tpu.vector_load_idx %arg7[%add3A_1395] : memref<400xf32, #tpu.memory_space<vmem>>[vector<16xi32>], vector<16xf32>,
    %swap3A_1397 = arith.constant 3488 : index
    %swap3A_1398 = tpu.vector_load %arg10[%swap3A_1397] {strides = array<i32>} : memref<3840xf32, #tpu.memory_space<vmem>>, vector<16xf32>,
    tpu.vector_store %arg10[%swap3A_1397], %gather3A_1396 {strides = array<i32>} : memref<3840xf32, #tpu.memory_space<vmem>>, vector<16xf32>,
    %add3A_1399 = arith.constant 176 : i32
    %add3A_1400 = vector.broadcast %add3A_1399 : i32 to vector<16xi32>
    %add3A_1401 = arith.addi %get3A_379, %add3A_1400 : vector<16xi32>
    %gather3A_1402 = tpu.vector_load_idx %arg9[%add3A_1401] : memref<256xi32, #tpu.memory_space<vmem>>[vector<16xi32>], vector<16xi32>,
    %add3A_1403 = arith.addi %gather3A_1402, %add3A_444 : vector<16xi32>
    %gather3A_1404 = tpu.vector_load_idx %arg7[%add3A_1403] : memref<400xf32, #tpu.memory_space<vmem>>[vector<16xi32>], vector<16xf32>,
    %swap3A_1405 = arith.constant 944 : index
    %swap3A_1406 = tpu.vector_load %arg10[%swap3A_1405] {strides = array<i32>} : memref<3840xf32, #tpu.memory_space<vmem>>, vector<16xf32>,
    tpu.vector_store %arg10[%swap3A_1405], %gather3A_1404 {strides = array<i32>} : memref<3840xf32, #tpu.memory_space<vmem>>, vector<16xf32>,
    %add3A_1407 = arith.addi %gather3A_1402, %add3A_449 : vector<16xi32>
    %gather3A_1408 = tpu.vector_load_idx %arg7[%add3A_1407] : memref<400xf32, #tpu.memory_space<vmem>>[vector<16xi32>], vector<16xf32>,
    %swap3A_1409 = arith.constant 2224 : index
    %swap3A_1410 = tpu.vector_load %arg10[%swap3A_1409] {strides = array<i32>} : memref<3840xf32, #tpu.memory_space<vmem>>, vector<16xf32>,
    tpu.vector_store %arg10[%swap3A_1409], %gather3A_1408 {strides = array<i32>} : memref<3840xf32, #tpu.memory_space<vmem>>, vector<16xf32>,
    %add3A_1411 = arith.addi %gather3A_1402, %add3A_454 : vector<16xi32>
    %gather3A_1412 = tpu.vector_load_idx %arg7[%add3A_1411] : memref<400xf32, #tpu.memory_space<vmem>>[vector<16xi32>], vector<16xf32>,
    %swap3A_1413 = arith.constant 3504 : index
    %swap3A_1414 = tpu.vector_load %arg10[%swap3A_1413] {strides = array<i32>} : memref<3840xf32, #tpu.memory_space<vmem>>, vector<16xf32>,
    tpu.vector_store %arg10[%swap3A_1413], %gather3A_1412 {strides = array<i32>} : memref<3840xf32, #tpu.memory_space<vmem>>, vector<16xf32>,
    %add3A_1415 = arith.constant 192 : i32
    %add3A_1416 = vector.broadcast %add3A_1415 : i32 to vector<16xi32>
    %add3A_1417 = arith.addi %get3A_371, %add3A_1416 : vector<16xi32>
    %gather3A_1418 = tpu.vector_load_idx %arg9[%add3A_1417] : memref<256xi32, #tpu.memory_space<vmem>>[vector<16xi32>], vector<16xi32>,
    %add3A_1419 = arith.addi %gather3A_1418, %add3A_384 : vector<16xi32>
    %gather3A_1420 = tpu.vector_load_idx %arg7[%add3A_1419] : memref<400xf32, #tpu.memory_space<vmem>>[vector<16xi32>], vector<16xf32>,
    %swap3A_1421 = arith.constant 960 : index
    %swap3A_1422 = tpu.vector_load %arg10[%swap3A_1421] {strides = array<i32>} : memref<3840xf32, #tpu.memory_space<vmem>>, vector<16xf32>,
    tpu.vector_store %arg10[%swap3A_1421], %gather3A_1420 {strides = array<i32>} : memref<3840xf32, #tpu.memory_space<vmem>>, vector<16xf32>,
    %add3A_1423 = arith.addi %gather3A_1418, %add3A_389 : vector<16xi32>
    %gather3A_1424 = tpu.vector_load_idx %arg7[%add3A_1423] : memref<400xf32, #tpu.memory_space<vmem>>[vector<16xi32>], vector<16xf32>,
    %swap3A_1425 = arith.constant 2240 : index
    %swap3A_1426 = tpu.vector_load %arg10[%swap3A_1425] {strides = array<i32>} : memref<3840xf32, #tpu.memory_space<vmem>>, vector<16xf32>,
    tpu.vector_store %arg10[%swap3A_1425], %gather3A_1424 {strides = array<i32>} : memref<3840xf32, #tpu.memory_space<vmem>>, vector<16xf32>,
    %add3A_1427 = arith.addi %gather3A_1418, %add3A_394 : vector<16xi32>
    %gather3A_1428 = tpu.vector_load_idx %arg7[%add3A_1427] : memref<400xf32, #tpu.memory_space<vmem>>[vector<16xi32>], vector<16xf32>,
    %swap3A_1429 = arith.constant 3520 : index
    %swap3A_1430 = tpu.vector_load %arg10[%swap3A_1429] {strides = array<i32>} : memref<3840xf32, #tpu.memory_space<vmem>>, vector<16xf32>,
    tpu.vector_store %arg10[%swap3A_1429], %gather3A_1428 {strides = array<i32>} : memref<3840xf32, #tpu.memory_space<vmem>>, vector<16xf32>,
    %add3A_1431 = arith.constant 192 : i32
    %add3A_1432 = vector.broadcast %add3A_1431 : i32 to vector<16xi32>
    %add3A_1433 = arith.addi %get3A_373, %add3A_1432 : vector<16xi32>
    %gather3A_1434 = tpu.vector_load_idx %arg9[%add3A_1433] : memref<256xi32, #tpu.memory_space<vmem>>[vector<16xi32>], vector<16xi32>,
    %add3A_1435 = arith.addi %gather3A_1434, %add3A_399 : vector<16xi32>
    %gather3A_1436 = tpu.vector_load_idx %arg7[%add3A_1435] : memref<400xf32, #tpu.memory_space<vmem>>[vector<16xi32>], vector<16xf32>,
    %swap3A_1437 = arith.constant 976 : index
    %swap3A_1438 = tpu.vector_load %arg10[%swap3A_1437] {strides = array<i32>} : memref<3840xf32, #tpu.memory_space<vmem>>, vector<16xf32>,
    tpu.vector_store %arg10[%swap3A_1437], %gather3A_1436 {strides = array<i32>} : memref<3840xf32, #tpu.memory_space<vmem>>, vector<16xf32>,
    %add3A_1439 = arith.addi %gather3A_1434, %add3A_404 : vector<16xi32>
    %gather3A_1440 = tpu.vector_load_idx %arg7[%add3A_1439] : memref<400xf32, #tpu.memory_space<vmem>>[vector<16xi32>], vector<16xf32>,
    %swap3A_1441 = arith.constant 2256 : index
    %swap3A_1442 = tpu.vector_load %arg10[%swap3A_1441] {strides = array<i32>} : memref<3840xf32, #tpu.memory_space<vmem>>, vector<16xf32>,
    tpu.vector_store %arg10[%swap3A_1441], %gather3A_1440 {strides = array<i32>} : memref<3840xf32, #tpu.memory_space<vmem>>, vector<16xf32>,
    %add3A_1443 = arith.addi %gather3A_1434, %add3A_409 : vector<16xi32>
    %gather3A_1444 = tpu.vector_load_idx %arg7[%add3A_1443] : memref<400xf32, #tpu.memory_space<vmem>>[vector<16xi32>], vector<16xf32>,
    %swap3A_1445 = arith.constant 3536 : index
    %swap3A_1446 = tpu.vector_load %arg10[%swap3A_1445] {strides = array<i32>} : memref<3840xf32, #tpu.memory_space<vmem>>, vector<16xf32>,
    tpu.vector_store %arg10[%swap3A_1445], %gather3A_1444 {strides = array<i32>} : memref<3840xf32, #tpu.memory_space<vmem>>, vector<16xf32>,
    %add3A_1447 = arith.constant 192 : i32
    %add3A_1448 = vector.broadcast %add3A_1447 : i32 to vector<16xi32>
    %add3A_1449 = arith.addi %get3A_375, %add3A_1448 : vector<16xi32>
    %gather3A_1450 = tpu.vector_load_idx %arg9[%add3A_1449] : memref<256xi32, #tpu.memory_space<vmem>>[vector<16xi32>], vector<16xi32>,
    %add3A_1451 = arith.addi %gather3A_1450, %add3A_414 : vector<16xi32>
    %gather3A_1452 = tpu.vector_load_idx %arg7[%add3A_1451] : memref<400xf32, #tpu.memory_space<vmem>>[vector<16xi32>], vector<16xf32>,
    %swap3A_1453 = arith.constant 992 : index
    %swap3A_1454 = tpu.vector_load %arg10[%swap3A_1453] {strides = array<i32>} : memref<3840xf32, #tpu.memory_space<vmem>>, vector<16xf32>,
    tpu.vector_store %arg10[%swap3A_1453], %gather3A_1452 {strides = array<i32>} : memref<3840xf32, #tpu.memory_space<vmem>>, vector<16xf32>,
    %add3A_1455 = arith.addi %gather3A_1450, %add3A_419 : vector<16xi32>
    %gather3A_1456 = tpu.vector_load_idx %arg7[%add3A_1455] : memref<400xf32, #tpu.memory_space<vmem>>[vector<16xi32>], vector<16xf32>,
    %swap3A_1457 = arith.constant 2272 : index
    %swap3A_1458 = tpu.vector_load %arg10[%swap3A_1457] {strides = array<i32>} : memref<3840xf32, #tpu.memory_space<vmem>>, vector<16xf32>,
    tpu.vector_store %arg10[%swap3A_1457], %gather3A_1456 {strides = array<i32>} : memref<3840xf32, #tpu.memory_space<vmem>>, vector<16xf32>,
    %add3A_1459 = arith.addi %gather3A_1450, %add3A_424 : vector<16xi32>
    %gather3A_1460 = tpu.vector_load_idx %arg7[%add3A_1459] : memref<400xf32, #tpu.memory_space<vmem>>[vector<16xi32>], vector<16xf32>,
    %swap3A_1461 = arith.constant 3552 : index
    %swap3A_1462 = tpu.vector_load %arg10[%swap3A_1461] {strides = array<i32>} : memref<3840xf32, #tpu.memory_space<vmem>>, vector<16xf32>,
    tpu.vector_store %arg10[%swap3A_1461], %gather3A_1460 {strides = array<i32>} : memref<3840xf32, #tpu.memory_space<vmem>>, vector<16xf32>,
    %add3A_1463 = arith.constant 192 : i32
    %add3A_1464 = vector.broadcast %add3A_1463 : i32 to vector<16xi32>
    %add3A_1465 = arith.addi %get3A_377, %add3A_1464 : vector<16xi32>
    %gather3A_1466 = tpu.vector_load_idx %arg9[%add3A_1465] : memref<256xi32, #tpu.memory_space<vmem>>[vector<16xi32>], vector<16xi32>,
    %add3A_1467 = arith.addi %gather3A_1466, %add3A_429 : vector<16xi32>
    %gather3A_1468 = tpu.vector_load_idx %arg7[%add3A_1467] : memref<400xf32, #tpu.memory_space<vmem>>[vector<16xi32>], vector<16xf32>,
    %swap3A_1469 = arith.constant 1008 : index
    %swap3A_1470 = tpu.vector_load %arg10[%swap3A_1469] {strides = array<i32>} : memref<3840xf32, #tpu.memory_space<vmem>>, vector<16xf32>,
    tpu.vector_store %arg10[%swap3A_1469], %gather3A_1468 {strides = array<i32>} : memref<3840xf32, #tpu.memory_space<vmem>>, vector<16xf32>,
    %add3A_1471 = arith.addi %gather3A_1466, %add3A_434 : vector<16xi32>
    %gather3A_1472 = tpu.vector_load_idx %arg7[%add3A_1471] : memref<400xf32, #tpu.memory_space<vmem>>[vector<16xi32>], vector<16xf32>,
    %swap3A_1473 = arith.constant 2288 : index
    %swap3A_1474 = tpu.vector_load %arg10[%swap3A_1473] {strides = array<i32>} : memref<3840xf32, #tpu.memory_space<vmem>>, vector<16xf32>,
    tpu.vector_store %arg10[%swap3A_1473], %gather3A_1472 {strides = array<i32>} : memref<3840xf32, #tpu.memory_space<vmem>>, vector<16xf32>,
    %add3A_1475 = arith.addi %gather3A_1466, %add3A_439 : vector<16xi32>
    %gather3A_1476 = tpu.vector_load_idx %arg7[%add3A_1475] : memref<400xf32, #tpu.memory_space<vmem>>[vector<16xi32>], vector<16xf32>,
    %swap3A_1477 = arith.constant 3568 : index
    %swap3A_1478 = tpu.vector_load %arg10[%swap3A_1477] {strides = array<i32>} : memref<3840xf32, #tpu.memory_space<vmem>>, vector<16xf32>,
    tpu.vector_store %arg10[%swap3A_1477], %gather3A_1476 {strides = array<i32>} : memref<3840xf32, #tpu.memory_space<vmem>>, vector<16xf32>,
    %add3A_1479 = arith.constant 192 : i32
    %add3A_1480 = vector.broadcast %add3A_1479 : i32 to vector<16xi32>
    %add3A_1481 = arith.addi %get3A_379, %add3A_1480 : vector<16xi32>
    %gather3A_1482 = tpu.vector_load_idx %arg9[%add3A_1481] : memref<256xi32, #tpu.memory_space<vmem>>[vector<16xi32>], vector<16xi32>,
    %add3A_1483 = arith.addi %gather3A_1482, %add3A_444 : vector<16xi32>
    %gather3A_1484 = tpu.vector_load_idx %arg7[%add3A_1483] : memref<400xf32, #tpu.memory_space<vmem>>[vector<16xi32>], vector<16xf32>,
    %swap3A_1485 = arith.constant 1024 : index
    %swap3A_1486 = tpu.vector_load %arg10[%swap3A_1485] {strides = array<i32>} : memref<3840xf32, #tpu.memory_space<vmem>>, vector<16xf32>,
    tpu.vector_store %arg10[%swap3A_1485], %gather3A_1484 {strides = array<i32>} : memref<3840xf32, #tpu.memory_space<vmem>>, vector<16xf32>,
    %add3A_1487 = arith.addi %gather3A_1482, %add3A_449 : vector<16xi32>
    %gather3A_1488 = tpu.vector_load_idx %arg7[%add3A_1487] : memref<400xf32, #tpu.memory_space<vmem>>[vector<16xi32>], vector<16xf32>,
    %swap3A_1489 = arith.constant 2304 : index
    %swap3A_1490 = tpu.vector_load %arg10[%swap3A_1489] {strides = array<i32>} : memref<3840xf32, #tpu.memory_space<vmem>>, vector<16xf32>,
    tpu.vector_store %arg10[%swap3A_1489], %gather3A_1488 {strides = array<i32>} : memref<3840xf32, #tpu.memory_space<vmem>>, vector<16xf32>,
    %add3A_1491 = arith.addi %gather3A_1482, %add3A_454 : vector<16xi32>
    %gather3A_1492 = tpu.vector_load_idx %arg7[%add3A_1491] : memref<400xf32, #tpu.memory_space<vmem>>[vector<16xi32>], vector<16xf32>,
    %swap3A_1493 = arith.constant 3584 : index
    %swap3A_1494 = tpu.vector_load %arg10[%swap3A_1493] {strides = array<i32>} : memref<3840xf32, #tpu.memory_space<vmem>>, vector<16xf32>,
    tpu.vector_store %arg10[%swap3A_1493], %gather3A_1492 {strides = array<i32>} : memref<3840xf32, #tpu.memory_space<vmem>>, vector<16xf32>,
    %add3A_1495 = arith.constant 208 : i32
    %add3A_1496 = vector.broadcast %add3A_1495 : i32 to vector<16xi32>
    %add3A_1497 = arith.addi %get3A_371, %add3A_1496 : vector<16xi32>
    %gather3A_1498 = tpu.vector_load_idx %arg9[%add3A_1497] : memref<256xi32, #tpu.memory_space<vmem>>[vector<16xi32>], vector<16xi32>,
    %add3A_1499 = arith.addi %gather3A_1498, %add3A_384 : vector<16xi32>
    %gather3A_1500 = tpu.vector_load_idx %arg7[%add3A_1499] : memref<400xf32, #tpu.memory_space<vmem>>[vector<16xi32>], vector<16xf32>,
    %swap3A_1501 = arith.constant 1040 : index
    %swap3A_1502 = tpu.vector_load %arg10[%swap3A_1501] {strides = array<i32>} : memref<3840xf32, #tpu.memory_space<vmem>>, vector<16xf32>,
    tpu.vector_store %arg10[%swap3A_1501], %gather3A_1500 {strides = array<i32>} : memref<3840xf32, #tpu.memory_space<vmem>>, vector<16xf32>,
    %add3A_1503 = arith.addi %gather3A_1498, %add3A_389 : vector<16xi32>
    %gather3A_1504 = tpu.vector_load_idx %arg7[%add3A_1503] : memref<400xf32, #tpu.memory_space<vmem>>[vector<16xi32>], vector<16xf32>,
    %swap3A_1505 = arith.constant 2320 : index
    %swap3A_1506 = tpu.vector_load %arg10[%swap3A_1505] {strides = array<i32>} : memref<3840xf32, #tpu.memory_space<vmem>>, vector<16xf32>,
    tpu.vector_store %arg10[%swap3A_1505], %gather3A_1504 {strides = array<i32>} : memref<3840xf32, #tpu.memory_space<vmem>>, vector<16xf32>,
    %add3A_1507 = arith.addi %gather3A_1498, %add3A_394 : vector<16xi32>
    %gather3A_1508 = tpu.vector_load_idx %arg7[%add3A_1507] : memref<400xf32, #tpu.memory_space<vmem>>[vector<16xi32>], vector<16xf32>,
    %swap3A_1509 = arith.constant 3600 : index
    %swap3A_1510 = tpu.vector_load %arg10[%swap3A_1509] {strides = array<i32>} : memref<3840xf32, #tpu.memory_space<vmem>>, vector<16xf32>,
    tpu.vector_store %arg10[%swap3A_1509], %gather3A_1508 {strides = array<i32>} : memref<3840xf32, #tpu.memory_space<vmem>>, vector<16xf32>,
    %add3A_1511 = arith.constant 208 : i32
    %add3A_1512 = vector.broadcast %add3A_1511 : i32 to vector<16xi32>
    %add3A_1513 = arith.addi %get3A_373, %add3A_1512 : vector<16xi32>
    %gather3A_1514 = tpu.vector_load_idx %arg9[%add3A_1513] : memref<256xi32, #tpu.memory_space<vmem>>[vector<16xi32>], vector<16xi32>,
    %add3A_1515 = arith.addi %gather3A_1514, %add3A_399 : vector<16xi32>
    %gather3A_1516 = tpu.vector_load_idx %arg7[%add3A_1515] : memref<400xf32, #tpu.memory_space<vmem>>[vector<16xi32>], vector<16xf32>,
    %swap3A_1517 = arith.constant 1056 : index
    %swap3A_1518 = tpu.vector_load %arg10[%swap3A_1517] {strides = array<i32>} : memref<3840xf32, #tpu.memory_space<vmem>>, vector<16xf32>,
    tpu.vector_store %arg10[%swap3A_1517], %gather3A_1516 {strides = array<i32>} : memref<3840xf32, #tpu.memory_space<vmem>>, vector<16xf32>,
    %add3A_1519 = arith.addi %gather3A_1514, %add3A_404 : vector<16xi32>
    %gather3A_1520 = tpu.vector_load_idx %arg7[%add3A_1519] : memref<400xf32, #tpu.memory_space<vmem>>[vector<16xi32>], vector<16xf32>,
    %swap3A_1521 = arith.constant 2336 : index
    %swap3A_1522 = tpu.vector_load %arg10[%swap3A_1521] {strides = array<i32>} : memref<3840xf32, #tpu.memory_space<vmem>>, vector<16xf32>,
    tpu.vector_store %arg10[%swap3A_1521], %gather3A_1520 {strides = array<i32>} : memref<3840xf32, #tpu.memory_space<vmem>>, vector<16xf32>,
    %add3A_1523 = arith.addi %gather3A_1514, %add3A_409 : vector<16xi32>
    %gather3A_1524 = tpu.vector_load_idx %arg7[%add3A_1523] : memref<400xf32, #tpu.memory_space<vmem>>[vector<16xi32>], vector<16xf32>,
    %swap3A_1525 = arith.constant 3616 : index
    %swap3A_1526 = tpu.vector_load %arg10[%swap3A_1525] {strides = array<i32>} : memref<3840xf32, #tpu.memory_space<vmem>>, vector<16xf32>,
    tpu.vector_store %arg10[%swap3A_1525], %gather3A_1524 {strides = array<i32>} : memref<3840xf32, #tpu.memory_space<vmem>>, vector<16xf32>,
    %add3A_1527 = arith.constant 208 : i32
    %add3A_1528 = vector.broadcast %add3A_1527 : i32 to vector<16xi32>
    %add3A_1529 = arith.addi %get3A_375, %add3A_1528 : vector<16xi32>
    %gather3A_1530 = tpu.vector_load_idx %arg9[%add3A_1529] : memref<256xi32, #tpu.memory_space<vmem>>[vector<16xi32>], vector<16xi32>,
    %add3A_1531 = arith.addi %gather3A_1530, %add3A_414 : vector<16xi32>
    %gather3A_1532 = tpu.vector_load_idx %arg7[%add3A_1531] : memref<400xf32, #tpu.memory_space<vmem>>[vector<16xi32>], vector<16xf32>,
    %swap3A_1533 = arith.constant 1072 : index
    %swap3A_1534 = tpu.vector_load %arg10[%swap3A_1533] {strides = array<i32>} : memref<3840xf32, #tpu.memory_space<vmem>>, vector<16xf32>,
    tpu.vector_store %arg10[%swap3A_1533], %gather3A_1532 {strides = array<i32>} : memref<3840xf32, #tpu.memory_space<vmem>>, vector<16xf32>,
    %add3A_1535 = arith.addi %gather3A_1530, %add3A_419 : vector<16xi32>
    %gather3A_1536 = tpu.vector_load_idx %arg7[%add3A_1535] : memref<400xf32, #tpu.memory_space<vmem>>[vector<16xi32>], vector<16xf32>,
    %swap3A_1537 = arith.constant 2352 : index
    %swap3A_1538 = tpu.vector_load %arg10[%swap3A_1537] {strides = array<i32>} : memref<3840xf32, #tpu.memory_space<vmem>>, vector<16xf32>,
    tpu.vector_store %arg10[%swap3A_1537], %gather3A_1536 {strides = array<i32>} : memref<3840xf32, #tpu.memory_space<vmem>>, vector<16xf32>,
    %add3A_1539 = arith.addi %gather3A_1530, %add3A_424 : vector<16xi32>
    %gather3A_1540 = tpu.vector_load_idx %arg7[%add3A_1539] : memref<400xf32, #tpu.memory_space<vmem>>[vector<16xi32>], vector<16xf32>,
    %swap3A_1541 = arith.constant 3632 : index
    %swap3A_1542 = tpu.vector_load %arg10[%swap3A_1541] {strides = array<i32>} : memref<3840xf32, #tpu.memory_space<vmem>>, vector<16xf32>,
    tpu.vector_store %arg10[%swap3A_1541], %gather3A_1540 {strides = array<i32>} : memref<3840xf32, #tpu.memory_space<vmem>>, vector<16xf32>,
    %add3A_1543 = arith.constant 208 : i32
    %add3A_1544 = vector.broadcast %add3A_1543 : i32 to vector<16xi32>
    %add3A_1545 = arith.addi %get3A_377, %add3A_1544 : vector<16xi32>
    %gather3A_1546 = tpu.vector_load_idx %arg9[%add3A_1545] : memref<256xi32, #tpu.memory_space<vmem>>[vector<16xi32>], vector<16xi32>,
    %add3A_1547 = arith.addi %gather3A_1546, %add3A_429 : vector<16xi32>
    %gather3A_1548 = tpu.vector_load_idx %arg7[%add3A_1547] : memref<400xf32, #tpu.memory_space<vmem>>[vector<16xi32>], vector<16xf32>,
    %swap3A_1549 = arith.constant 1088 : index
    %swap3A_1550 = tpu.vector_load %arg10[%swap3A_1549] {strides = array<i32>} : memref<3840xf32, #tpu.memory_space<vmem>>, vector<16xf32>,
    tpu.vector_store %arg10[%swap3A_1549], %gather3A_1548 {strides = array<i32>} : memref<3840xf32, #tpu.memory_space<vmem>>, vector<16xf32>,
    %add3A_1551 = arith.addi %gather3A_1546, %add3A_434 : vector<16xi32>
    %gather3A_1552 = tpu.vector_load_idx %arg7[%add3A_1551] : memref<400xf32, #tpu.memory_space<vmem>>[vector<16xi32>], vector<16xf32>,
    %swap3A_1553 = arith.constant 2368 : index
    %swap3A_1554 = tpu.vector_load %arg10[%swap3A_1553] {strides = array<i32>} : memref<3840xf32, #tpu.memory_space<vmem>>, vector<16xf32>,
    tpu.vector_store %arg10[%swap3A_1553], %gather3A_1552 {strides = array<i32>} : memref<3840xf32, #tpu.memory_space<vmem>>, vector<16xf32>,
    %add3A_1555 = arith.addi %gather3A_1546, %add3A_439 : vector<16xi32>
    %gather3A_1556 = tpu.vector_load_idx %arg7[%add3A_1555] : memref<400xf32, #tpu.memory_space<vmem>>[vector<16xi32>], vector<16xf32>,
    %swap3A_1557 = arith.constant 3648 : index
    %swap3A_1558 = tpu.vector_load %arg10[%swap3A_1557] {strides = array<i32>} : memref<3840xf32, #tpu.memory_space<vmem>>, vector<16xf32>,
    tpu.vector_store %arg10[%swap3A_1557], %gather3A_1556 {strides = array<i32>} : memref<3840xf32, #tpu.memory_space<vmem>>, vector<16xf32>,
    %add3A_1559 = arith.constant 208 : i32
    %add3A_1560 = vector.broadcast %add3A_1559 : i32 to vector<16xi32>
    %add3A_1561 = arith.addi %get3A_379, %add3A_1560 : vector<16xi32>
    %gather3A_1562 = tpu.vector_load_idx %arg9[%add3A_1561] : memref<256xi32, #tpu.memory_space<vmem>>[vector<16xi32>], vector<16xi32>,
    %add3A_1563 = arith.addi %gather3A_1562, %add3A_444 : vector<16xi32>
    %gather3A_1564 = tpu.vector_load_idx %arg7[%add3A_1563] : memref<400xf32, #tpu.memory_space<vmem>>[vector<16xi32>], vector<16xf32>,
    %swap3A_1565 = arith.constant 1104 : index
    %swap3A_1566 = tpu.vector_load %arg10[%swap3A_1565] {strides = array<i32>} : memref<3840xf32, #tpu.memory_space<vmem>>, vector<16xf32>,
    tpu.vector_store %arg10[%swap3A_1565], %gather3A_1564 {strides = array<i32>} : memref<3840xf32, #tpu.memory_space<vmem>>, vector<16xf32>,
    %add3A_1567 = arith.addi %gather3A_1562, %add3A_449 : vector<16xi32>
    %gather3A_1568 = tpu.vector_load_idx %arg7[%add3A_1567] : memref<400xf32, #tpu.memory_space<vmem>>[vector<16xi32>], vector<16xf32>,
    %swap3A_1569 = arith.constant 2384 : index
    %swap3A_1570 = tpu.vector_load %arg10[%swap3A_1569] {strides = array<i32>} : memref<3840xf32, #tpu.memory_space<vmem>>, vector<16xf32>,
    tpu.vector_store %arg10[%swap3A_1569], %gather3A_1568 {strides = array<i32>} : memref<3840xf32, #tpu.memory_space<vmem>>, vector<16xf32>,
    %add3A_1571 = arith.addi %gather3A_1562, %add3A_454 : vector<16xi32>
    %gather3A_1572 = tpu.vector_load_idx %arg7[%add3A_1571] : memref<400xf32, #tpu.memory_space<vmem>>[vector<16xi32>], vector<16xf32>,
    %swap3A_1573 = arith.constant 3664 : index
    %swap3A_1574 = tpu.vector_load %arg10[%swap3A_1573] {strides = array<i32>} : memref<3840xf32, #tpu.memory_space<vmem>>, vector<16xf32>,
    tpu.vector_store %arg10[%swap3A_1573], %gather3A_1572 {strides = array<i32>} : memref<3840xf32, #tpu.memory_space<vmem>>, vector<16xf32>,
    %add3A_1575 = arith.constant 224 : i32
    %add3A_1576 = vector.broadcast %add3A_1575 : i32 to vector<16xi32>
    %add3A_1577 = arith.addi %get3A_371, %add3A_1576 : vector<16xi32>
    %gather3A_1578 = tpu.vector_load_idx %arg9[%add3A_1577] : memref<256xi32, #tpu.memory_space<vmem>>[vector<16xi32>], vector<16xi32>,
    %add3A_1579 = arith.addi %gather3A_1578, %add3A_384 : vector<16xi32>
    %gather3A_1580 = tpu.vector_load_idx %arg7[%add3A_1579] : memref<400xf32, #tpu.memory_space<vmem>>[vector<16xi32>], vector<16xf32>,
    %swap3A_1581 = arith.constant 1120 : index
    %swap3A_1582 = tpu.vector_load %arg10[%swap3A_1581] {strides = array<i32>} : memref<3840xf32, #tpu.memory_space<vmem>>, vector<16xf32>,
    tpu.vector_store %arg10[%swap3A_1581], %gather3A_1580 {strides = array<i32>} : memref<3840xf32, #tpu.memory_space<vmem>>, vector<16xf32>,
    %add3A_1583 = arith.addi %gather3A_1578, %add3A_389 : vector<16xi32>
    %gather3A_1584 = tpu.vector_load_idx %arg7[%add3A_1583] : memref<400xf32, #tpu.memory_space<vmem>>[vector<16xi32>], vector<16xf32>,
    %swap3A_1585 = arith.constant 2400 : index
    %swap3A_1586 = tpu.vector_load %arg10[%swap3A_1585] {strides = array<i32>} : memref<3840xf32, #tpu.memory_space<vmem>>, vector<16xf32>,
    tpu.vector_store %arg10[%swap3A_1585], %gather3A_1584 {strides = array<i32>} : memref<3840xf32, #tpu.memory_space<vmem>>, vector<16xf32>,
    %add3A_1587 = arith.addi %gather3A_1578, %add3A_394 : vector<16xi32>
    %gather3A_1588 = tpu.vector_load_idx %arg7[%add3A_1587] : memref<400xf32, #tpu.memory_space<vmem>>[vector<16xi32>], vector<16xf32>,
    %swap3A_1589 = arith.constant 3680 : index
    %swap3A_1590 = tpu.vector_load %arg10[%swap3A_1589] {strides = array<i32>} : memref<3840xf32, #tpu.memory_space<vmem>>, vector<16xf32>,
    tpu.vector_store %arg10[%swap3A_1589], %gather3A_1588 {strides = array<i32>} : memref<3840xf32, #tpu.memory_space<vmem>>, vector<16xf32>,
    %add3A_1591 = arith.constant 224 : i32
    %add3A_1592 = vector.broadcast %add3A_1591 : i32 to vector<16xi32>
    %add3A_1593 = arith.addi %get3A_373, %add3A_1592 : vector<16xi32>
    %gather3A_1594 = tpu.vector_load_idx %arg9[%add3A_1593] : memref<256xi32, #tpu.memory_space<vmem>>[vector<16xi32>], vector<16xi32>,
    %add3A_1595 = arith.addi %gather3A_1594, %add3A_399 : vector<16xi32>
    %gather3A_1596 = tpu.vector_load_idx %arg7[%add3A_1595] : memref<400xf32, #tpu.memory_space<vmem>>[vector<16xi32>], vector<16xf32>,
    %swap3A_1597 = arith.constant 1136 : index
    %swap3A_1598 = tpu.vector_load %arg10[%swap3A_1597] {strides = array<i32>} : memref<3840xf32, #tpu.memory_space<vmem>>, vector<16xf32>,
    tpu.vector_store %arg10[%swap3A_1597], %gather3A_1596 {strides = array<i32>} : memref<3840xf32, #tpu.memory_space<vmem>>, vector<16xf32>,
    %add3A_1599 = arith.addi %gather3A_1594, %add3A_404 : vector<16xi32>
    %gather3A_1600 = tpu.vector_load_idx %arg7[%add3A_1599] : memref<400xf32, #tpu.memory_space<vmem>>[vector<16xi32>], vector<16xf32>,
    %swap3A_1601 = arith.constant 2416 : index
    %swap3A_1602 = tpu.vector_load %arg10[%swap3A_1601] {strides = array<i32>} : memref<3840xf32, #tpu.memory_space<vmem>>, vector<16xf32>,
    tpu.vector_store %arg10[%swap3A_1601], %gather3A_1600 {strides = array<i32>} : memref<3840xf32, #tpu.memory_space<vmem>>, vector<16xf32>,
    %add3A_1603 = arith.addi %gather3A_1594, %add3A_409 : vector<16xi32>
    %gather3A_1604 = tpu.vector_load_idx %arg7[%add3A_1603] : memref<400xf32, #tpu.memory_space<vmem>>[vector<16xi32>], vector<16xf32>,
    %swap3A_1605 = arith.constant 3696 : index
    %swap3A_1606 = tpu.vector_load %arg10[%swap3A_1605] {strides = array<i32>} : memref<3840xf32, #tpu.memory_space<vmem>>, vector<16xf32>,
    tpu.vector_store %arg10[%swap3A_1605], %gather3A_1604 {strides = array<i32>} : memref<3840xf32, #tpu.memory_space<vmem>>, vector<16xf32>,
    %add3A_1607 = arith.constant 224 : i32
    %add3A_1608 = vector.broadcast %add3A_1607 : i32 to vector<16xi32>
    %add3A_1609 = arith.addi %get3A_375, %add3A_1608 : vector<16xi32>
    %gather3A_1610 = tpu.vector_load_idx %arg9[%add3A_1609] : memref<256xi32, #tpu.memory_space<vmem>>[vector<16xi32>], vector<16xi32>,
    %add3A_1611 = arith.addi %gather3A_1610, %add3A_414 : vector<16xi32>
    %gather3A_1612 = tpu.vector_load_idx %arg7[%add3A_1611] : memref<400xf32, #tpu.memory_space<vmem>>[vector<16xi32>], vector<16xf32>,
    %swap3A_1613 = arith.constant 1152 : index
    %swap3A_1614 = tpu.vector_load %arg10[%swap3A_1613] {strides = array<i32>} : memref<3840xf32, #tpu.memory_space<vmem>>, vector<16xf32>,
    tpu.vector_store %arg10[%swap3A_1613], %gather3A_1612 {strides = array<i32>} : memref<3840xf32, #tpu.memory_space<vmem>>, vector<16xf32>,
    %add3A_1615 = arith.addi %gather3A_1610, %add3A_419 : vector<16xi32>
    %gather3A_1616 = tpu.vector_load_idx %arg7[%add3A_1615] : memref<400xf32, #tpu.memory_space<vmem>>[vector<16xi32>], vector<16xf32>,
    %swap3A_1617 = arith.constant 2432 : index
    %swap3A_1618 = tpu.vector_load %arg10[%swap3A_1617] {strides = array<i32>} : memref<3840xf32, #tpu.memory_space<vmem>>, vector<16xf32>,
    tpu.vector_store %arg10[%swap3A_1617], %gather3A_1616 {strides = array<i32>} : memref<3840xf32, #tpu.memory_space<vmem>>, vector<16xf32>,
    %add3A_1619 = arith.addi %gather3A_1610, %add3A_424 : vector<16xi32>
    %gather3A_1620 = tpu.vector_load_idx %arg7[%add3A_1619] : memref<400xf32, #tpu.memory_space<vmem>>[vector<16xi32>], vector<16xf32>,
    %swap3A_1621 = arith.constant 3712 : index
    %swap3A_1622 = tpu.vector_load %arg10[%swap3A_1621] {strides = array<i32>} : memref<3840xf32, #tpu.memory_space<vmem>>, vector<16xf32>,
    tpu.vector_store %arg10[%swap3A_1621], %gather3A_1620 {strides = array<i32>} : memref<3840xf32, #tpu.memory_space<vmem>>, vector<16xf32>,
    %add3A_1623 = arith.constant 224 : i32
    %add3A_1624 = vector.broadcast %add3A_1623 : i32 to vector<16xi32>
    %add3A_1625 = arith.addi %get3A_377, %add3A_1624 : vector<16xi32>
    %gather3A_1626 = tpu.vector_load_idx %arg9[%add3A_1625] : memref<256xi32, #tpu.memory_space<vmem>>[vector<16xi32>], vector<16xi32>,
    %add3A_1627 = arith.addi %gather3A_1626, %add3A_429 : vector<16xi32>
    %gather3A_1628 = tpu.vector_load_idx %arg7[%add3A_1627] : memref<400xf32, #tpu.memory_space<vmem>>[vector<16xi32>], vector<16xf32>,
    %swap3A_1629 = arith.constant 1168 : index
    %swap3A_1630 = tpu.vector_load %arg10[%swap3A_1629] {strides = array<i32>} : memref<3840xf32, #tpu.memory_space<vmem>>, vector<16xf32>,
    tpu.vector_store %arg10[%swap3A_1629], %gather3A_1628 {strides = array<i32>} : memref<3840xf32, #tpu.memory_space<vmem>>, vector<16xf32>,
    %add3A_1631 = arith.addi %gather3A_1626, %add3A_434 : vector<16xi32>
    %gather3A_1632 = tpu.vector_load_idx %arg7[%add3A_1631] : memref<400xf32, #tpu.memory_space<vmem>>[vector<16xi32>], vector<16xf32>,
    %swap3A_1633 = arith.constant 2448 : index
    %swap3A_1634 = tpu.vector_load %arg10[%swap3A_1633] {strides = array<i32>} : memref<3840xf32, #tpu.memory_space<vmem>>, vector<16xf32>,
    tpu.vector_store %arg10[%swap3A_1633], %gather3A_1632 {strides = array<i32>} : memref<3840xf32, #tpu.memory_space<vmem>>, vector<16xf32>,
    %add3A_1635 = arith.addi %gather3A_1626, %add3A_439 : vector<16xi32>
    %gather3A_1636 = tpu.vector_load_idx %arg7[%add3A_1635] : memref<400xf32, #tpu.memory_space<vmem>>[vector<16xi32>], vector<16xf32>,
    %swap3A_1637 = arith.constant 3728 : index
    %swap3A_1638 = tpu.vector_load %arg10[%swap3A_1637] {strides = array<i32>} : memref<3840xf32, #tpu.memory_space<vmem>>, vector<16xf32>,
    tpu.vector_store %arg10[%swap3A_1637], %gather3A_1636 {strides = array<i32>} : memref<3840xf32, #tpu.memory_space<vmem>>, vector<16xf32>,
    %add3A_1639 = arith.constant 224 : i32
    %add3A_1640 = vector.broadcast %add3A_1639 : i32 to vector<16xi32>
    %add3A_1641 = arith.addi %get3A_379, %add3A_1640 : vector<16xi32>
    %gather3A_1642 = tpu.vector_load_idx %arg9[%add3A_1641] : memref<256xi32, #tpu.memory_space<vmem>>[vector<16xi32>], vector<16xi32>,
    %add3A_1643 = arith.addi %gather3A_1642, %add3A_444 : vector<16xi32>
    %gather3A_1644 = tpu.vector_load_idx %arg7[%add3A_1643] : memref<400xf32, #tpu.memory_space<vmem>>[vector<16xi32>], vector<16xf32>,
    %swap3A_1645 = arith.constant 1184 : index
    %swap3A_1646 = tpu.vector_load %arg10[%swap3A_1645] {strides = array<i32>} : memref<3840xf32, #tpu.memory_space<vmem>>, vector<16xf32>,
    tpu.vector_store %arg10[%swap3A_1645], %gather3A_1644 {strides = array<i32>} : memref<3840xf32, #tpu.memory_space<vmem>>, vector<16xf32>,
    %add3A_1647 = arith.addi %gather3A_1642, %add3A_449 : vector<16xi32>
    %gather3A_1648 = tpu.vector_load_idx %arg7[%add3A_1647] : memref<400xf32, #tpu.memory_space<vmem>>[vector<16xi32>], vector<16xf32>,
    %swap3A_1649 = arith.constant 2464 : index
    %swap3A_1650 = tpu.vector_load %arg10[%swap3A_1649] {strides = array<i32>} : memref<3840xf32, #tpu.memory_space<vmem>>, vector<16xf32>,
    tpu.vector_store %arg10[%swap3A_1649], %gather3A_1648 {strides = array<i32>} : memref<3840xf32, #tpu.memory_space<vmem>>, vector<16xf32>,
    %add3A_1651 = arith.addi %gather3A_1642, %add3A_454 : vector<16xi32>
    %gather3A_1652 = tpu.vector_load_idx %arg7[%add3A_1651] : memref<400xf32, #tpu.memory_space<vmem>>[vector<16xi32>], vector<16xf32>,
    %swap3A_1653 = arith.constant 3744 : index
    %swap3A_1654 = tpu.vector_load %arg10[%swap3A_1653] {strides = array<i32>} : memref<3840xf32, #tpu.memory_space<vmem>>, vector<16xf32>,
    tpu.vector_store %arg10[%swap3A_1653], %gather3A_1652 {strides = array<i32>} : memref<3840xf32, #tpu.memory_space<vmem>>, vector<16xf32>,
    %add3A_1655 = arith.constant 240 : i32
    %add3A_1656 = vector.broadcast %add3A_1655 : i32 to vector<16xi32>
    %add3A_1657 = arith.addi %get3A_371, %add3A_1656 : vector<16xi32>
    %gather3A_1658 = tpu.vector_load_idx %arg9[%add3A_1657] : memref<256xi32, #tpu.memory_space<vmem>>[vector<16xi32>], vector<16xi32>,
    %add3A_1659 = arith.addi %gather3A_1658, %add3A_384 : vector<16xi32>
    %gather3A_1660 = tpu.vector_load_idx %arg7[%add3A_1659] : memref<400xf32, #tpu.memory_space<vmem>>[vector<16xi32>], vector<16xf32>,
    %swap3A_1661 = arith.constant 1200 : index
    %swap3A_1662 = tpu.vector_load %arg10[%swap3A_1661] {strides = array<i32>} : memref<3840xf32, #tpu.memory_space<vmem>>, vector<16xf32>,
    tpu.vector_store %arg10[%swap3A_1661], %gather3A_1660 {strides = array<i32>} : memref<3840xf32, #tpu.memory_space<vmem>>, vector<16xf32>,
    %add3A_1663 = arith.addi %gather3A_1658, %add3A_389 : vector<16xi32>
    %gather3A_1664 = tpu.vector_load_idx %arg7[%add3A_1663] : memref<400xf32, #tpu.memory_space<vmem>>[vector<16xi32>], vector<16xf32>,
    %swap3A_1665 = arith.constant 2480 : index
    %swap3A_1666 = tpu.vector_load %arg10[%swap3A_1665] {strides = array<i32>} : memref<3840xf32, #tpu.memory_space<vmem>>, vector<16xf32>,
    tpu.vector_store %arg10[%swap3A_1665], %gather3A_1664 {strides = array<i32>} : memref<3840xf32, #tpu.memory_space<vmem>>, vector<16xf32>,
    %add3A_1667 = arith.addi %gather3A_1658, %add3A_394 : vector<16xi32>
    %gather3A_1668 = tpu.vector_load_idx %arg7[%add3A_1667] : memref<400xf32, #tpu.memory_space<vmem>>[vector<16xi32>], vector<16xf32>,
    %swap3A_1669 = arith.constant 3760 : index
    %swap3A_1670 = tpu.vector_load %arg10[%swap3A_1669] {strides = array<i32>} : memref<3840xf32, #tpu.memory_space<vmem>>, vector<16xf32>,
    tpu.vector_store %arg10[%swap3A_1669], %gather3A_1668 {strides = array<i32>} : memref<3840xf32, #tpu.memory_space<vmem>>, vector<16xf32>,
    %add3A_1671 = arith.constant 240 : i32
    %add3A_1672 = vector.broadcast %add3A_1671 : i32 to vector<16xi32>
    %add3A_1673 = arith.addi %get3A_373, %add3A_1672 : vector<16xi32>
    %gather3A_1674 = tpu.vector_load_idx %arg9[%add3A_1673] : memref<256xi32, #tpu.memory_space<vmem>>[vector<16xi32>], vector<16xi32>,
    %add3A_1675 = arith.addi %gather3A_1674, %add3A_399 : vector<16xi32>
    %gather3A_1676 = tpu.vector_load_idx %arg7[%add3A_1675] : memref<400xf32, #tpu.memory_space<vmem>>[vector<16xi32>], vector<16xf32>,
    %swap3A_1677 = arith.constant 1216 : index
    %swap3A_1678 = tpu.vector_load %arg10[%swap3A_1677] {strides = array<i32>} : memref<3840xf32, #tpu.memory_space<vmem>>, vector<16xf32>,
    tpu.vector_store %arg10[%swap3A_1677], %gather3A_1676 {strides = array<i32>} : memref<3840xf32, #tpu.memory_space<vmem>>, vector<16xf32>,
    %add3A_1679 = arith.addi %gather3A_1674, %add3A_404 : vector<16xi32>
    %gather3A_1680 = tpu.vector_load_idx %arg7[%add3A_1679] : memref<400xf32, #tpu.memory_space<vmem>>[vector<16xi32>], vector<16xf32>,
    %swap3A_1681 = arith.constant 2496 : index
    %swap3A_1682 = tpu.vector_load %arg10[%swap3A_1681] {strides = array<i32>} : memref<3840xf32, #tpu.memory_space<vmem>>, vector<16xf32>,
    tpu.vector_store %arg10[%swap3A_1681], %gather3A_1680 {strides = array<i32>} : memref<3840xf32, #tpu.memory_space<vmem>>, vector<16xf32>,
    %add3A_1683 = arith.addi %gather3A_1674, %add3A_409 : vector<16xi32>
    %gather3A_1684 = tpu.vector_load_idx %arg7[%add3A_1683] : memref<400xf32, #tpu.memory_space<vmem>>[vector<16xi32>], vector<16xf32>,
    %swap3A_1685 = arith.constant 3776 : index
    %swap3A_1686 = tpu.vector_load %arg10[%swap3A_1685] {strides = array<i32>} : memref<3840xf32, #tpu.memory_space<vmem>>, vector<16xf32>,
    tpu.vector_store %arg10[%swap3A_1685], %gather3A_1684 {strides = array<i32>} : memref<3840xf32, #tpu.memory_space<vmem>>, vector<16xf32>,
    %add3A_1687 = arith.constant 240 : i32
    %add3A_1688 = vector.broadcast %add3A_1687 : i32 to vector<16xi32>
    %add3A_1689 = arith.addi %get3A_375, %add3A_1688 : vector<16xi32>
    %gather3A_1690 = tpu.vector_load_idx %arg9[%add3A_1689] : memref<256xi32, #tpu.memory_space<vmem>>[vector<16xi32>], vector<16xi32>,
    %add3A_1691 = arith.addi %gather3A_1690, %add3A_414 : vector<16xi32>
    %gather3A_1692 = tpu.vector_load_idx %arg7[%add3A_1691] : memref<400xf32, #tpu.memory_space<vmem>>[vector<16xi32>], vector<16xf32>,
    %swap3A_1693 = arith.constant 1232 : index
    %swap3A_1694 = tpu.vector_load %arg10[%swap3A_1693] {strides = array<i32>} : memref<3840xf32, #tpu.memory_space<vmem>>, vector<16xf32>,
    tpu.vector_store %arg10[%swap3A_1693], %gather3A_1692 {strides = array<i32>} : memref<3840xf32, #tpu.memory_space<vmem>>, vector<16xf32>,
    %add3A_1695 = arith.addi %gather3A_1690, %add3A_419 : vector<16xi32>
    %gather3A_1696 = tpu.vector_load_idx %arg7[%add3A_1695] : memref<400xf32, #tpu.memory_space<vmem>>[vector<16xi32>], vector<16xf32>,
    %swap3A_1697 = arith.constant 2512 : index
    %swap3A_1698 = tpu.vector_load %arg10[%swap3A_1697] {strides = array<i32>} : memref<3840xf32, #tpu.memory_space<vmem>>, vector<16xf32>,
    tpu.vector_store %arg10[%swap3A_1697], %gather3A_1696 {strides = array<i32>} : memref<3840xf32, #tpu.memory_space<vmem>>, vector<16xf32>,
    %add3A_1699 = arith.addi %gather3A_1690, %add3A_424 : vector<16xi32>
    %gather3A_1700 = tpu.vector_load_idx %arg7[%add3A_1699] : memref<400xf32, #tpu.memory_space<vmem>>[vector<16xi32>], vector<16xf32>,
    %swap3A_1701 = arith.constant 3792 : index
    %swap3A_1702 = tpu.vector_load %arg10[%swap3A_1701] {strides = array<i32>} : memref<3840xf32, #tpu.memory_space<vmem>>, vector<16xf32>,
    tpu.vector_store %arg10[%swap3A_1701], %gather3A_1700 {strides = array<i32>} : memref<3840xf32, #tpu.memory_space<vmem>>, vector<16xf32>,
    %add3A_1703 = arith.constant 240 : i32
    %add3A_1704 = vector.broadcast %add3A_1703 : i32 to vector<16xi32>
    %add3A_1705 = arith.addi %get3A_377, %add3A_1704 : vector<16xi32>
    %gather3A_1706 = tpu.vector_load_idx %arg9[%add3A_1705] : memref<256xi32, #tpu.memory_space<vmem>>[vector<16xi32>], vector<16xi32>,
    %add3A_1707 = arith.addi %gather3A_1706, %add3A_429 : vector<16xi32>
    %gather3A_1708 = tpu.vector_load_idx %arg7[%add3A_1707] : memref<400xf32, #tpu.memory_space<vmem>>[vector<16xi32>], vector<16xf32>,
    %swap3A_1709 = arith.constant 1248 : index
    %swap3A_1710 = tpu.vector_load %arg10[%swap3A_1709] {strides = array<i32>} : memref<3840xf32, #tpu.memory_space<vmem>>, vector<16xf32>,
    tpu.vector_store %arg10[%swap3A_1709], %gather3A_1708 {strides = array<i32>} : memref<3840xf32, #tpu.memory_space<vmem>>, vector<16xf32>,
    %add3A_1711 = arith.addi %gather3A_1706, %add3A_434 : vector<16xi32>
    %gather3A_1712 = tpu.vector_load_idx %arg7[%add3A_1711] : memref<400xf32, #tpu.memory_space<vmem>>[vector<16xi32>], vector<16xf32>,
    %swap3A_1713 = arith.constant 2528 : index
    %swap3A_1714 = tpu.vector_load %arg10[%swap3A_1713] {strides = array<i32>} : memref<3840xf32, #tpu.memory_space<vmem>>, vector<16xf32>,
    tpu.vector_store %arg10[%swap3A_1713], %gather3A_1712 {strides = array<i32>} : memref<3840xf32, #tpu.memory_space<vmem>>, vector<16xf32>,
    %add3A_1715 = arith.addi %gather3A_1706, %add3A_439 : vector<16xi32>
    %gather3A_1716 = tpu.vector_load_idx %arg7[%add3A_1715] : memref<400xf32, #tpu.memory_space<vmem>>[vector<16xi32>], vector<16xf32>,
    %swap3A_1717 = arith.constant 3808 : index
    %swap3A_1718 = tpu.vector_load %arg10[%swap3A_1717] {strides = array<i32>} : memref<3840xf32, #tpu.memory_space<vmem>>, vector<16xf32>,
    tpu.vector_store %arg10[%swap3A_1717], %gather3A_1716 {strides = array<i32>} : memref<3840xf32, #tpu.memory_space<vmem>>, vector<16xf32>,
    %add3A_1719 = arith.constant 240 : i32
    %add3A_1720 = vector.broadcast %add3A_1719 : i32 to vector<16xi32>
    %add3A_1721 = arith.addi %get3A_379, %add3A_1720 : vector<16xi32>
    %gather3A_1722 = tpu.vector_load_idx %arg9[%add3A_1721] : memref<256xi32, #tpu.memory_space<vmem>>[vector<16xi32>], vector<16xi32>,
    %add3A_1723 = arith.addi %gather3A_1722, %add3A_444 : vector<16xi32>
    %gather3A_1724 = tpu.vector_load_idx %arg7[%add3A_1723] : memref<400xf32, #tpu.memory_space<vmem>>[vector<16xi32>], vector<16xf32>,
    %swap3A_1725 = arith.constant 1264 : index
    %swap3A_1726 = tpu.vector_load %arg10[%swap3A_1725] {strides = array<i32>} : memref<3840xf32, #tpu.memory_space<vmem>>, vector<16xf32>,
    tpu.vector_store %arg10[%swap3A_1725], %gather3A_1724 {strides = array<i32>} : memref<3840xf32, #tpu.memory_space<vmem>>, vector<16xf32>,
    %add3A_1727 = arith.addi %gather3A_1722, %add3A_449 : vector<16xi32>
    %gather3A_1728 = tpu.vector_load_idx %arg7[%add3A_1727] : memref<400xf32, #tpu.memory_space<vmem>>[vector<16xi32>], vector<16xf32>,
    %swap3A_1729 = arith.constant 2544 : index
    %swap3A_1730 = tpu.vector_load %arg10[%swap3A_1729] {strides = array<i32>} : memref<3840xf32, #tpu.memory_space<vmem>>, vector<16xf32>,
    tpu.vector_store %arg10[%swap3A_1729], %gather3A_1728 {strides = array<i32>} : memref<3840xf32, #tpu.memory_space<vmem>>, vector<16xf32>,
    %add3A_1731 = arith.addi %gather3A_1722, %add3A_454 : vector<16xi32>
    %gather3A_1732 = tpu.vector_load_idx %arg7[%add3A_1731] : memref<400xf32, #tpu.memory_space<vmem>>[vector<16xi32>], vector<16xf32>,
    %swap3A_1733 = arith.constant 3824 : index
    %swap3A_1734 = tpu.vector_load %arg10[%swap3A_1733] {strides = array<i32>} : memref<3840xf32, #tpu.memory_space<vmem>>, vector<16xf32>,
    tpu.vector_store %arg10[%swap3A_1733], %gather3A_1732 {strides = array<i32>} : memref<3840xf32, #tpu.memory_space<vmem>>, vector<16xf32>,
    %mul3A_1735 = arith.constant 1280 : i32
    %mul3A_1736 = arith.muli %add3A, %mul3A_1735 : i32
    %add3A_1737 = arith.constant 0 : i32
    %add3A_1738 = arith.addi %add3A_1737, %mul3A_1736 : i32
    %dma_start3A_1739 = arith.constant 0 : i32
    %dma_start3A_1740 = tpu.memref_slice %arg10[%dma_start3A_1739] : memref<3840xf32, #tpu.memory_space<vmem>> -> memref<1280xf32, #tpu.memory_space<vmem>>
    %dma_start3A_1741 = tpu.memref_slice %arg5[%add3A_1738] : memref<122880xf32, #tpu.memory_space<hbm>> -> memref<1280xf32, #tpu.memory_space<hbm>>
    %dma_start3A_1742 = tpu.memref_slice %arg5[%add3A_1738] : memref<122880xf32, #tpu.memory_space<hbm>> -> memref<1280xf32, #tpu.memory_space<hbm>>
    %dma_start3A_1743 = arith.constant 0 : i32
    %dma_start3A_1744 = tpu.memref_slice %arg10[%dma_start3A_1743] : memref<3840xf32, #tpu.memory_space<vmem>> -> memref<1280xf32, #tpu.memory_space<vmem>>
    tpu.enqueue_dma source(%dma_start3A_1744 : memref<1280xf32, #tpu.memory_space<vmem>>) target(%dma_start3A_1742 : memref<1280xf32, #tpu.memory_space<hbm>>) target_semaphore(%arg11 : memref<!tpu.dma_semaphore, #tpu.memory_space<semaphore_mem>>)
    %mul3A_1745 = arith.constant 1280 : i32
    %mul3A_1746 = arith.muli %add3A, %mul3A_1745 : i32
    %add3A_1747 = arith.constant 40960 : i32
    %add3A_1748 = arith.addi %add3A_1747, %mul3A_1746 : i32
    %dma_start3A_1749 = arith.constant 1280 : i32
    %dma_start3A_1750 = tpu.memref_slice %arg10[%dma_start3A_1749] : memref<3840xf32, #tpu.memory_space<vmem>> -> memref<1280xf32, #tpu.memory_space<vmem>>
    %dma_start3A_1751 = tpu.memref_slice %arg5[%add3A_1748] : memref<122880xf32, #tpu.memory_space<hbm>> -> memref<1280xf32, #tpu.memory_space<hbm>>
    %dma_start3A_1752 = tpu.memref_slice %arg5[%add3A_1748] : memref<122880xf32, #tpu.memory_space<hbm>> -> memref<1280xf32, #tpu.memory_space<hbm>>
    %dma_start3A_1753 = arith.constant 1280 : i32
    %dma_start3A_1754 = tpu.memref_slice %arg10[%dma_start3A_1753] : memref<3840xf32, #tpu.memory_space<vmem>> -> memref<1280xf32, #tpu.memory_space<vmem>>
    tpu.enqueue_dma source(%dma_start3A_1754 : memref<1280xf32, #tpu.memory_space<vmem>>) target(%dma_start3A_1752 : memref<1280xf32, #tpu.memory_space<hbm>>) target_semaphore(%arg11 : memref<!tpu.dma_semaphore, #tpu.memory_space<semaphore_mem>>)
    %mul3A_1755 = arith.constant 1280 : i32
    %mul3A_1756 = arith.muli %add3A, %mul3A_1755 : i32
    %add3A_1757 = arith.constant 81920 : i32
    %add3A_1758 = arith.addi %add3A_1757, %mul3A_1756 : i32
    %dma_start3A_1759 = arith.constant 2560 : i32
    %dma_start3A_1760 = tpu.memref_slice %arg10[%dma_start3A_1759] : memref<3840xf32, #tpu.memory_space<vmem>> -> memref<1280xf32, #tpu.memory_space<vmem>>
    %dma_start3A_1761 = tpu.memref_slice %arg5[%add3A_1758] : memref<122880xf32, #tpu.memory_space<hbm>> -> memref<1280xf32, #tpu.memory_space<hbm>>
    %dma_start3A_1762 = tpu.memref_slice %arg5[%add3A_1758] : memref<122880xf32, #tpu.memory_space<hbm>> -> memref<1280xf32, #tpu.memory_space<hbm>>
    %dma_start3A_1763 = arith.constant 2560 : i32
    %dma_start3A_1764 = tpu.memref_slice %arg10[%dma_start3A_1763] : memref<3840xf32, #tpu.memory_space<vmem>> -> memref<1280xf32, #tpu.memory_space<vmem>>
    tpu.enqueue_dma source(%dma_start3A_1764 : memref<1280xf32, #tpu.memory_space<vmem>>) target(%dma_start3A_1762 : memref<1280xf32, #tpu.memory_space<hbm>>) target_semaphore(%arg11 : memref<!tpu.dma_semaphore, #tpu.memory_space<semaphore_mem>>)
    %dma_wait3A_1765 = arith.constant 0 : i32
    %dma_wait3A_1766 = tpu.memref_slice %arg10[%dma_wait3A_1765] : memref<3840xf32, #tpu.memory_space<vmem>> -> memref<1280xf32, #tpu.memory_space<vmem>>
    %dma_wait3A_1767 = tpu.memref_slice %arg5[%add3A_1738] : memref<122880xf32, #tpu.memory_space<hbm>> -> memref<1280xf32, #tpu.memory_space<hbm>>
    %dma_wait3A_1768 = tpu.memref_slice %arg5[%add3A_1738] : memref<122880xf32, #tpu.memory_space<hbm>> -> memref<1280xf32, #tpu.memory_space<hbm>>
    %dma_wait3A_1769 = arith.constant 0 : i32
    %dma_wait3A_1770 = tpu.memref_slice %arg10[%dma_wait3A_1769] : memref<3840xf32, #tpu.memory_space<vmem>> -> memref<1280xf32, #tpu.memory_space<vmem>>
    tpu.wait_dma2 semaphore(%arg11 : memref<!tpu.dma_semaphore, #tpu.memory_space<semaphore_mem>>) src(%dma_wait3A_1770 : memref<1280xf32, #tpu.memory_space<vmem>>) dst(%dma_wait3A_1768 : memref<1280xf32, #tpu.memory_space<hbm>>)
    %dma_wait3A_1771 = arith.constant 1280 : i32
    %dma_wait3A_1772 = tpu.memref_slice %arg10[%dma_wait3A_1771] : memref<3840xf32, #tpu.memory_space<vmem>> -> memref<1280xf32, #tpu.memory_space<vmem>>
    %dma_wait3A_1773 = tpu.memref_slice %arg5[%add3A_1748] : memref<122880xf32, #tpu.memory_space<hbm>> -> memref<1280xf32, #tpu.memory_space<hbm>>
    %dma_wait3A_1774 = tpu.memref_slice %arg5[%add3A_1748] : memref<122880xf32, #tpu.memory_space<hbm>> -> memref<1280xf32, #tpu.memory_space<hbm>>
    %dma_wait3A_1775 = arith.constant 1280 : i32
    %dma_wait3A_1776 = tpu.memref_slice %arg10[%dma_wait3A_1775] : memref<3840xf32, #tpu.memory_space<vmem>> -> memref<1280xf32, #tpu.memory_space<vmem>>
    tpu.wait_dma2 semaphore(%arg11 : memref<!tpu.dma_semaphore, #tpu.memory_space<semaphore_mem>>) src(%dma_wait3A_1776 : memref<1280xf32, #tpu.memory_space<vmem>>) dst(%dma_wait3A_1774 : memref<1280xf32, #tpu.memory_space<hbm>>)
    %dma_wait3A_1777 = arith.constant 2560 : i32
    %dma_wait3A_1778 = tpu.memref_slice %arg10[%dma_wait3A_1777] : memref<3840xf32, #tpu.memory_space<vmem>> -> memref<1280xf32, #tpu.memory_space<vmem>>
    %dma_wait3A_1779 = tpu.memref_slice %arg5[%add3A_1758] : memref<122880xf32, #tpu.memory_space<hbm>> -> memref<1280xf32, #tpu.memory_space<hbm>>
    %dma_wait3A_1780 = tpu.memref_slice %arg5[%add3A_1758] : memref<122880xf32, #tpu.memory_space<hbm>> -> memref<1280xf32, #tpu.memory_space<hbm>>
    %dma_wait3A_1781 = arith.constant 2560 : i32
    %dma_wait3A_1782 = tpu.memref_slice %arg10[%dma_wait3A_1781] : memref<3840xf32, #tpu.memory_space<vmem>> -> memref<1280xf32, #tpu.memory_space<vmem>>
    tpu.wait_dma2 semaphore(%arg11 : memref<!tpu.dma_semaphore, #tpu.memory_space<semaphore_mem>>) src(%dma_wait3A_1782 : memref<1280xf32, #tpu.memory_space<vmem>>) dst(%dma_wait3A_1780 : memref<1280xf32, #tpu.memory_space<hbm>>)
    return
  }
}

module attributes {stable_mosaic.version = 14 : i64} {
  func.func @_table_body(%arg0: memref<5x60xf32, #tpu.memory_space<vmem>>, %arg1: memref<5x60xf32, #tpu.memory_space<vmem>>, %arg2: memref<3x12xf32, #tpu.memory_space<vmem>>, %arg3: memref<1x3xf32, #tpu.memory_space<vmem>>, %arg4: memref<25x16xf32, #tpu.memory_space<vmem>>) attributes {dimension_semantics = [], scalar_prefetch = 0 : i64, scratch_operands = 0 : i64, tpu.core_type = #tpu.core_type<tc>} {
    %get3A = arith.constant 0 : index
    %get3A_0 = arith.constant 0 : index
    %get3A_1 = vector.load %arg0[%get3A, %get3A_0] : memref<5x60xf32, #tpu.memory_space<vmem>>, vector<5x60xf32>
    %get3A_2 = arith.constant 0 : index
    %get3A_3 = arith.constant 0 : index
    %get3A_4 = vector.load %arg1[%get3A_2, %get3A_3] : memref<5x60xf32, #tpu.memory_space<vmem>>, vector<5x60xf32>
    %get3A_5 = arith.constant 0 : index
    %get3A_6 = arith.constant 0 : index
    %get3A_7 = vector.load %arg2[%get3A_5, %get3A_6] : memref<3x12xf32, #tpu.memory_space<vmem>>, vector<3x12xf32>
    %get3A_8 = arith.constant 0 : index
    %get3A_9 = arith.constant 0 : index
    %get3A_10 = vector.load %arg3[%get3A_8, %get3A_9] : memref<1x3xf32, #tpu.memory_space<vmem>>, vector<1x3xf32>
    %iota3A = tpu.iota {dimensions = array<i32: 0>} : vector<60x12xi32>
    %iota3A_11 = tpu.iota {dimensions = array<i32: 1>} : vector<60x12xi32>
    %jit3A = arith.constant 12 : i32
    %eq3A = arith.constant 0 : i32
    %eq3A_12 = arith.cmpi eq, %jit3A, %eq3A : i32
    %jit3A_13 = arith.constant 1 : i32
    %select_n3A = arith.select %eq3A_12, %jit3A_13, %jit3A : i32
    %rem3A = vector.broadcast %select_n3A : i32 to vector<60x12xi32>
    %rem3A_14 = arith.remsi %iota3A, %rem3A : vector<60x12xi32>
    %ne3A = arith.constant 0 : i32
    %ne3A_15 = vector.broadcast %ne3A : i32 to vector<60x12xi32>
    %ne3A_16 = arith.cmpi ne, %rem3A_14, %ne3A_15 : vector<60x12xi32>
    %lt3A = arith.constant 0 : i32
    %lt3A_17 = vector.broadcast %lt3A : i32 to vector<60x12xi32>
    %lt3A_18 = arith.cmpi slt, %rem3A_14, %lt3A_17 : vector<60x12xi32>
    %lt3A_19 = arith.constant 0 : i32
    %lt3A_20 = arith.cmpi slt, %select_n3A, %lt3A_19 : i32
    %ne3A_21 = vector.broadcast %lt3A_20 : i1 to vector<60x12xi1>
    %ne3A_22 = vector.broadcast %ne3A_21 : vector<60x12xi1> to vector<60x12xi1>
    %ne3A_23 = arith.xori %lt3A_18, %ne3A_22 : vector<60x12xi1>
    %and3A = arith.andi %ne3A_23, %ne3A_16 : vector<60x12xi1>
    %add3A = vector.broadcast %select_n3A : i32 to vector<60x12xi32>
    %add3A_24 = arith.addi %rem3A_14, %add3A : vector<60x12xi32>
    %select_n3A_25 = arith.select %and3A, %add3A_24, %rem3A_14 : vector<60x12xi1>, vector<60x12xi32>
    %eq3A_26 = arith.cmpi eq, %select_n3A_25, %iota3A_11 : vector<60x12xi32>
    %convert_element_type3A = arith.extui %eq3A_26 : vector<60x12xi1> to vector<60x12xi32>
    %convert_element_type3A_27 = arith.sitofp %convert_element_type3A : vector<60x12xi32> to vector<60x12xf32>
    %dot_general3A = arith.constant dense<0.000000e+00> : vector<60x3xf32>
    %dot_general3A_28 = tpu.matmul %convert_element_type3A_27, %get3A_7, %dot_general3A {dimension_numbers = #tpu.dot_dimension_numbers<[1], [1], [0], [0], [0, 0, 1, 0], [], []>, precision = #tpu.contract_precision<fp32>, transpose_lhs_hint = false} : vector<60x12xf32>, vector<3x12xf32>, vector<60x3xf32> -> vector<60x3xf32>
    %iota3A_29 = tpu.iota {dimensions = array<i32: 0>} : vector<3x16xi32>
    %iota3A_30 = tpu.iota {dimensions = array<i32: 1>} : vector<3x16xi32>
    %jit3A_31 = arith.constant 3 : i32
    %eq3A_32 = arith.constant 0 : i32
    %eq3A_33 = arith.cmpi eq, %jit3A_31, %eq3A_32 : i32
    %jit3A_34 = arith.constant 1 : i32
    %select_n3A_35 = arith.select %eq3A_33, %jit3A_34, %jit3A_31 : i32
    %rem3A_36 = vector.broadcast %select_n3A_35 : i32 to vector<3x16xi32>
    %rem3A_37 = arith.remsi %iota3A_30, %rem3A_36 : vector<3x16xi32>
    %ne3A_38 = arith.constant 0 : i32
    %ne3A_39 = vector.broadcast %ne3A_38 : i32 to vector<3x16xi32>
    %ne3A_40 = arith.cmpi ne, %rem3A_37, %ne3A_39 : vector<3x16xi32>
    %lt3A_41 = arith.constant 0 : i32
    %lt3A_42 = vector.broadcast %lt3A_41 : i32 to vector<3x16xi32>
    %lt3A_43 = arith.cmpi slt, %rem3A_37, %lt3A_42 : vector<3x16xi32>
    %lt3A_44 = arith.constant 0 : i32
    %lt3A_45 = arith.cmpi slt, %select_n3A_35, %lt3A_44 : i32
    %ne3A_46 = vector.broadcast %lt3A_45 : i1 to vector<3x16xi1>
    %ne3A_47 = vector.broadcast %ne3A_46 : vector<3x16xi1> to vector<3x16xi1>
    %ne3A_48 = arith.xori %lt3A_43, %ne3A_47 : vector<3x16xi1>
    %and3A_49 = arith.andi %ne3A_48, %ne3A_40 : vector<3x16xi1>
    %add3A_50 = vector.broadcast %select_n3A_35 : i32 to vector<3x16xi32>
    %add3A_51 = arith.addi %rem3A_37, %add3A_50 : vector<3x16xi32>
    %select_n3A_52 = arith.select %and3A_49, %add3A_51, %rem3A_37 : vector<3x16xi1>, vector<3x16xi32>
    %eq3A_53 = arith.cmpi eq, %select_n3A_52, %iota3A_29 : vector<3x16xi32>
    %convert_element_type3A_54 = arith.extui %eq3A_53 : vector<3x16xi1> to vector<3x16xi32>
    %convert_element_type3A_55 = arith.sitofp %convert_element_type3A_54 : vector<3x16xi32> to vector<3x16xf32>
    %dot_general3A_56 = arith.constant dense<0.000000e+00> : vector<60x16xf32>
    %dot_general3A_57 = tpu.matmul %dot_general3A_28, %convert_element_type3A_55, %dot_general3A_56 {dimension_numbers = #tpu.dot_dimension_numbers<[1], [0], [0], [1], [0, 0, 1, 1], [], []>, precision = #tpu.contract_precision<fp32>, transpose_lhs_hint = false} : vector<60x3xf32>, vector<3x16xf32>, vector<60x16xf32> -> vector<60x16xf32>
    %iota3A_58 = tpu.iota {dimensions = array<i32: 0>} : vector<60x16xi32>
    %iota3A_59 = tpu.iota {dimensions = array<i32: 1>} : vector<60x16xi32>
    %jit3A_60 = arith.constant 12 : i32
    %div3A = vector.broadcast %jit3A_60 : i32 to vector<60x16xi32>
    %div3A_61 = arith.divsi %iota3A_58, %div3A : vector<60x16xi32>
    %sign3A = arith.constant 0 : i32
    %sign3A_62 = vector.broadcast %sign3A : i32 to vector<60x16xi32>
    %sign3A_63 = arith.cmpi sgt, %iota3A_58, %sign3A_62 : vector<60x16xi32>
    %sign3A_64 = arith.extui %sign3A_63 : vector<60x16xi1> to vector<60x16xi32>
    %sign3A_65 = arith.constant 0 : i32
    %sign3A_66 = vector.broadcast %sign3A_65 : i32 to vector<60x16xi32>
    %sign3A_67 = arith.cmpi slt, %iota3A_58, %sign3A_66 : vector<60x16xi32>
    %sign3A_68 = arith.extui %sign3A_67 : vector<60x16xi1> to vector<60x16xi32>
    %sign3A_69 = arith.subi %sign3A_64, %sign3A_68 : vector<60x16xi32>
    %sign3A_70 = arith.constant 0 : i32
    %sign3A_71 = arith.cmpi sgt, %jit3A_60, %sign3A_70 : i32
    %sign3A_72 = arith.extui %sign3A_71 : i1 to i32
    %sign3A_73 = arith.constant 0 : i32
    %sign3A_74 = arith.cmpi slt, %jit3A_60, %sign3A_73 : i32
    %sign3A_75 = arith.extui %sign3A_74 : i1 to i32
    %sign3A_76 = arith.subi %sign3A_72, %sign3A_75 : i32
    %ne3A_77 = vector.broadcast %sign3A_76 : i32 to vector<60x16xi32>
    %ne3A_78 = arith.cmpi ne, %sign3A_69, %ne3A_77 : vector<60x16xi32>
    %rem3A_79 = vector.broadcast %jit3A_60 : i32 to vector<60x16xi32>
    %rem3A_80 = arith.remsi %iota3A_58, %rem3A_79 : vector<60x16xi32>
    %ne3A_81 = arith.constant 0 : i32
    %ne3A_82 = vector.broadcast %ne3A_81 : i32 to vector<60x16xi32>
    %ne3A_83 = arith.cmpi ne, %rem3A_80, %ne3A_82 : vector<60x16xi32>
    %and3A_84 = arith.andi %ne3A_78, %ne3A_83 : vector<60x16xi1>
    %sub3A = arith.constant 1 : i32
    %sub3A_85 = vector.broadcast %sub3A : i32 to vector<60x16xi32>
    %sub3A_86 = arith.subi %div3A_61, %sub3A_85 : vector<60x16xi32>
    %select_n3A_87 = arith.select %and3A_84, %sub3A_86, %div3A_61 : vector<60x16xi1>, vector<60x16xi32>
    %jit3A_88 = arith.constant 3 : i32
    %div3A_89 = vector.broadcast %jit3A_88 : i32 to vector<60x16xi32>
    %div3A_90 = arith.divsi %iota3A_59, %div3A_89 : vector<60x16xi32>
    %sign3A_91 = arith.constant 0 : i32
    %sign3A_92 = vector.broadcast %sign3A_91 : i32 to vector<60x16xi32>
    %sign3A_93 = arith.cmpi sgt, %iota3A_59, %sign3A_92 : vector<60x16xi32>
    %sign3A_94 = arith.extui %sign3A_93 : vector<60x16xi1> to vector<60x16xi32>
    %sign3A_95 = arith.constant 0 : i32
    %sign3A_96 = vector.broadcast %sign3A_95 : i32 to vector<60x16xi32>
    %sign3A_97 = arith.cmpi slt, %iota3A_59, %sign3A_96 : vector<60x16xi32>
    %sign3A_98 = arith.extui %sign3A_97 : vector<60x16xi1> to vector<60x16xi32>
    %sign3A_99 = arith.subi %sign3A_94, %sign3A_98 : vector<60x16xi32>
    %sign3A_100 = arith.constant 0 : i32
    %sign3A_101 = arith.cmpi sgt, %jit3A_88, %sign3A_100 : i32
    %sign3A_102 = arith.extui %sign3A_101 : i1 to i32
    %sign3A_103 = arith.constant 0 : i32
    %sign3A_104 = arith.cmpi slt, %jit3A_88, %sign3A_103 : i32
    %sign3A_105 = arith.extui %sign3A_104 : i1 to i32
    %sign3A_106 = arith.subi %sign3A_102, %sign3A_105 : i32
    %ne3A_107 = vector.broadcast %sign3A_106 : i32 to vector<60x16xi32>
    %ne3A_108 = arith.cmpi ne, %sign3A_99, %ne3A_107 : vector<60x16xi32>
    %rem3A_109 = vector.broadcast %jit3A_88 : i32 to vector<60x16xi32>
    %rem3A_110 = arith.remsi %iota3A_59, %rem3A_109 : vector<60x16xi32>
    %ne3A_111 = arith.constant 0 : i32
    %ne3A_112 = vector.broadcast %ne3A_111 : i32 to vector<60x16xi32>
    %ne3A_113 = arith.cmpi ne, %rem3A_110, %ne3A_112 : vector<60x16xi32>
    %and3A_114 = arith.andi %ne3A_108, %ne3A_113 : vector<60x16xi1>
    %sub3A_115 = arith.constant 1 : i32
    %sub3A_116 = vector.broadcast %sub3A_115 : i32 to vector<60x16xi32>
    %sub3A_117 = arith.subi %div3A_90, %sub3A_116 : vector<60x16xi32>
    %select_n3A_118 = arith.select %and3A_114, %sub3A_117, %div3A_90 : vector<60x16xi1>, vector<60x16xi32>
    %eq3A_119 = arith.cmpi eq, %select_n3A_87, %select_n3A_118 : vector<60x16xi32>
    %jit3A_120 = arith.constant 0.000000e+00 : f32
    %broadcast_in_dim3A = vector.broadcast %jit3A_120 : f32 to vector<60x16xf32>
    %select_n3A_121 = arith.select %eq3A_119, %dot_general3A_57, %broadcast_in_dim3A : vector<60x16xi1>, vector<60x16xf32>
    %dot_general3A_122 = arith.constant dense<0.000000e+00> : vector<5x16xf32>
    %dot_general3A_123 = tpu.matmul %get3A_1, %select_n3A_121, %dot_general3A_122 {dimension_numbers = #tpu.dot_dimension_numbers<[1], [0], [0], [1], [0, 0, 1, 1], [], []>, precision = #tpu.contract_precision<fp32>, transpose_lhs_hint = false} : vector<5x60xf32>, vector<60x16xf32>, vector<5x16xf32> -> vector<5x16xf32>
    %dot_general3A_124 = arith.constant dense<0.000000e+00> : vector<5x16xf32>
    %dot_general3A_125 = tpu.matmul %get3A_4, %select_n3A_121, %dot_general3A_124 {dimension_numbers = #tpu.dot_dimension_numbers<[1], [0], [0], [1], [0, 0, 1, 1], [], []>, precision = #tpu.contract_precision<fp32>, transpose_lhs_hint = false} : vector<5x60xf32>, vector<60x16xf32>, vector<5x16xf32> -> vector<5x16xf32>
    %iota3A_126 = tpu.iota {dimensions = array<i32: 0>} : vector<25x5xi32>
    %iota3A_127 = tpu.iota {dimensions = array<i32: 1>} : vector<25x5xi32>
    %jit3A_128 = arith.constant 5 : i32
    %div3A_129 = vector.broadcast %jit3A_128 : i32 to vector<25x5xi32>
    %div3A_130 = arith.divsi %iota3A_126, %div3A_129 : vector<25x5xi32>
    %sign3A_131 = arith.constant 0 : i32
    %sign3A_132 = vector.broadcast %sign3A_131 : i32 to vector<25x5xi32>
    %sign3A_133 = arith.cmpi sgt, %iota3A_126, %sign3A_132 : vector<25x5xi32>
    %sign3A_134 = arith.extui %sign3A_133 : vector<25x5xi1> to vector<25x5xi32>
    %sign3A_135 = arith.constant 0 : i32
    %sign3A_136 = vector.broadcast %sign3A_135 : i32 to vector<25x5xi32>
    %sign3A_137 = arith.cmpi slt, %iota3A_126, %sign3A_136 : vector<25x5xi32>
    %sign3A_138 = arith.extui %sign3A_137 : vector<25x5xi1> to vector<25x5xi32>
    %sign3A_139 = arith.subi %sign3A_134, %sign3A_138 : vector<25x5xi32>
    %sign3A_140 = arith.constant 0 : i32
    %sign3A_141 = arith.cmpi sgt, %jit3A_128, %sign3A_140 : i32
    %sign3A_142 = arith.extui %sign3A_141 : i1 to i32
    %sign3A_143 = arith.constant 0 : i32
    %sign3A_144 = arith.cmpi slt, %jit3A_128, %sign3A_143 : i32
    %sign3A_145 = arith.extui %sign3A_144 : i1 to i32
    %sign3A_146 = arith.subi %sign3A_142, %sign3A_145 : i32
    %ne3A_147 = vector.broadcast %sign3A_146 : i32 to vector<25x5xi32>
    %ne3A_148 = arith.cmpi ne, %sign3A_139, %ne3A_147 : vector<25x5xi32>
    %rem3A_149 = vector.broadcast %jit3A_128 : i32 to vector<25x5xi32>
    %rem3A_150 = arith.remsi %iota3A_126, %rem3A_149 : vector<25x5xi32>
    %ne3A_151 = arith.constant 0 : i32
    %ne3A_152 = vector.broadcast %ne3A_151 : i32 to vector<25x5xi32>
    %ne3A_153 = arith.cmpi ne, %rem3A_150, %ne3A_152 : vector<25x5xi32>
    %and3A_154 = arith.andi %ne3A_148, %ne3A_153 : vector<25x5xi1>
    %sub3A_155 = arith.constant 1 : i32
    %sub3A_156 = vector.broadcast %sub3A_155 : i32 to vector<25x5xi32>
    %sub3A_157 = arith.subi %div3A_130, %sub3A_156 : vector<25x5xi32>
    %select_n3A_158 = arith.select %and3A_154, %sub3A_157, %div3A_130 : vector<25x5xi1>, vector<25x5xi32>
    %eq3A_159 = arith.cmpi eq, %select_n3A_158, %iota3A_127 : vector<25x5xi32>
    %convert_element_type3A_160 = arith.extui %eq3A_159 : vector<25x5xi1> to vector<25x5xi32>
    %convert_element_type3A_161 = arith.sitofp %convert_element_type3A_160 : vector<25x5xi32> to vector<25x5xf32>
    %jit3A_162 = arith.constant 5 : i32
    %eq3A_163 = arith.constant 0 : i32
    %eq3A_164 = arith.cmpi eq, %jit3A_162, %eq3A_163 : i32
    %jit3A_165 = arith.constant 1 : i32
    %select_n3A_166 = arith.select %eq3A_164, %jit3A_165, %jit3A_162 : i32
    %rem3A_167 = vector.broadcast %select_n3A_166 : i32 to vector<25x5xi32>
    %rem3A_168 = arith.remsi %iota3A_126, %rem3A_167 : vector<25x5xi32>
    %ne3A_169 = arith.constant 0 : i32
    %ne3A_170 = vector.broadcast %ne3A_169 : i32 to vector<25x5xi32>
    %ne3A_171 = arith.cmpi ne, %rem3A_168, %ne3A_170 : vector<25x5xi32>
    %lt3A_172 = arith.constant 0 : i32
    %lt3A_173 = vector.broadcast %lt3A_172 : i32 to vector<25x5xi32>
    %lt3A_174 = arith.cmpi slt, %rem3A_168, %lt3A_173 : vector<25x5xi32>
    %lt3A_175 = arith.constant 0 : i32
    %lt3A_176 = arith.cmpi slt, %select_n3A_166, %lt3A_175 : i32
    %ne3A_177 = vector.broadcast %lt3A_176 : i1 to vector<25x5xi1>
    %ne3A_178 = vector.broadcast %ne3A_177 : vector<25x5xi1> to vector<25x5xi1>
    %ne3A_179 = arith.xori %lt3A_174, %ne3A_178 : vector<25x5xi1>
    %and3A_180 = arith.andi %ne3A_179, %ne3A_171 : vector<25x5xi1>
    %add3A_181 = vector.broadcast %select_n3A_166 : i32 to vector<25x5xi32>
    %add3A_182 = arith.addi %rem3A_168, %add3A_181 : vector<25x5xi32>
    %select_n3A_183 = arith.select %and3A_180, %add3A_182, %rem3A_168 : vector<25x5xi1>, vector<25x5xi32>
    %eq3A_184 = arith.cmpi eq, %select_n3A_183, %iota3A_127 : vector<25x5xi32>
    %convert_element_type3A_185 = arith.extui %eq3A_184 : vector<25x5xi1> to vector<25x5xi32>
    %convert_element_type3A_186 = arith.sitofp %convert_element_type3A_185 : vector<25x5xi32> to vector<25x5xf32>
    %dot_general3A_187 = arith.constant dense<0.000000e+00> : vector<1x16xf32>
    %dot_general3A_188 = tpu.matmul %get3A_10, %convert_element_type3A_55, %dot_general3A_187 {dimension_numbers = #tpu.dot_dimension_numbers<[1], [0], [0], [1], [0, 0, 1, 1], [], []>, precision = #tpu.contract_precision<fp32>, transpose_lhs_hint = false} : vector<1x3xf32>, vector<3x16xf32>, vector<1x16xf32> -> vector<1x16xf32>
    %iota3A_189 = tpu.iota {dimensions = array<i32: 1>} : vector<1x16xi32>
    %lt3A_190 = arith.constant 15 : i32
    %lt3A_191 = vector.broadcast %lt3A_190 : i32 to vector<1x16xi32>
    %lt3A_192 = arith.cmpi slt, %iota3A_189, %lt3A_191 : vector<1x16xi32>
    %convert_element_type3A_193 = arith.extui %lt3A_192 : vector<1x16xi1> to vector<1x16xi32>
    %convert_element_type3A_194 = arith.sitofp %convert_element_type3A_193 : vector<1x16xi32> to vector<1x16xf32>
    %dot_general3A_195 = arith.constant dense<0.000000e+00> : vector<25x16xf32>
    %dot_general3A_196 = tpu.matmul %convert_element_type3A_161, %dot_general3A_123, %dot_general3A_195 {dimension_numbers = #tpu.dot_dimension_numbers<[1], [0], [0], [1], [0, 0, 1, 1], [], []>, precision = #tpu.contract_precision<fp32>, transpose_lhs_hint = false} : vector<25x5xf32>, vector<5x16xf32>, vector<25x16xf32> -> vector<25x16xf32>
    %dot_general3A_197 = arith.constant dense<0.000000e+00> : vector<25x16xf32>
    %dot_general3A_198 = tpu.matmul %convert_element_type3A_186, %dot_general3A_125, %dot_general3A_197 {dimension_numbers = #tpu.dot_dimension_numbers<[1], [0], [0], [1], [0, 0, 1, 1], [], []>, precision = #tpu.contract_precision<fp32>, transpose_lhs_hint = false} : vector<25x5xf32>, vector<5x16xf32>, vector<25x16xf32> -> vector<25x16xf32>
    %add3A_199 = arith.addf %dot_general3A_196, %dot_general3A_198 : vector<25x16xf32>
    %mul3A = arith.mulf %dot_general3A_188, %convert_element_type3A_194 : vector<1x16xf32>
    %add3A_200 = vector.broadcast %mul3A : vector<1x16xf32> to vector<25x16xf32>
    %add3A_201 = arith.addf %add3A_199, %add3A_200 : vector<25x16xf32>
    %swap3A = arith.constant 0 : index
    %swap3A_202 = arith.constant 0 : index
    %swap3A_203 = vector.load %arg4[%swap3A, %swap3A_202] : memref<25x16xf32, #tpu.memory_space<vmem>>, vector<25x16xf32>
    tpu.vector_store %arg4[%swap3A, %swap3A_202], %add3A_201 {strides = array<i32>} : memref<25x16xf32, #tpu.memory_space<vmem>>, vector<25x16xf32>,
    return
  }
}

</mosaic_0001>

<sc_bundles>
// kernel: kernel.4.cloned.1.call-start
scs
__scs_entry_jumppad:
0x0: {  	(pc) =	sbr.rel $0x88, $3  }
0x1: {  	(tag) =	ssettag $0x0;
	lr =	simm.s32 $0x1  }
0x2: {  	[smem:$0x3F9D] =	sst lr;
	_ =	strace $0xD0000000  }
0x3: {  	_ = 	snop  }
0x4: {  	_ = 	snop  }
0x5: {  	_ = 	snop  }
0x6: {  	_ = 	snop  }
0x7: {  	_ = 	snop  }
__scs_overlays_trampoline_lowered:
0x8: {  	[smem:$0x3FAC] =	sst s0  }
0x9: {  	[smem:$0x3FAD] =	sst s1  }
0xa: {  	[smem:$0x3FAE] =	sst s2  }
0xb: {  	[smem:$0x3FAF] =	sst s3  }
0xc: {  	[smem:$0x3FB0] =	sst s4  }
0xd: {  	[smem:$0x3FB1] =	sst s5  }
0xe: {  	[smem:$0x3FB2] =	sst s6  }
0xf: {  	[smem:$0x3FB3] =	sst s7  }
0x10: {  	[smem:$0x3FB4] =	sst s8  }
0x11: {  	[smem:$0x3FB5] =	sst s9;
	s0 =	simm.s32 @!p0 $0x0  }
0x12: {  	s1 =	sld [smem:$0x3F9B];
	s0 =	simm.s32 @p0 $0x1  }
0x13: {  	[smem:$0x3FB6] =	sst s0;
	s0 =	simm.s32 @!p1 $0x0  }
0x14: {  	s2 =	sld [smem:$0x3F9A];
	s0 =	simm.s32 @p1 $0x1  }
0x15: {  	[smem:$0x3FB7] =	sst s0;
	s0 =	simm.s32 @!p2 $0x0  }
0x16: {  	s3 =	sld [smem:$0x3FDB];
	s0 =	simm.s32 @p2 $0x1  }
0x17: {  	s4 =	simm.s32 $0x1BF5;
	[smem:$0x3FB9] =	sst s0  }
0x18: {  	s0 =	sld [smem:$0x3F9C];
	_ =	swait.ge [sflag:s4], $0x0  }
0x19: {  	s7 =	sld [smem:$0x3F9D]  }
0x1a: {  	s8 =	sadd.s32 $0xFFFFE003, lr  }
0x1b: {  	s9 =	sadd.s32 $0xFFFFFEF7, lr;
	s5 =	simm.s32 $0xFFFFFFFF;
	p2 =	slt.u32 s8, $0xFFFFF086  }
0x1c: {  	p1 =	slt.u32 s9, $0xF7A;
	s5 =	simm.s32 @!p2 $0x0  }
0x1d: {  	s5 =	simm.s32 @p1 $0x1;
	p0 =	seq.s32 s7, s2  }
0x1e: {  	s7 =	smul.u32 @!p0 $0xF7A, s2;
	p2 =	seq.s32 @!p0 s5, $0x0  }
0x1f: {  	s9 =	smul.u32 $0xF7A, s1;
	s8 =	simm.s32 @!p0 $0x1BF5;
	p2 =	por !p2, p0  }
0x20: {  	[sflag:s8] =	ssyncset.s32 @!p0 $0xFFFFF086;
	s6 =	sadd.s32 @!p0 s3, s7;
	s7 =	simm.s32 @!p0 $0x108  }
0x21: {  	s3 =	sadd.s32 s3, s9;
	s6 =	sadd.s32 @!p0 $0x88, s6;
	s7 =	simm.s32 @p2 $0x1082  }
0x22: {  	[simem:s7], [sflag:s8] =	dma.local @!p0 [hbm:s6], $0xF7A  }
0x23: {  	s9 =	sor.u32 $0xD0000000, s2;
	s6 =	simm.s32 $0x108;
	_ =	swait.ge @!p0 [sflag:s8], $0x0  }
0x24: {  	s3 =	sadd.s32 $0x88, s3;
	s6 =	simm.s32 @!p1 $0x1082;
	[sflag:s4] =	ssyncset.s32 $0xFFFFF086  }
0x25: {  	[simem:s6], [sflag:s4] =	dma.local [hbm:s3], $0xF7A  }
0x26: {  	[smem:$0x3F9D] =	sst s1;
	(tag) =	ssettag s2;
	_ =	strace s9  }
0x27: {  	s1 =	sld [smem:$0x3FAD]  }
0x28: {  	s2 =	sld [smem:$0x3FAE]  }
0x29: {  	s4 =	sld [smem:$0x3FB0]  }
0x2a: {  	p0 =	seq.s32 s5, $0x0;
	s5 =	sld [smem:$0x3FB1]  }
0x2b: {  	s6 =	sld [smem:$0x3FB2]  }
0x2c: {  	s7 =	sld [smem:$0x3FB3]  }
0x2d: {  	s3 =	simm.s32 $0x108;
	s8 =	sld [smem:$0x3FB4]  }
0x2e: {  	s3 =	simm.s32 @!p0 $0x1082;
	s9 =	sld [smem:$0x3FB5]  }
0x2f: {  	lr =	sadd.s32 s0, s3;
	s0 =	sld [smem:$0x3FAC]  }
0x30: {  	s3 =	sld [smem:$0x3FAF]  }
0x31: {  	[smem:$0x3FB8] =	sst s10  }
0x32: {  	s10 =	sld [smem:$0x3FB6];
	_ =	sdelay $0x3  }
0x33: {  	p0 =	seq.s32 s10, $0x1;
	s10 =	sld [smem:$0x3FB8];
	_ =	sdelay $0x3  }
0x34: {  	[smem:$0x3FB8] =	sst s10  }
0x35: {  	s10 =	sld [smem:$0x3FB7];
	_ =	sdelay $0x3  }
0x36: {  	p1 =	seq.s32 s10, $0x1;
	s10 =	sld [smem:$0x3FB8];
	_ =	sdelay $0x3  }
0x37: {  	[smem:$0x3FB8] =	sst s10  }
0x38: {  	s10 =	sld [smem:$0x3FB9]  }
0x39: {  	_ = 	snop;
	(pc) =	sbr.ind lr, $3  }
0x3a: {  	_ = 	snop  }
0x3b: {  	_ = 	snop  }
0x3c: {  	p2 =	seq.s32 s10, $0x1;
	s10 =	sld [smem:$0x3FB8]  }
0x3d: {  	_ =	shalt  }
0x3e: {  	_ =	shalt  }
0x3f: {  	_ =	shalt  }
0x40: {  	_ =	shalt  }
0x41: {  	_ =	shalt  }
0x42: {  	_ =	shalt  }
0x43: {  	_ =	shalt  }
0x44: {  	_ =	shalt  }
0x45: {  	_ =	shalt  }
0x46: {  	_ =	shalt  }
0x47: {  	_ =	shalt  }
0x48: {  	_ =	shalt  }
0x49: {  	_ =	shalt  }
0x4a: {  	_ =	shalt  }
0x4b: {  	_ =	shalt  }
0x4c: {  	_ =	shalt  }
0x4d: {  	_ =	shalt  }
0x4e: {  	_ =	shalt  }
0x4f: {  	_ =	shalt  }
0x50: {  	_ =	shalt  }
0x51: {  	_ =	shalt  }
0x52: {  	_ =	shalt  }
0x53: {  	_ =	shalt  }
0x54: {  	_ =	shalt  }
0x55: {  	_ =	shalt  }
0x56: {  	_ =	shalt  }
0x57: {  	_ =	shalt  }
0x58: {  	_ =	shalt  }
0x59: {  	_ =	shalt  }
0x5a: {  	_ =	shalt  }
0x5b: {  	_ =	shalt  }
0x5c: {  	_ =	shalt  }
0x5d: {  	_ =	shalt  }
0x5e: {  	_ =	shalt  }
0x5f: {  	_ =	shalt  }
0x60: {  	_ =	shalt  }
0x61: {  	_ =	shalt  }
0x62: {  	_ =	shalt  }
0x63: {  	_ =	shalt  }
0x64: {  	_ =	shalt  }
0x65: {  	_ =	shalt  }
0x66: {  	_ =	shalt  }
0x67: {  	_ =	shalt  }
0x68: {  	_ =	shalt  }
0x69: {  	_ =	shalt  }
0x6a: {  	_ =	shalt  }
0x6b: {  	_ =	shalt  }
0x6c: {  	_ =	shalt  }
0x6d: {  	_ =	shalt  }
0x6e: {  	_ =	shalt  }
0x6f: {  	_ =	shalt  }
0x70: {  	_ =	shalt  }
0x71: {  	_ =	shalt  }
0x72: {  	_ =	shalt  }
0x73: {  	_ =	shalt  }
0x74: {  	_ =	shalt  }
0x75: {  	_ =	shalt  }
0x76: {  	_ =	shalt  }
0x77: {  	_ =	shalt  }
0x78: {  	_ =	shalt  }
0x79: {  	_ =	shalt  }
0x7a: {  	_ =	shalt  }
0x7b: {  	_ =	shalt  }
0x7c: {  	_ =	shalt  }
0x7d: {  	_ =	shalt  }
0x7e: {  	_ =	shalt  }
0x7f: {  	_ =	shalt  }
0x80: {  	_ =	shalt  }
0x81: {  	_ =	shalt  }
0x82: {  	_ =	shalt  }
0x83: {  	_ =	shalt  }
0x84: {  	_ =	shalt  }
0x85: {  	_ =	shalt  }
0x86: {  	_ =	shalt  }
0x87: {  	_ =	shalt  }
.Lfunc_end0:
.L_simem_size_0:
called_computation_lowered:
.L_overlay_start_0:
0x88: {  	s2 =	sld [smem:$0x3FD9]  }
0x89: {  	s3 =	sld [smem:$0x3FFE];
	_ =	sdelay $0x1  }
0x8a: {  	s1 =	srdreg.scid  }
0x8b: {  	s0 =	sand.u32 $0x1, s1  }
0x8c: {  	s17 =	sshll.u32 s0, $0xA;
	s2 =	sadd.s32 s3, s2  }
0x8d: {  	s2 =	sadd.s32 s2, s17  }
0x8e: {  	[smem:$0x3FC4] =	sst s2  }
0x8f: {  	_ = 	snop  }
0x90: {  	s2 =	sld [smem:$0x3FC9]  }
0x91: {  	s18 =	sld [smem:$0x3FD0];
	(tm) =	ssettm $0x1  }
0x92: {  	s4 =	sld [smem:$0x3FFB];
	_ =	sdelay $0x3  }
0x93: {  	_ =	strace s4  }
0x94: {  	s4 =	sld [smem:$0x3FFC];
	_ =	sdelay $0x3  }
0x95: {  	_ =	strace s4  }
0x96: {  	s4 =	sld [smem:$0x3FFD];
	_ =	sdelay $0x3  }
0x97: {  	_ =	strace s4  }
0x98: {  	_ =	strace $0x8FFFFFFF  }
0x99: {  	s19 =	sld [smem:$0x3FDB];
	_ =	sdelay $0x1  }
0x9a: {  	s5 =	simm.s32 $_scs_section_size  }
0x9b: {  	s6 =	simm.s32 $_size__tile_overlayer_lowered;
	s7 =	simm.s32 $_tile_overlayer_lowered  }
0x9c: {  	s22 =	simm.s32 $0x1BFF;
	s21 =	sshll.u32 s7, $0x1;
	s4 =	sadd.s32 s5, s19  }
0x9d: {  	s8 =	simm.s32 $0x0;
	s20 =	sshll.u32 s6, $0x1;
	s6 =	sadd.s32 s21, s4  }
0x9e: {  	[timem:s8], [sflag:s22] =	dma.local [hbm:s6], s20  }
0x9f: {  	_ =	swait.ge [sflag:s22], s20  }
0xa0: {  	s5 =	ssub.s32 $0x0, s20;
	[sflag:s22] =	ssyncset.done $0x0  }
0xa1: {  	[sflag:s22] =	ssyncadd.s32 s5;
	_ =	sdelay $0x1  }
0xa2: {  	s23 =	simm.s32 $0x1B8B  }
0xa3: {  	_ =	swait.ge [sflag:s23], $0x1  }
0xa4: {  	[sflag:s23] =	ssyncset.done $0x0  }
0xa5: {  	s25 =	simm.s32 $0x1B8E;
	s24 =	sld [smem:$0x3FFE];
	[sflag:s23] =	ssyncadd.s32 $0xFFFFFFFF  }
0xa6: {  	s26 =	simm.s32 $execute0_lowered;
	[smem:$0x3FD2] =	sst s25  }
0xa7: {  	s6 =	sshll.u32 s26, $0x1;
	_ =	strace $0x80000046;
	[dreg:$0x1] =	wrdreg $0xFFFFFFFF  }
0xa8: {  	s28 =	simm.s32 $_size_execute0_lowered;
	s4 =	sadd.s32 s4, s6;
	[dreg:$0x0] =	wrdreg $0x0  }
0xa9: {  	s6 =	sshll.u32 s28, $0x1;
	[dreg:$0x2] =	wrdreg s4  }
0xaa: {  	[dreg:$0x3] =	wrdreg s6  }
0xab: {  	[dreg:$0x4] =	wrdreg $0xC0  }
0xac: {  	_ =	task [dreg:s8], $0x5FFFF  }
0xad: {  	[dreg:$0x1] =	wrdreg $0xFFFFFFFF  }
0xae: {  	[dreg:$0x0] =	wrdreg $0x60  }
0xaf: {  	[dreg:$0x2] =	wrdreg s2  }
0xb0: {  	[dreg:$0x3] =	wrdreg s18  }
0xb1: {  	[dreg:$0x4] =	wrdreg s24  }
0xb2: {  	[dreg:$0x5] =	wrdreg $0x9  }
0xb3: {  	_ =	task.clear_ibuf [dreg:s8], $0x6FFFF;
	_ =	strace $0x90000046  }
0xb4: {  	s29 =	simm.s32 $0x9;
	_ =	strace $0x80000048  }
0xb5: {  	_ =	swait.ge [sflag:s29], $0x1  }
0xb6: {  	[sflag:s29] =	ssyncadd.s32 $0xFFFFFFFF  }
0xb7: {  	_ =	strace $0x90000048  }
0xb8: {  	_ =	sfence  }
0xb9: {  	s30 =	sld [smem:$0x0];
	_ =	sdelay $0x2  }
0xba: {  	s31 =	sshll.u32 s1, $0xD;
	s1 =	sshrl.u32 s1, $0x2  }
0xbb: {  	s3 =	sand.u32 $0x4000, s31;
	s1 =	sadd.s32 s1, s30  }
0xbc: {  	s0 =	sor.u32 s3, s0;
	s1 =	sshll.u32 s1, $0x11  }
0xbd: {  	s0 =	sor.u32 s1, s0  }
0xbe: {  	s0 =	sadd.s32 $0x8F2B, s0  }
0xbf: {  	[sflag:s0] =	ssyncadd.remote.s32 $0x1  }
0xc0: {  	_ =	sfence.sel $0xFFFF  }
0xc1: {  	[dreg:$0x0] =	wrdreg $0xFFFFFFFF;
	(pc) =	sbr.abs _section_cstart, $3  }
0xc2: {  	[dreg:$0x1] =	wrdreg $0xFFFFFFFF  }
0xc3: {  	_ =	task.clear_ibuf [dreg:s8], $0x2FFFF;
	_ =	strace $0x9FFFFFFF  }
0xc4: {  	(tm) =	ssettm $0x7FFFFFFF  }
0xc5: {  	_ =	shalt  }
tec
execute0_lowered:
.L_overlay_start_1:
0x0: {  	(tag) =	ssettag $0x1  }
0x1: {  	v0 =	vlaneseq.u32  }
0x2: {  	v0 =	vmul.u32 $0x2, v0  }
0x3: {  	s5 =	rddreg [dreg:$0x0]  }
0x4: {  	s1 =	rddreg [dreg:$0x1];
	s2 =	srdreg.scid;
	v1 =	vor.u32 $0x1, v0  }
0x5: {  	s0 =	stileid.u32;
	s6 =	rddreg [dreg:$0x2];
	v2 =	vor.u32 $0x20, v0;
	v3 =	vor.u32 $0x21, v0;
	v4 =	vor.u32 $0x40, v0  }
0x6: {  	s3 =	simm.s32 $0x0;
	s11 =	simm.s32 $0x400;
	s12 =	simm.s32 $0x1;
	v5 =	vor.u32 $0x41, v0;
	v6 =	vor.u32 $0x60, v0;
	v7 =	vor.u32 $0x61, v0  }
0x7: {  	s13 =	simm.s32 $0x500;
	s14 =	simm.s32 $0x600;
	s15 =	simm.s32 $0xB00;
	v8 =	vor.u32 $0x80, v0;
	v9 =	vor.u32 $0x81, v0;
	v10 =	vor.u32 $0xA0, v0  }
0x8: {  	s4 =	sand.u32 $0x1, s2;
	s7 =	sshll.u32 s0, $0x1;
	s2 =	rddreg [dreg:$0x3];
	v11 =	vor.u32 $0xA1, v0;
	v12 =	vor.u32 $0xC0, v0;
	v13 =	vor.u32 $0xC1, v0  }
0x9: {  	s16 =	simm.s32 $0x1000;
	[smem:$0x7FF] =	sst s3;
	s7 =	sor.u32 s4, s7;
	v14 =	vor.u32 $0xE0, v0;
	v15 =	vor.u32 $0xE1, v0;
	v16 =	vor.u32 $0x100, v0  }
0xa: {  	_ =	strace $0x80000047;
	s9 =	ssub.s32 $0x2, s4;
	s8 =	smul.u32 $0x500, s7;
	v17 =	vor.u32 $0x101, v0;
	v18 =	vor.u32 $0x120, v0;
	v19 =	vor.u32 $0x121, v0  }
0xb: {  	s4 =	sadd.s32 $0xC00, s6;
	s10 =	sshrl.u32 s9, $0x1;
	s31 =	sshll.u32 s7, $0x6;
	v20 =	vor.u32 $0x140, v0;
	v21 =	vor.u32 $0x141, v0;
	v22 =	vor.u32 $0x160, v0  }
0xc: {  	v23 =	vor.u32 $0x161, v0;
	v24 =	vor.u32 $0x180, v0;
	v25 =	vor.u32 $0x181, v0;
	s9 =	ssub.s32 s9, s10;
	s5 =	sadd.s32 s5, s31;
	s8 =	sshrl.u32 s8, $0x3  }
0xd: {  	v26 =	vor.u32 $0x1A0, v0;
	v27 =	vor.u32 $0x1A1, v0;
	v28 =	vor.u32 $0x1C0, v0;
	s10 =	simm.s32 $0x200;
	s9 =	smax.u32 s9, $0x1;
	s8 =	sadd.s32 s8, s6  }
0xe: {  	v29 =	vor.u32 $0x1C1, v0;
	v30 =	vor.u32 $0x1E0, v0;
	v31 =	vor.u32 $0x1E1, v0;
	s6 =	sadd.s32 $0xE00, s8;
	s7 =	sadd.s32 $0x2200, s8;
	s8 =	sadd.s32 $0x3600, s8  }
.LBB2_1:
0xf: {  	[tilespmem:s3], [sflag:$0x1] =	stream.linear.gather [hbm4b:s5+s3], $0x200, $0x38;
	[tilespmem:$0x1500] =	vst v63  }
0x10: {  	_ = 	snop  }
0x11: {  	[tilespmem:s10], [sflag:$0x1] =	stream.linear.gather [hbm4b:s1+s3], $0x200, $0x38;
	[tilespmem:$0x1500] =	vst v63  }
0x12: {  	_ = 	snop  }
0x13: {  	[tilespmem:s11], [sflag:$0x1] =	stream.linear.gather [hbm4b:s4+s3], $0x100, $0x38;
	[tilespmem:$0x1500] =	vst v63  }
0x14: {  	_ =	swait.ge [sflag:s12], $0x200  }
0x15: {  	[sflag:s12] =	ssyncset.done $0x0  }
0x16: {  	[sflag:s12] =	ssyncadd.s32 $0xFFFFFE00  }
0x17: {  	_ =	swait.ge [sflag:s12], $0x200  }
0x18: {  	[sflag:s12] =	ssyncset.done $0x0  }
0x19: {  	[sflag:s12] =	ssyncadd.s32 $0xFFFFFE00  }
0x1a: {  	_ =	swait.ge [sflag:s12], $0x100  }
0x1b: {  	[sflag:s12] =	ssyncset.done $0x0  }
0x1c: {  	[sflag:s12] =	ssyncadd.s32 $0xFFFFFF00  }
0x1d: {  	v32 =	vld.idx.msk [tilespmem:v0+s3+$0x0], $0xffff  }
0x1e: {  	v33 =	vld.idx.msk [tilespmem:v1+s3+$0x0], $0xffff;
	_ =	sdelay $0x3  }
0x1f: {  	v32 =	vmul.u32 $0x50, v32  }
0x20: {  	v33 =	vshll.u32 v33, $0x4  }
0x21: {  	v32 =	vadd.s32 v32, v33  }
0x22: {  	[tilespmem:$0x500] =	vst v32  }
0x23: {  	v32 =	vld.idx.msk [tilespmem:v2+s3+$0x0], $0xffff  }
0x24: {  	v46 =	vld.idx.msk [tilespmem:v3+s3+$0x0], $0xffff;
	_ =	sdelay $0x3  }
0x25: {  	v32 =	vmul.u32 $0x50, v32  }
0x26: {  	v33 =	vshll.u32 v46, $0x4  }
0x27: {  	v32 =	vadd.s32 v32, v33  }
0x28: {  	[tilespmem:$0x510] =	vst v32  }
0x29: {  	v32 =	vld.idx.msk [tilespmem:v4+s3+$0x0], $0xffff  }
0x2a: {  	v47 =	vld.idx.msk [tilespmem:v5+s3+$0x0], $0xffff;
	_ =	sdelay $0x3  }
0x2b: {  	v32 =	vmul.u32 $0x50, v32  }
0x2c: {  	v33 =	vshll.u32 v47, $0x4  }
0x2d: {  	v32 =	vadd.s32 v32, v33  }
0x2e: {  	[tilespmem:$0x520] =	vst v32  }
0x2f: {  	v32 =	vld.idx.msk [tilespmem:v6+s3+$0x0], $0xffff  }
0x30: {  	v48 =	vld.idx.msk [tilespmem:v7+s3+$0x0], $0xffff;
	_ =	sdelay $0x3  }
0x31: {  	v32 =	vmul.u32 $0x50, v32  }
0x32: {  	v33 =	vshll.u32 v48, $0x4  }
0x33: {  	v32 =	vadd.s32 v32, v33  }
0x34: {  	[tilespmem:$0x530] =	vst v32  }
0x35: {  	v32 =	vld.idx.msk [tilespmem:v8+s3+$0x0], $0xffff  }
0x36: {  	v49 =	vld.idx.msk [tilespmem:v9+s3+$0x0], $0xffff;
	_ =	sdelay $0x3  }
0x37: {  	v32 =	vmul.u32 $0x50, v32  }
0x38: {  	v33 =	vshll.u32 v49, $0x4  }
0x39: {  	v32 =	vadd.s32 v32, v33  }
0x3a: {  	[tilespmem:$0x540] =	vst v32  }
0x3b: {  	v32 =	vld.idx.msk [tilespmem:v10+s3+$0x0], $0xffff  }
0x3c: {  	v50 =	vld.idx.msk [tilespmem:v11+s3+$0x0], $0xffff;
	_ =	sdelay $0x3  }
0x3d: {  	v32 =	vmul.u32 $0x50, v32  }
0x3e: {  	v33 =	vshll.u32 v50, $0x4  }
0x3f: {  	v32 =	vadd.s32 v32, v33  }
0x40: {  	[tilespmem:$0x550] =	vst v32  }
0x41: {  	v32 =	vld.idx.msk [tilespmem:v12+s3+$0x0], $0xffff  }
0x42: {  	v51 =	vld.idx.msk [tilespmem:v13+s3+$0x0], $0xffff;
	_ =	sdelay $0x3  }
0x43: {  	v32 =	vmul.u32 $0x50, v32  }
0x44: {  	v33 =	vshll.u32 v51, $0x4  }
0x45: {  	v32 =	vadd.s32 v32, v33  }
0x46: {  	[tilespmem:$0x560] =	vst v32  }
0x47: {  	v32 =	vld.idx.msk [tilespmem:v14+s3+$0x0], $0xffff  }
0x48: {  	v52 =	vld.idx.msk [tilespmem:v15+s3+$0x0], $0xffff;
	_ =	sdelay $0x3  }
0x49: {  	v32 =	vmul.u32 $0x50, v32  }
0x4a: {  	v33 =	vshll.u32 v52, $0x4  }
0x4b: {  	v32 =	vadd.s32 v32, v33  }
0x4c: {  	[tilespmem:$0x570] =	vst v32  }
0x4d: {  	v32 =	vld.idx.msk [tilespmem:v16+s3+$0x0], $0xffff  }
0x4e: {  	v53 =	vld.idx.msk [tilespmem:v17+s3+$0x0], $0xffff;
	_ =	sdelay $0x3  }
0x4f: {  	v32 =	vmul.u32 $0x50, v32  }
0x50: {  	v33 =	vshll.u32 v53, $0x4  }
0x51: {  	v32 =	vadd.s32 v32, v33  }
0x52: {  	[tilespmem:$0x580] =	vst v32  }
0x53: {  	v32 =	vld.idx.msk [tilespmem:v18+s3+$0x0], $0xffff  }
0x54: {  	v54 =	vld.idx.msk [tilespmem:v19+s3+$0x0], $0xffff;
	_ =	sdelay $0x3  }
0x55: {  	v32 =	vmul.u32 $0x50, v32  }
0x56: {  	v33 =	vshll.u32 v54, $0x4  }
0x57: {  	v32 =	vadd.s32 v32, v33  }
0x58: {  	[tilespmem:$0x590] =	vst v32  }
0x59: {  	v32 =	vld.idx.msk [tilespmem:v20+s3+$0x0], $0xffff  }
0x5a: {  	v55 =	vld.idx.msk [tilespmem:v21+s3+$0x0], $0xffff;
	_ =	sdelay $0x3  }
0x5b: {  	v32 =	vmul.u32 $0x50, v32  }
0x5c: {  	v33 =	vshll.u32 v55, $0x4  }
0x5d: {  	v32 =	vadd.s32 v32, v33  }
0x5e: {  	[tilespmem:$0x5A0] =	vst v32  }
0x5f: {  	v32 =	vld.idx.msk [tilespmem:v22+s3+$0x0], $0xffff  }
0x60: {  	v56 =	vld.idx.msk [tilespmem:v23+s3+$0x0], $0xffff;
	_ =	sdelay $0x3  }
0x61: {  	v32 =	vmul.u32 $0x50, v32  }
0x62: {  	v33 =	vshll.u32 v56, $0x4  }
0x63: {  	v32 =	vadd.s32 v32, v33  }
0x64: {  	[tilespmem:$0x5B0] =	vst v32  }
0x65: {  	v32 =	vld.idx.msk [tilespmem:v24+s3+$0x0], $0xffff  }
0x66: {  	v57 =	vld.idx.msk [tilespmem:v25+s3+$0x0], $0xffff;
	_ =	sdelay $0x3  }
0x67: {  	v32 =	vmul.u32 $0x50, v32  }
0x68: {  	v33 =	vshll.u32 v57, $0x4  }
0x69: {  	v32 =	vadd.s32 v32, v33  }
0x6a: {  	[tilespmem:$0x5C0] =	vst v32  }
0x6b: {  	v32 =	vld.idx.msk [tilespmem:v26+s3+$0x0], $0xffff  }
0x6c: {  	v58 =	vld.idx.msk [tilespmem:v27+s3+$0x0], $0xffff;
	_ =	sdelay $0x3  }
0x6d: {  	v32 =	vmul.u32 $0x50, v32  }
0x6e: {  	v33 =	vshll.u32 v58, $0x4  }
0x6f: {  	v32 =	vadd.s32 v32, v33  }
0x70: {  	[tilespmem:$0x5D0] =	vst v32  }
0x71: {  	v32 =	vld.idx.msk [tilespmem:v28+s3+$0x0], $0xffff  }
0x72: {  	v59 =	vld.idx.msk [tilespmem:v29+s3+$0x0], $0xffff;
	_ =	sdelay $0x3  }
0x73: {  	v32 =	vmul.u32 $0x50, v32  }
0x74: {  	v33 =	vshll.u32 v59, $0x4  }
0x75: {  	v32 =	vadd.s32 v32, v33  }
0x76: {  	[tilespmem:$0x5E0] =	vst v32;
	v32 =	vld [tilespmem:$0x400]  }
0x77: {  	v60 =	vld.idx.msk [tilespmem:v30+s3+$0x0], $0xffff  }
0x78: {  	v34 =	vld.idx.msk [tilespmem:v31+s3+$0x0], $0xffff;
	_ =	sdelay $0x3  }
0x79: {  	v33 =	vmul.u32 $0x50, v60  }
0x7a: {  	v34 =	vshll.u32 v34, $0x4  }
0x7b: {  	v33 =	vadd.s32 v33, v34  }
0x7c: {  	[tilespmem:$0x5F0] =	vst v33;
	v33 =	vld [tilespmem:$0x450]  }
0x7d: {  	v35 =	vld.idx.msk [tilespmem:v32+s13+$0x0], $0xffff;
	_ =	sdelay $0x4  }
0x7e: {  	v36 =	vadd.s32 v33, v35;
	_ =	sdelay $0x4  }
0x7f: {  	v34 =	vadd.s32 $0x1, v33;
	v36 =	vld.idx.msk [tilespmem:v36+s10+$0x0], $0xffff  }
0x80: {  	v37 =	vadd.s32 v34, v35;
	_ =	sdelay $0x3  }
0x81: {  	[tilespmem:$0x600] =	vst v36  }
0x82: {  	v36 =	vadd.s32 $0x2, v33;
	v37 =	vld.idx.msk [tilespmem:v37+s10+$0x0], $0xffff  }
0x83: {  	v38 =	vadd.s32 v36, v35;
	_ =	sdelay $0x2  }
0x84: {  	v35 =	vld [tilespmem:$0x410]  }
0x85: {  	[tilespmem:$0xB00] =	vst v37  }
0x86: {  	v38 =	vld.idx.msk [tilespmem:v38+s10+$0x0], $0xffff;
	_ =	sdelay $0x4  }
0x87: {  	v37 =	vld [tilespmem:$0x460];
	[tilespmem:$0x1000] =	vst v38  }
0x88: {  	v39 =	vld.idx.msk [tilespmem:v35+s13+$0x0], $0xffff;
	_ =	sdelay $0x4  }
0x89: {  	v40 =	vadd.s32 v37, v39;
	_ =	sdelay $0x4  }
0x8a: {  	v38 =	vadd.s32 $0x1, v37;
	v40 =	vld.idx.msk [tilespmem:v40+s10+$0x0], $0xffff  }
0x8b: {  	v41 =	vadd.s32 v38, v39;
	_ =	sdelay $0x3  }
0x8c: {  	[tilespmem:$0x610] =	vst v40  }
0x8d: {  	v40 =	vadd.s32 $0x2, v37;
	v41 =	vld.idx.msk [tilespmem:v41+s10+$0x0], $0xffff  }
0x8e: {  	v42 =	vadd.s32 v40, v39;
	_ =	sdelay $0x2  }
0x8f: {  	v39 =	vld [tilespmem:$0x420]  }
0x90: {  	[tilespmem:$0xB10] =	vst v41  }
0x91: {  	v42 =	vld.idx.msk [tilespmem:v42+s10+$0x0], $0xffff;
	_ =	sdelay $0x4  }
0x92: {  	v41 =	vld [tilespmem:$0x470];
	[tilespmem:$0x1010] =	vst v42  }
0x93: {  	v43 =	vld.idx.msk [tilespmem:v39+s13+$0x0], $0xffff;
	_ =	sdelay $0x4  }
0x94: {  	v44 =	vadd.s32 v41, v43;
	_ =	sdelay $0x4  }
0x95: {  	v42 =	vadd.s32 $0x1, v41;
	v44 =	vld.idx.msk [tilespmem:v44+s10+$0x0], $0xffff  }
0x96: {  	v45 =	vadd.s32 v42, v43;
	_ =	sdelay $0x3  }
0x97: {  	[tilespmem:$0x620] =	vst v44  }
0x98: {  	v44 =	vadd.s32 $0x2, v41;
	v45 =	vld.idx.msk [tilespmem:v45+s10+$0x0], $0xffff  }
0x99: {  	v46 =	vadd.s32 v44, v43;
	_ =	sdelay $0x2  }
0x9a: {  	v43 =	vld [tilespmem:$0x430]  }
0x9b: {  	[tilespmem:$0xB20] =	vst v45  }
0x9c: {  	v46 =	vld.idx.msk [tilespmem:v46+s10+$0x0], $0xffff;
	_ =	sdelay $0x4  }
0x9d: {  	v45 =	vld [tilespmem:$0x480];
	[tilespmem:$0x1020] =	vst v46  }
0x9e: {  	v47 =	vld.idx.msk [tilespmem:v43+s13+$0x0], $0xffff;
	_ =	sdelay $0x4  }
0x9f: {  	v48 =	vadd.s32 v45, v47;
	_ =	sdelay $0x4  }
0xa0: {  	v46 =	vadd.s32 $0x1, v45;
	v48 =	vld.idx.msk [tilespmem:v48+s10+$0x0], $0xffff  }
0xa1: {  	v49 =	vadd.s32 v46, v47;
	_ =	sdelay $0x3  }
0xa2: {  	[tilespmem:$0x630] =	vst v48  }
0xa3: {  	v48 =	vadd.s32 $0x2, v45;
	v49 =	vld.idx.msk [tilespmem:v49+s10+$0x0], $0xffff  }
0xa4: {  	v50 =	vadd.s32 v48, v47;
	_ =	sdelay $0x2  }
0xa5: {  	v47 =	vld [tilespmem:$0x440]  }
0xa6: {  	[tilespmem:$0xB30] =	vst v49  }
0xa7: {  	v50 =	vld.idx.msk [tilespmem:v50+s10+$0x0], $0xffff;
	_ =	sdelay $0x4  }
0xa8: {  	v49 =	vld [tilespmem:$0x490];
	[tilespmem:$0x1030] =	vst v50  }
0xa9: {  	v52 =	vld.idx.msk [tilespmem:v47+s13+$0x0], $0xffff;
	_ =	sdelay $0x4  }
0xaa: {  	v51 =	vadd.s32 v49, v52;
	_ =	sdelay $0x4  }
0xab: {  	v50 =	vadd.s32 $0x1, v49;
	v51 =	vld.idx.msk [tilespmem:v51+s10+$0x0], $0xffff  }
0xac: {  	v53 =	vadd.s32 v50, v52;
	_ =	sdelay $0x3  }
0xad: {  	[tilespmem:$0x640] =	vst v51  }
0xae: {  	v51 =	vadd.s32 $0x2, v49;
	v53 =	vld.idx.msk [tilespmem:v53+s10+$0x0], $0xffff  }
0xaf: {  	v52 =	vadd.s32 v51, v52;
	_ =	sdelay $0x3  }
0xb0: {  	[tilespmem:$0xB40] =	vst v53  }
0xb1: {  	v52 =	vld.idx.msk [tilespmem:v52+s10+$0x0], $0xffff  }
0xb2: {  	v61 =	vadd.s32 $0x10, v32;
	_ =	sdelay $0x3  }
0xb3: {  	[tilespmem:$0x1040] =	vst v52  }
0xb4: {  	v52 =	vld.idx.msk [tilespmem:v61+s13+$0x0], $0xffff;
	_ =	sdelay $0x4  }
0xb5: {  	v53 =	vadd.s32 v33, v52;
	_ =	sdelay $0x4  }
0xb6: {  	v53 =	vld.idx.msk [tilespmem:v53+s10+$0x0], $0xffff  }
0xb7: {  	v54 =	vadd.s32 v34, v52;
	_ =	sdelay $0x3  }
0xb8: {  	[tilespmem:$0x650] =	vst v53  }
0xb9: {  	v53 =	vld.idx.msk [tilespmem:v54+s10+$0x0], $0xffff  }
0xba: {  	v52 =	vadd.s32 v36, v52;
	_ =	sdelay $0x3  }
0xbb: {  	[tilespmem:$0xB50] =	vst v53  }
0xbc: {  	v52 =	vld.idx.msk [tilespmem:v52+s10+$0x0], $0xffff  }
0xbd: {  	v62 =	vadd.s32 $0x10, v35;
	_ =	sdelay $0x3  }
0xbe: {  	[tilespmem:$0x1050] =	vst v52  }
0xbf: {  	v52 =	vld.idx.msk [tilespmem:v62+s13+$0x0], $0xffff;
	_ =	sdelay $0x4  }
0xc0: {  	v53 =	vadd.s32 v37, v52;
	_ =	sdelay $0x4  }
0xc1: {  	v53 =	vld.idx.msk [tilespmem:v53+s10+$0x0], $0xffff  }
0xc2: {  	v63 =	vadd.s32 v38, v52;
	_ =	sdelay $0x3  }
0xc3: {  	[tilespmem:$0x660] =	vst v53  }
0xc4: {  	v53 =	vld.idx.msk [tilespmem:v63+s10+$0x0], $0xffff  }
0xc5: {  	v52 =	vadd.s32 v40, v52;
	_ =	sdelay $0x3  }
0xc6: {  	[tilespmem:$0xB60] =	vst v53  }
0xc7: {  	v52 =	vld.idx.msk [tilespmem:v52+s10+$0x0], $0xffff  }
0xc8: {  	v56 =	vadd.s32 $0x10, v39;
	_ =	sdelay $0x3  }
0xc9: {  	[tilespmem:$0x1060] =	vst v52  }
0xca: {  	v52 =	vld.idx.msk [tilespmem:v56+s13+$0x0], $0xffff;
	_ =	sdelay $0x4  }
0xcb: {  	v53 =	vadd.s32 v41, v52;
	_ =	sdelay $0x4  }
0xcc: {  	v53 =	vld.idx.msk [tilespmem:v53+s10+$0x0], $0xffff  }
0xcd: {  	v57 =	vadd.s32 v42, v52;
	_ =	sdelay $0x3  }
0xce: {  	[tilespmem:$0x670] =	vst v53  }
0xcf: {  	v53 =	vld.idx.msk [tilespmem:v57+s10+$0x0], $0xffff  }
0xd0: {  	v52 =	vadd.s32 v44, v52;
	_ =	sdelay $0x3  }
0xd1: {  	[tilespmem:$0xB70] =	vst v53  }
0xd2: {  	v52 =	vld.idx.msk [tilespmem:v52+s10+$0x0], $0xffff  }
0xd3: {  	v58 =	vadd.s32 $0x10, v43;
	_ =	sdelay $0x3  }
0xd4: {  	[tilespmem:$0x1070] =	vst v52  }
0xd5: {  	v52 =	vld.idx.msk [tilespmem:v58+s13+$0x0], $0xffff;
	_ =	sdelay $0x4  }
0xd6: {  	v53 =	vadd.s32 v45, v52;
	_ =	sdelay $0x4  }
0xd7: {  	v53 =	vld.idx.msk [tilespmem:v53+s10+$0x0], $0xffff  }
0xd8: {  	v59 =	vadd.s32 v46, v52;
	_ =	sdelay $0x3  }
0xd9: {  	[tilespmem:$0x680] =	vst v53  }
0xda: {  	v53 =	vld.idx.msk [tilespmem:v59+s10+$0x0], $0xffff  }
0xdb: {  	v52 =	vadd.s32 v48, v52;
	_ =	sdelay $0x3  }
0xdc: {  	[tilespmem:$0xB80] =	vst v53  }
0xdd: {  	v52 =	vld.idx.msk [tilespmem:v52+s10+$0x0], $0xffff  }
0xde: {  	v60 =	vadd.s32 $0x10, v47;
	_ =	sdelay $0x3  }
0xdf: {  	[tilespmem:$0x1080] =	vst v52  }
0xe0: {  	v52 =	vld.idx.msk [tilespmem:v60+s13+$0x0], $0xffff;
	_ =	sdelay $0x4  }
0xe1: {  	v53 =	vadd.s32 v49, v52;
	_ =	sdelay $0x4  }
0xe2: {  	v53 =	vld.idx.msk [tilespmem:v53+s10+$0x0], $0xffff  }
0xe3: {  	v61 =	vadd.s32 v50, v52;
	_ =	sdelay $0x3  }
0xe4: {  	[tilespmem:$0x690] =	vst v53  }
0xe5: {  	v53 =	vld.idx.msk [tilespmem:v61+s10+$0x0], $0xffff  }
0xe6: {  	v52 =	vadd.s32 v51, v52;
	_ =	sdelay $0x3  }
0xe7: {  	[tilespmem:$0xB90] =	vst v53  }
0xe8: {  	v52 =	vld.idx.msk [tilespmem:v52+s10+$0x0], $0xffff  }
0xe9: {  	v62 =	vadd.s32 $0x20, v32;
	_ =	sdelay $0x3  }
0xea: {  	[tilespmem:$0x1090] =	vst v52  }
0xeb: {  	v52 =	vld.idx.msk [tilespmem:v62+s13+$0x0], $0xffff;
	_ =	sdelay $0x4  }
0xec: {  	v53 =	vadd.s32 v33, v52;
	_ =	sdelay $0x4  }
0xed: {  	v53 =	vld.idx.msk [tilespmem:v53+s10+$0x0], $0xffff  }
0xee: {  	v63 =	vadd.s32 v34, v52;
	_ =	sdelay $0x3  }
0xef: {  	[tilespmem:$0x6A0] =	vst v53  }
0xf0: {  	v53 =	vld.idx.msk [tilespmem:v63+s10+$0x0], $0xffff  }
0xf1: {  	v52 =	vadd.s32 v36, v52;
	_ =	sdelay $0x3  }
0xf2: {  	[tilespmem:$0xBA0] =	vst v53  }
0xf3: {  	v52 =	vld.idx.msk [tilespmem:v52+s10+$0x0], $0xffff  }
0xf4: {  	v56 =	vadd.s32 $0x20, v35;
	_ =	sdelay $0x3  }
0xf5: {  	[tilespmem:$0x10A0] =	vst v52  }
0xf6: {  	v52 =	vld.idx.msk [tilespmem:v56+s13+$0x0], $0xffff;
	_ =	sdelay $0x4  }
0xf7: {  	v53 =	vadd.s32 v37, v52;
	_ =	sdelay $0x4  }
0xf8: {  	v53 =	vld.idx.msk [tilespmem:v53+s10+$0x0], $0xffff  }
0xf9: {  	v57 =	vadd.s32 v38, v52;
	_ =	sdelay $0x3  }
0xfa: {  	[tilespmem:$0x6B0] =	vst v53  }
0xfb: {  	v53 =	vld.idx.msk [tilespmem:v57+s10+$0x0], $0xffff  }
0xfc: {  	v52 =	vadd.s32 v40, v52;
	_ =	sdelay $0x3  }
0xfd: {  	[tilespmem:$0xBB0] =	vst v53  }
0xfe: {  	v52 =	vld.idx.msk [tilespmem:v52+s10+$0x0], $0xffff  }
0xff: {  	v58 =	vadd.s32 $0x20, v39;
	_ =	sdelay $0x3  }
0x100: {  	[tilespmem:$0x10B0] =	vst v52  }
0x101: {  	v52 =	vld.idx.msk [tilespmem:v58+s13+$0x0], $0xffff;
	_ =	sdelay $0x4  }
0x102: {  	v53 =	vadd.s32 v41, v52;
	_ =	sdelay $0x4  }
0x103: {  	v53 =	vld.idx.msk [tilespmem:v53+s10+$0x0], $0xffff  }
0x104: {  	v59 =	vadd.s32 v42, v52;
	_ =	sdelay $0x3  }
0x105: {  	[tilespmem:$0x6C0] =	vst v53  }
0x106: {  	v53 =	vld.idx.msk [tilespmem:v59+s10+$0x0], $0xffff  }
0x107: {  	v52 =	vadd.s32 v44, v52;
	_ =	sdelay $0x3  }
0x108: {  	[tilespmem:$0xBC0] =	vst v53  }
0x109: {  	v52 =	vld.idx.msk [tilespmem:v52+s10+$0x0], $0xffff  }
0x10a: {  	v60 =	vadd.s32 $0x20, v43;
	_ =	sdelay $0x3  }
0x10b: {  	[tilespmem:$0x10C0] =	vst v52  }
0x10c: {  	v52 =	vld.idx.msk [tilespmem:v60+s13+$0x0], $0xffff;
	_ =	sdelay $0x4  }
0x10d: {  	v53 =	vadd.s32 v45, v52;
	_ =	sdelay $0x4  }
0x10e: {  	v53 =	vld.idx.msk [tilespmem:v53+s10+$0x0], $0xffff  }
0x10f: {  	v61 =	vadd.s32 v46, v52;
	_ =	sdelay $0x3  }
0x110: {  	[tilespmem:$0x6D0] =	vst v53  }
0x111: {  	v53 =	vld.idx.msk [tilespmem:v61+s10+$0x0], $0xffff  }
0x112: {  	v52 =	vadd.s32 v48, v52;
	_ =	sdelay $0x3  }
0x113: {  	[tilespmem:$0xBD0] =	vst v53  }
0x114: {  	v52 =	vld.idx.msk [tilespmem:v52+s10+$0x0], $0xffff  }
0x115: {  	v62 =	vadd.s32 $0x20, v47;
	_ =	sdelay $0x3  }
0x116: {  	[tilespmem:$0x10D0] =	vst v52  }
0x117: {  	v52 =	vld.idx.msk [tilespmem:v62+s13+$0x0], $0xffff;
	_ =	sdelay $0x4  }
0x118: {  	v53 =	vadd.s32 v49, v52;
	_ =	sdelay $0x4  }
0x119: {  	v53 =	vld.idx.msk [tilespmem:v53+s10+$0x0], $0xffff  }
0x11a: {  	v63 =	vadd.s32 v50, v52;
	_ =	sdelay $0x3  }
0x11b: {  	[tilespmem:$0x6E0] =	vst v53  }
0x11c: {  	v53 =	vld.idx.msk [tilespmem:v63+s10+$0x0], $0xffff  }
0x11d: {  	v52 =	vadd.s32 v51, v52;
	_ =	sdelay $0x3  }
0x11e: {  	[tilespmem:$0xBE0] =	vst v53  }
0x11f: {  	v52 =	vld.idx.msk [tilespmem:v52+s10+$0x0], $0xffff  }
0x120: {  	v56 =	vadd.s32 $0x30, v32;
	_ =	sdelay $0x3  }
0x121: {  	[tilespmem:$0x10E0] =	vst v52  }
0x122: {  	v52 =	vld.idx.msk [tilespmem:v56+s13+$0x0], $0xffff;
	_ =	sdelay $0x4  }
0x123: {  	v53 =	vadd.s32 v33, v52;
	_ =	sdelay $0x4  }
0x124: {  	v53 =	vld.idx.msk [tilespmem:v53+s10+$0x0], $0xffff  }
0x125: {  	v57 =	vadd.s32 v34, v52;
	_ =	sdelay $0x3  }
0x126: {  	[tilespmem:$0x6F0] =	vst v53  }
0x127: {  	v53 =	vld.idx.msk [tilespmem:v57+s10+$0x0], $0xffff  }
0x128: {  	v52 =	vadd.s32 v36, v52;
	_ =	sdelay $0x3  }
0x129: {  	[tilespmem:$0xBF0] =	vst v53  }
0x12a: {  	v52 =	vld.idx.msk [tilespmem:v52+s10+$0x0], $0xffff  }
0x12b: {  	v58 =	vadd.s32 $0x30, v35;
	_ =	sdelay $0x3  }
0x12c: {  	[tilespmem:$0x10F0] =	vst v52  }
0x12d: {  	v52 =	vld.idx.msk [tilespmem:v58+s13+$0x0], $0xffff;
	_ =	sdelay $0x4  }
0x12e: {  	v53 =	vadd.s32 v37, v52;
	_ =	sdelay $0x4  }
0x12f: {  	v53 =	vld.idx.msk [tilespmem:v53+s10+$0x0], $0xffff  }
0x130: {  	v59 =	vadd.s32 v38, v52;
	_ =	sdelay $0x3  }
0x131: {  	[tilespmem:$0x700] =	vst v53  }
0x132: {  	v53 =	vld.idx.msk [tilespmem:v59+s10+$0x0], $0xffff  }
0x133: {  	v52 =	vadd.s32 v40, v52;
	_ =	sdelay $0x3  }
0x134: {  	[tilespmem:$0xC00] =	vst v53  }
0x135: {  	v52 =	vld.idx.msk [tilespmem:v52+s10+$0x0], $0xffff  }
0x136: {  	v60 =	vadd.s32 $0x30, v39;
	_ =	sdelay $0x3  }
0x137: {  	[tilespmem:$0x1100] =	vst v52  }
0x138: {  	v52 =	vld.idx.msk [tilespmem:v60+s13+$0x0], $0xffff;
	_ =	sdelay $0x4  }
0x139: {  	v53 =	vadd.s32 v41, v52;
	_ =	sdelay $0x4  }
0x13a: {  	v53 =	vld.idx.msk [tilespmem:v53+s10+$0x0], $0xffff  }
0x13b: {  	v61 =	vadd.s32 v42, v52;
	_ =	sdelay $0x3  }
0x13c: {  	[tilespmem:$0x710] =	vst v53  }
0x13d: {  	v53 =	vld.idx.msk [tilespmem:v61+s10+$0x0], $0xffff  }
0x13e: {  	v52 =	vadd.s32 v44, v52;
	_ =	sdelay $0x3  }
0x13f: {  	[tilespmem:$0xC10] =	vst v53  }
0x140: {  	v52 =	vld.idx.msk [tilespmem:v52+s10+$0x0], $0xffff  }
0x141: {  	v62 =	vadd.s32 $0x30, v43;
	_ =	sdelay $0x3  }
0x142: {  	[tilespmem:$0x1110] =	vst v52  }
0x143: {  	v52 =	vld.idx.msk [tilespmem:v62+s13+$0x0], $0xffff;
	_ =	sdelay $0x4  }
0x144: {  	v53 =	vadd.s32 v45, v52;
	_ =	sdelay $0x4  }
0x145: {  	v53 =	vld.idx.msk [tilespmem:v53+s10+$0x0], $0xffff  }
0x146: {  	v63 =	vadd.s32 v46, v52;
	_ =	sdelay $0x3  }
0x147: {  	[tilespmem:$0x720] =	vst v53  }
0x148: {  	v53 =	vld.idx.msk [tilespmem:v63+s10+$0x0], $0xffff  }
0x149: {  	v52 =	vadd.s32 v48, v52;
	_ =	sdelay $0x3  }
0x14a: {  	[tilespmem:$0xC20] =	vst v53  }
0x14b: {  	v52 =	vld.idx.msk [tilespmem:v52+s10+$0x0], $0xffff  }
0x14c: {  	v56 =	vadd.s32 $0x30, v47;
	_ =	sdelay $0x3  }
0x14d: {  	[tilespmem:$0x1120] =	vst v52  }
0x14e: {  	v52 =	vld.idx.msk [tilespmem:v56+s13+$0x0], $0xffff;
	_ =	sdelay $0x4  }
0x14f: {  	v53 =	vadd.s32 v49, v52;
	_ =	sdelay $0x4  }
0x150: {  	v53 =	vld.idx.msk [tilespmem:v53+s10+$0x0], $0xffff  }
0x151: {  	v57 =	vadd.s32 v50, v52;
	_ =	sdelay $0x3  }
0x152: {  	[tilespmem:$0x730] =	vst v53  }
0x153: {  	v53 =	vld.idx.msk [tilespmem:v57+s10+$0x0], $0xffff  }
0x154: {  	v52 =	vadd.s32 v51, v52;
	_ =	sdelay $0x3  }
0x155: {  	[tilespmem:$0xC30] =	vst v53  }
0x156: {  	v52 =	vld.idx.msk [tilespmem:v52+s10+$0x0], $0xffff  }
0x157: {  	v58 =	vadd.s32 $0x40, v32;
	_ =	sdelay $0x3  }
0x158: {  	[tilespmem:$0x1130] =	vst v52  }
0x159: {  	v52 =	vld.idx.msk [tilespmem:v58+s13+$0x0], $0xffff;
	_ =	sdelay $0x4  }
0x15a: {  	v53 =	vadd.s32 v33, v52;
	_ =	sdelay $0x4  }
0x15b: {  	v53 =	vld.idx.msk [tilespmem:v53+s10+$0x0], $0xffff  }
0x15c: {  	v59 =	vadd.s32 v34, v52;
	_ =	sdelay $0x3  }
0x15d: {  	[tilespmem:$0x740] =	vst v53  }
0x15e: {  	v53 =	vld.idx.msk [tilespmem:v59+s10+$0x0], $0xffff  }
0x15f: {  	v52 =	vadd.s32 v36, v52;
	_ =	sdelay $0x3  }
0x160: {  	[tilespmem:$0xC40] =	vst v53  }
0x161: {  	v52 =	vld.idx.msk [tilespmem:v52+s10+$0x0], $0xffff  }
0x162: {  	v60 =	vadd.s32 $0x40, v35;
	_ =	sdelay $0x3  }
0x163: {  	[tilespmem:$0x1140] =	vst v52  }
0x164: {  	v52 =	vld.idx.msk [tilespmem:v60+s13+$0x0], $0xffff;
	_ =	sdelay $0x4  }
0x165: {  	v53 =	vadd.s32 v37, v52;
	_ =	sdelay $0x4  }
0x166: {  	v53 =	vld.idx.msk [tilespmem:v53+s10+$0x0], $0xffff  }
0x167: {  	v61 =	vadd.s32 v38, v52;
	_ =	sdelay $0x3  }
0x168: {  	[tilespmem:$0x750] =	vst v53  }
0x169: {  	v53 =	vld.idx.msk [tilespmem:v61+s10+$0x0], $0xffff  }
0x16a: {  	v52 =	vadd.s32 v40, v52;
	_ =	sdelay $0x3  }
0x16b: {  	[tilespmem:$0xC50] =	vst v53  }
0x16c: {  	v52 =	vld.idx.msk [tilespmem:v52+s10+$0x0], $0xffff  }
0x16d: {  	v62 =	vadd.s32 $0x40, v39;
	_ =	sdelay $0x3  }
0x16e: {  	[tilespmem:$0x1150] =	vst v52  }
0x16f: {  	v52 =	vld.idx.msk [tilespmem:v62+s13+$0x0], $0xffff;
	_ =	sdelay $0x4  }
0x170: {  	v53 =	vadd.s32 v41, v52;
	_ =	sdelay $0x4  }
0x171: {  	v53 =	vld.idx.msk [tilespmem:v53+s10+$0x0], $0xffff  }
0x172: {  	v63 =	vadd.s32 v42, v52;
	_ =	sdelay $0x3  }
0x173: {  	[tilespmem:$0x760] =	vst v53  }
0x174: {  	v53 =	vld.idx.msk [tilespmem:v63+s10+$0x0], $0xffff  }
0x175: {  	v52 =	vadd.s32 v44, v52;
	_ =	sdelay $0x3  }
0x176: {  	[tilespmem:$0xC60] =	vst v53  }
0x177: {  	v52 =	vld.idx.msk [tilespmem:v52+s10+$0x0], $0xffff  }
0x178: {  	v56 =	vadd.s32 $0x40, v43;
	_ =	sdelay $0x3  }
0x179: {  	[tilespmem:$0x1160] =	vst v52  }
0x17a: {  	v52 =	vld.idx.msk [tilespmem:v56+s13+$0x0], $0xffff;
	_ =	sdelay $0x4  }
0x17b: {  	v53 =	vadd.s32 v45, v52;
	_ =	sdelay $0x4  }
0x17c: {  	v53 =	vld.idx.msk [tilespmem:v53+s10+$0x0], $0xffff  }
0x17d: {  	v57 =	vadd.s32 v46, v52;
	_ =	sdelay $0x3  }
0x17e: {  	[tilespmem:$0x770] =	vst v53  }
0x17f: {  	v53 =	vld.idx.msk [tilespmem:v57+s10+$0x0], $0xffff  }
0x180: {  	v52 =	vadd.s32 v48, v52;
	_ =	sdelay $0x3  }
0x181: {  	[tilespmem:$0xC70] =	vst v53  }
0x182: {  	v52 =	vld.idx.msk [tilespmem:v52+s10+$0x0], $0xffff  }
0x183: {  	v58 =	vadd.s32 $0x40, v47;
	_ =	sdelay $0x3  }
0x184: {  	[tilespmem:$0x1170] =	vst v52  }
0x185: {  	v52 =	vld.idx.msk [tilespmem:v58+s13+$0x0], $0xffff;
	_ =	sdelay $0x4  }
0x186: {  	v53 =	vadd.s32 v49, v52;
	_ =	sdelay $0x4  }
0x187: {  	v53 =	vld.idx.msk [tilespmem:v53+s10+$0x0], $0xffff  }
0x188: {  	v59 =	vadd.s32 v50, v52;
	_ =	sdelay $0x3  }
0x189: {  	[tilespmem:$0x780] =	vst v53  }
0x18a: {  	v53 =	vld.idx.msk [tilespmem:v59+s10+$0x0], $0xffff  }
0x18b: {  	v52 =	vadd.s32 v51, v52;
	_ =	sdelay $0x3  }
0x18c: {  	[tilespmem:$0xC80] =	vst v53  }
0x18d: {  	v52 =	vld.idx.msk [tilespmem:v52+s10+$0x0], $0xffff  }
0x18e: {  	v60 =	vadd.s32 $0x50, v32;
	_ =	sdelay $0x3  }
0x18f: {  	[tilespmem:$0x1180] =	vst v52  }
0x190: {  	v52 =	vld.idx.msk [tilespmem:v60+s13+$0x0], $0xffff;
	_ =	sdelay $0x4  }
0x191: {  	v53 =	vadd.s32 v33, v52;
	_ =	sdelay $0x4  }
0x192: {  	v53 =	vld.idx.msk [tilespmem:v53+s10+$0x0], $0xffff  }
0x193: {  	v61 =	vadd.s32 v34, v52;
	_ =	sdelay $0x3  }
0x194: {  	[tilespmem:$0x790] =	vst v53  }
0x195: {  	v53 =	vld.idx.msk [tilespmem:v61+s10+$0x0], $0xffff  }
0x196: {  	v52 =	vadd.s32 v36, v52;
	_ =	sdelay $0x3  }
0x197: {  	[tilespmem:$0xC90] =	vst v53  }
0x198: {  	v52 =	vld.idx.msk [tilespmem:v52+s10+$0x0], $0xffff  }
0x199: {  	v62 =	vadd.s32 $0x50, v35;
	_ =	sdelay $0x3  }
0x19a: {  	[tilespmem:$0x1190] =	vst v52  }
0x19b: {  	v52 =	vld.idx.msk [tilespmem:v62+s13+$0x0], $0xffff;
	_ =	sdelay $0x4  }
0x19c: {  	v53 =	vadd.s32 v37, v52;
	_ =	sdelay $0x4  }
0x19d: {  	v53 =	vld.idx.msk [tilespmem:v53+s10+$0x0], $0xffff  }
0x19e: {  	v63 =	vadd.s32 v38, v52;
	_ =	sdelay $0x3  }
0x19f: {  	[tilespmem:$0x7A0] =	vst v53  }
0x1a0: {  	v53 =	vld.idx.msk [tilespmem:v63+s10+$0x0], $0xffff  }
0x1a1: {  	v52 =	vadd.s32 v40, v52;
	_ =	sdelay $0x3  }
0x1a2: {  	[tilespmem:$0xCA0] =	vst v53  }
0x1a3: {  	v52 =	vld.idx.msk [tilespmem:v52+s10+$0x0], $0xffff  }
0x1a4: {  	v56 =	vadd.s32 $0x50, v39;
	_ =	sdelay $0x3  }
0x1a5: {  	[tilespmem:$0x11A0] =	vst v52  }
0x1a6: {  	v52 =	vld.idx.msk [tilespmem:v56+s13+$0x0], $0xffff;
	_ =	sdelay $0x4  }
0x1a7: {  	v53 =	vadd.s32 v41, v52;
	_ =	sdelay $0x4  }
0x1a8: {  	v53 =	vld.idx.msk [tilespmem:v53+s10+$0x0], $0xffff  }
0x1a9: {  	v57 =	vadd.s32 v42, v52;
	_ =	sdelay $0x3  }
0x1aa: {  	[tilespmem:$0x7B0] =	vst v53  }
0x1ab: {  	v53 =	vld.idx.msk [tilespmem:v57+s10+$0x0], $0xffff  }
0x1ac: {  	v52 =	vadd.s32 v44, v52;
	_ =	sdelay $0x3  }
0x1ad: {  	[tilespmem:$0xCB0] =	vst v53  }
0x1ae: {  	v52 =	vld.idx.msk [tilespmem:v52+s10+$0x0], $0xffff  }
0x1af: {  	v58 =	vadd.s32 $0x50, v43;
	_ =	sdelay $0x3  }
0x1b0: {  	[tilespmem:$0x11B0] =	vst v52  }
0x1b1: {  	v52 =	vld.idx.msk [tilespmem:v58+s13+$0x0], $0xffff;
	_ =	sdelay $0x4  }
0x1b2: {  	v53 =	vadd.s32 v45, v52;
	_ =	sdelay $0x4  }
0x1b3: {  	v53 =	vld.idx.msk [tilespmem:v53+s10+$0x0], $0xffff  }
0x1b4: {  	v59 =	vadd.s32 v46, v52;
	_ =	sdelay $0x3  }
0x1b5: {  	[tilespmem:$0x7C0] =	vst v53  }
0x1b6: {  	v53 =	vld.idx.msk [tilespmem:v59+s10+$0x0], $0xffff  }
0x1b7: {  	v52 =	vadd.s32 v48, v52;
	_ =	sdelay $0x3  }
0x1b8: {  	[tilespmem:$0xCC0] =	vst v53  }
0x1b9: {  	v52 =	vld.idx.msk [tilespmem:v52+s10+$0x0], $0xffff  }
0x1ba: {  	v60 =	vadd.s32 $0x50, v47;
	_ =	sdelay $0x3  }
0x1bb: {  	[tilespmem:$0x11C0] =	vst v52  }
0x1bc: {  	v52 =	vld.idx.msk [tilespmem:v60+s13+$0x0], $0xffff;
	_ =	sdelay $0x4  }
0x1bd: {  	v53 =	vadd.s32 v49, v52;
	_ =	sdelay $0x4  }
0x1be: {  	v53 =	vld.idx.msk [tilespmem:v53+s10+$0x0], $0xffff  }
0x1bf: {  	v61 =	vadd.s32 v50, v52;
	_ =	sdelay $0x3  }
0x1c0: {  	[tilespmem:$0x7D0] =	vst v53  }
0x1c1: {  	v53 =	vld.idx.msk [tilespmem:v61+s10+$0x0], $0xffff  }
0x1c2: {  	v52 =	vadd.s32 v51, v52;
	_ =	sdelay $0x3  }
0x1c3: {  	[tilespmem:$0xCD0] =	vst v53  }
0x1c4: {  	v52 =	vld.idx.msk [tilespmem:v52+s10+$0x0], $0xffff  }
0x1c5: {  	v62 =	vadd.s32 $0x60, v32;
	_ =	sdelay $0x3  }
0x1c6: {  	[tilespmem:$0x11D0] =	vst v52  }
0x1c7: {  	v52 =	vld.idx.msk [tilespmem:v62+s13+$0x0], $0xffff;
	_ =	sdelay $0x4  }
0x1c8: {  	v53 =	vadd.s32 v33, v52;
	_ =	sdelay $0x4  }
0x1c9: {  	v53 =	vld.idx.msk [tilespmem:v53+s10+$0x0], $0xffff  }
0x1ca: {  	v63 =	vadd.s32 v34, v52;
	_ =	sdelay $0x3  }
0x1cb: {  	[tilespmem:$0x7E0] =	vst v53  }
0x1cc: {  	v53 =	vld.idx.msk [tilespmem:v63+s10+$0x0], $0xffff  }
0x1cd: {  	v52 =	vadd.s32 v36, v52;
	_ =	sdelay $0x3  }
0x1ce: {  	[tilespmem:$0xCE0] =	vst v53  }
0x1cf: {  	v52 =	vld.idx.msk [tilespmem:v52+s10+$0x0], $0xffff  }
0x1d0: {  	v56 =	vadd.s32 $0x60, v35;
	_ =	sdelay $0x3  }
0x1d1: {  	[tilespmem:$0x11E0] =	vst v52  }
0x1d2: {  	v52 =	vld.idx.msk [tilespmem:v56+s13+$0x0], $0xffff;
	_ =	sdelay $0x4  }
0x1d3: {  	v53 =	vadd.s32 v37, v52;
	_ =	sdelay $0x4  }
0x1d4: {  	v53 =	vld.idx.msk [tilespmem:v53+s10+$0x0], $0xffff  }
0x1d5: {  	v57 =	vadd.s32 v38, v52;
	_ =	sdelay $0x3  }
0x1d6: {  	[tilespmem:$0x7F0] =	vst v53  }
0x1d7: {  	v53 =	vld.idx.msk [tilespmem:v57+s10+$0x0], $0xffff  }
0x1d8: {  	v52 =	vadd.s32 v40, v52;
	_ =	sdelay $0x3  }
0x1d9: {  	[tilespmem:$0xCF0] =	vst v53  }
0x1da: {  	v52 =	vld.idx.msk [tilespmem:v52+s10+$0x0], $0xffff  }
0x1db: {  	v58 =	vadd.s32 $0x60, v39;
	_ =	sdelay $0x3  }
0x1dc: {  	[tilespmem:$0x11F0] =	vst v52  }
0x1dd: {  	v52 =	vld.idx.msk [tilespmem:v58+s13+$0x0], $0xffff;
	_ =	sdelay $0x4  }
0x1de: {  	v53 =	vadd.s32 v41, v52;
	_ =	sdelay $0x4  }
0x1df: {  	v53 =	vld.idx.msk [tilespmem:v53+s10+$0x0], $0xffff  }
0x1e0: {  	v59 =	vadd.s32 v42, v52;
	_ =	sdelay $0x3  }
0x1e1: {  	[tilespmem:$0x800] =	vst v53  }
0x1e2: {  	v53 =	vld.idx.msk [tilespmem:v59+s10+$0x0], $0xffff  }
0x1e3: {  	v52 =	vadd.s32 v44, v52;
	_ =	sdelay $0x3  }
0x1e4: {  	[tilespmem:$0xD00] =	vst v53  }
0x1e5: {  	v52 =	vld.idx.msk [tilespmem:v52+s10+$0x0], $0xffff  }
0x1e6: {  	v60 =	vadd.s32 $0x60, v43;
	_ =	sdelay $0x3  }
0x1e7: {  	[tilespmem:$0x1200] =	vst v52  }
0x1e8: {  	v52 =	vld.idx.msk [tilespmem:v60+s13+$0x0], $0xffff;
	_ =	sdelay $0x4  }
0x1e9: {  	v53 =	vadd.s32 v45, v52;
	_ =	sdelay $0x4  }
0x1ea: {  	v53 =	vld.idx.msk [tilespmem:v53+s10+$0x0], $0xffff  }
0x1eb: {  	v61 =	vadd.s32 v46, v52;
	_ =	sdelay $0x3  }
0x1ec: {  	[tilespmem:$0x810] =	vst v53  }
0x1ed: {  	v53 =	vld.idx.msk [tilespmem:v61+s10+$0x0], $0xffff  }
0x1ee: {  	v52 =	vadd.s32 v48, v52;
	_ =	sdelay $0x3  }
0x1ef: {  	[tilespmem:$0xD10] =	vst v53  }
0x1f0: {  	v52 =	vld.idx.msk [tilespmem:v52+s10+$0x0], $0xffff  }
0x1f1: {  	v62 =	vadd.s32 $0x60, v47;
	_ =	sdelay $0x3  }
0x1f2: {  	[tilespmem:$0x1210] =	vst v52  }
0x1f3: {  	v52 =	vld.idx.msk [tilespmem:v62+s13+$0x0], $0xffff;
	_ =	sdelay $0x4  }
0x1f4: {  	v53 =	vadd.s32 v49, v52;
	_ =	sdelay $0x4  }
0x1f5: {  	v53 =	vld.idx.msk [tilespmem:v53+s10+$0x0], $0xffff  }
0x1f6: {  	v63 =	vadd.s32 v50, v52;
	_ =	sdelay $0x3  }
0x1f7: {  	[tilespmem:$0x820] =	vst v53  }
0x1f8: {  	v53 =	vld.idx.msk [tilespmem:v63+s10+$0x0], $0xffff  }
0x1f9: {  	v52 =	vadd.s32 v51, v52;
	_ =	sdelay $0x3  }
0x1fa: {  	[tilespmem:$0xD20] =	vst v53  }
0x1fb: {  	v52 =	vld.idx.msk [tilespmem:v52+s10+$0x0], $0xffff  }
0x1fc: {  	v56 =	vadd.s32 $0x70, v32;
	_ =	sdelay $0x3  }
0x1fd: {  	[tilespmem:$0x1220] =	vst v52  }
0x1fe: {  	v52 =	vld.idx.msk [tilespmem:v56+s13+$0x0], $0xffff;
	_ =	sdelay $0x4  }
0x1ff: {  	v53 =	vadd.s32 v33, v52;
	_ =	sdelay $0x4  }
0x200: {  	v53 =	vld.idx.msk [tilespmem:v53+s10+$0x0], $0xffff  }
0x201: {  	v57 =	vadd.s32 v34, v52;
	_ =	sdelay $0x3  }
0x202: {  	[tilespmem:$0x830] =	vst v53  }
0x203: {  	v53 =	vld.idx.msk [tilespmem:v57+s10+$0x0], $0xffff  }
0x204: {  	v52 =	vadd.s32 v36, v52;
	_ =	sdelay $0x3  }
0x205: {  	[tilespmem:$0xD30] =	vst v53  }
0x206: {  	v52 =	vld.idx.msk [tilespmem:v52+s10+$0x0], $0xffff  }
0x207: {  	v58 =	vadd.s32 $0x70, v35;
	_ =	sdelay $0x3  }
0x208: {  	[tilespmem:$0x1230] =	vst v52  }
0x209: {  	v52 =	vld.idx.msk [tilespmem:v58+s13+$0x0], $0xffff;
	_ =	sdelay $0x4  }
0x20a: {  	v53 =	vadd.s32 v37, v52;
	_ =	sdelay $0x4  }
0x20b: {  	v53 =	vld.idx.msk [tilespmem:v53+s10+$0x0], $0xffff  }
0x20c: {  	v59 =	vadd.s32 v38, v52;
	_ =	sdelay $0x3  }
0x20d: {  	[tilespmem:$0x840] =	vst v53  }
0x20e: {  	v53 =	vld.idx.msk [tilespmem:v59+s10+$0x0], $0xffff  }
0x20f: {  	v52 =	vadd.s32 v40, v52;
	_ =	sdelay $0x3  }
0x210: {  	[tilespmem:$0xD40] =	vst v53  }
0x211: {  	v52 =	vld.idx.msk [tilespmem:v52+s10+$0x0], $0xffff  }
0x212: {  	v60 =	vadd.s32 $0x70, v39;
	_ =	sdelay $0x3  }
0x213: {  	[tilespmem:$0x1240] =	vst v52  }
0x214: {  	v52 =	vld.idx.msk [tilespmem:v60+s13+$0x0], $0xffff;
	_ =	sdelay $0x4  }
0x215: {  	v53 =	vadd.s32 v41, v52;
	_ =	sdelay $0x4  }
0x216: {  	v53 =	vld.idx.msk [tilespmem:v53+s10+$0x0], $0xffff  }
0x217: {  	v61 =	vadd.s32 v42, v52;
	_ =	sdelay $0x3  }
0x218: {  	[tilespmem:$0x850] =	vst v53  }
0x219: {  	v53 =	vld.idx.msk [tilespmem:v61+s10+$0x0], $0xffff  }
0x21a: {  	v52 =	vadd.s32 v44, v52;
	_ =	sdelay $0x3  }
0x21b: {  	[tilespmem:$0xD50] =	vst v53  }
0x21c: {  	v52 =	vld.idx.msk [tilespmem:v52+s10+$0x0], $0xffff  }
0x21d: {  	v62 =	vadd.s32 $0x70, v43;
	_ =	sdelay $0x3  }
0x21e: {  	[tilespmem:$0x1250] =	vst v52  }
0x21f: {  	v52 =	vld.idx.msk [tilespmem:v62+s13+$0x0], $0xffff;
	_ =	sdelay $0x4  }
0x220: {  	v53 =	vadd.s32 v45, v52;
	_ =	sdelay $0x4  }
0x221: {  	v53 =	vld.idx.msk [tilespmem:v53+s10+$0x0], $0xffff  }
0x222: {  	v63 =	vadd.s32 v46, v52;
	_ =	sdelay $0x3  }
0x223: {  	[tilespmem:$0x860] =	vst v53  }
0x224: {  	v53 =	vld.idx.msk [tilespmem:v63+s10+$0x0], $0xffff  }
0x225: {  	v52 =	vadd.s32 v48, v52;
	_ =	sdelay $0x3  }
0x226: {  	[tilespmem:$0xD60] =	vst v53  }
0x227: {  	v52 =	vld.idx.msk [tilespmem:v52+s10+$0x0], $0xffff  }
0x228: {  	v56 =	vadd.s32 $0x70, v47;
	_ =	sdelay $0x3  }
0x229: {  	[tilespmem:$0x1260] =	vst v52  }
0x22a: {  	v52 =	vld.idx.msk [tilespmem:v56+s13+$0x0], $0xffff;
	_ =	sdelay $0x4  }
0x22b: {  	v53 =	vadd.s32 v49, v52;
	_ =	sdelay $0x4  }
0x22c: {  	v53 =	vld.idx.msk [tilespmem:v53+s10+$0x0], $0xffff  }
0x22d: {  	v57 =	vadd.s32 v50, v52;
	_ =	sdelay $0x3  }
0x22e: {  	[tilespmem:$0x870] =	vst v53  }
0x22f: {  	v53 =	vld.idx.msk [tilespmem:v57+s10+$0x0], $0xffff  }
0x230: {  	v52 =	vadd.s32 v51, v52;
	_ =	sdelay $0x3  }
0x231: {  	[tilespmem:$0xD70] =	vst v53  }
0x232: {  	v52 =	vld.idx.msk [tilespmem:v52+s10+$0x0], $0xffff  }
0x233: {  	v58 =	vadd.s32 $0x80, v32;
	_ =	sdelay $0x3  }
0x234: {  	[tilespmem:$0x1270] =	vst v52  }
0x235: {  	v52 =	vld.idx.msk [tilespmem:v58+s13+$0x0], $0xffff;
	_ =	sdelay $0x4  }
0x236: {  	v53 =	vadd.s32 v33, v52;
	_ =	sdelay $0x4  }
0x237: {  	v53 =	vld.idx.msk [tilespmem:v53+s10+$0x0], $0xffff  }
0x238: {  	v59 =	vadd.s32 v34, v52;
	_ =	sdelay $0x3  }
0x239: {  	[tilespmem:$0x880] =	vst v53  }
0x23a: {  	v53 =	vld.idx.msk [tilespmem:v59+s10+$0x0], $0xffff  }
0x23b: {  	v52 =	vadd.s32 v36, v52;
	_ =	sdelay $0x3  }
0x23c: {  	[tilespmem:$0xD80] =	vst v53  }
0x23d: {  	v52 =	vld.idx.msk [tilespmem:v52+s10+$0x0], $0xffff  }
0x23e: {  	v60 =	vadd.s32 $0x80, v35;
	_ =	sdelay $0x3  }
0x23f: {  	[tilespmem:$0x1280] =	vst v52  }
0x240: {  	v52 =	vld.idx.msk [tilespmem:v60+s13+$0x0], $0xffff;
	_ =	sdelay $0x4  }
0x241: {  	v53 =	vadd.s32 v37, v52;
	_ =	sdelay $0x4  }
0x242: {  	v53 =	vld.idx.msk [tilespmem:v53+s10+$0x0], $0xffff  }
0x243: {  	v61 =	vadd.s32 v38, v52;
	_ =	sdelay $0x3  }
0x244: {  	[tilespmem:$0x890] =	vst v53  }
0x245: {  	v53 =	vld.idx.msk [tilespmem:v61+s10+$0x0], $0xffff  }
0x246: {  	v52 =	vadd.s32 v40, v52;
	_ =	sdelay $0x3  }
0x247: {  	[tilespmem:$0xD90] =	vst v53  }
0x248: {  	v52 =	vld.idx.msk [tilespmem:v52+s10+$0x0], $0xffff  }
0x249: {  	v62 =	vadd.s32 $0x80, v39;
	_ =	sdelay $0x3  }
0x24a: {  	[tilespmem:$0x1290] =	vst v52  }
0x24b: {  	v52 =	vld.idx.msk [tilespmem:v62+s13+$0x0], $0xffff;
	_ =	sdelay $0x4  }
0x24c: {  	v53 =	vadd.s32 v41, v52;
	_ =	sdelay $0x4  }
0x24d: {  	v53 =	vld.idx.msk [tilespmem:v53+s10+$0x0], $0xffff  }
0x24e: {  	v63 =	vadd.s32 v42, v52;
	_ =	sdelay $0x3  }
0x24f: {  	[tilespmem:$0x8A0] =	vst v53  }
0x250: {  	v53 =	vld.idx.msk [tilespmem:v63+s10+$0x0], $0xffff  }
0x251: {  	v52 =	vadd.s32 v44, v52;
	_ =	sdelay $0x3  }
0x252: {  	[tilespmem:$0xDA0] =	vst v53  }
0x253: {  	v52 =	vld.idx.msk [tilespmem:v52+s10+$0x0], $0xffff  }
0x254: {  	v56 =	vadd.s32 $0x80, v43;
	_ =	sdelay $0x3  }
0x255: {  	[tilespmem:$0x12A0] =	vst v52  }
0x256: {  	v52 =	vld.idx.msk [tilespmem:v56+s13+$0x0], $0xffff;
	_ =	sdelay $0x4  }
0x257: {  	v53 =	vadd.s32 v45, v52;
	_ =	sdelay $0x4  }
0x258: {  	v53 =	vld.idx.msk [tilespmem:v53+s10+$0x0], $0xffff  }
0x259: {  	v57 =	vadd.s32 v46, v52;
	_ =	sdelay $0x3  }
0x25a: {  	[tilespmem:$0x8B0] =	vst v53  }
0x25b: {  	v53 =	vld.idx.msk [tilespmem:v57+s10+$0x0], $0xffff  }
0x25c: {  	v52 =	vadd.s32 v48, v52;
	_ =	sdelay $0x3  }
0x25d: {  	[tilespmem:$0xDB0] =	vst v53  }
0x25e: {  	v52 =	vld.idx.msk [tilespmem:v52+s10+$0x0], $0xffff  }
0x25f: {  	v58 =	vadd.s32 $0x80, v47;
	_ =	sdelay $0x3  }
0x260: {  	[tilespmem:$0x12B0] =	vst v52  }
0x261: {  	v52 =	vld.idx.msk [tilespmem:v58+s13+$0x0], $0xffff;
	_ =	sdelay $0x4  }
0x262: {  	v53 =	vadd.s32 v49, v52;
	_ =	sdelay $0x4  }
0x263: {  	v53 =	vld.idx.msk [tilespmem:v53+s10+$0x0], $0xffff  }
0x264: {  	v59 =	vadd.s32 v50, v52;
	_ =	sdelay $0x3  }
0x265: {  	[tilespmem:$0x8C0] =	vst v53  }
0x266: {  	v53 =	vld.idx.msk [tilespmem:v59+s10+$0x0], $0xffff  }
0x267: {  	v52 =	vadd.s32 v51, v52;
	_ =	sdelay $0x3  }
0x268: {  	[tilespmem:$0xDC0] =	vst v53  }
0x269: {  	v52 =	vld.idx.msk [tilespmem:v52+s10+$0x0], $0xffff  }
0x26a: {  	v60 =	vadd.s32 $0x90, v32;
	_ =	sdelay $0x3  }
0x26b: {  	[tilespmem:$0x12C0] =	vst v52  }
0x26c: {  	v52 =	vld.idx.msk [tilespmem:v60+s13+$0x0], $0xffff;
	_ =	sdelay $0x4  }
0x26d: {  	v53 =	vadd.s32 v33, v52;
	_ =	sdelay $0x4  }
0x26e: {  	v53 =	vld.idx.msk [tilespmem:v53+s10+$0x0], $0xffff  }
0x26f: {  	v61 =	vadd.s32 v34, v52;
	_ =	sdelay $0x3  }
0x270: {  	[tilespmem:$0x8D0] =	vst v53  }
0x271: {  	v53 =	vld.idx.msk [tilespmem:v61+s10+$0x0], $0xffff  }
0x272: {  	v52 =	vadd.s32 v36, v52;
	_ =	sdelay $0x3  }
0x273: {  	[tilespmem:$0xDD0] =	vst v53  }
0x274: {  	v52 =	vld.idx.msk [tilespmem:v52+s10+$0x0], $0xffff  }
0x275: {  	v62 =	vadd.s32 $0x90, v35;
	_ =	sdelay $0x3  }
0x276: {  	[tilespmem:$0x12D0] =	vst v52  }
0x277: {  	v52 =	vld.idx.msk [tilespmem:v62+s13+$0x0], $0xffff;
	_ =	sdelay $0x4  }
0x278: {  	v53 =	vadd.s32 v37, v52;
	_ =	sdelay $0x4  }
0x279: {  	v53 =	vld.idx.msk [tilespmem:v53+s10+$0x0], $0xffff  }
0x27a: {  	v63 =	vadd.s32 v38, v52;
	_ =	sdelay $0x3  }
0x27b: {  	[tilespmem:$0x8E0] =	vst v53  }
0x27c: {  	v53 =	vld.idx.msk [tilespmem:v63+s10+$0x0], $0xffff  }
0x27d: {  	v52 =	vadd.s32 v40, v52;
	_ =	sdelay $0x3  }
0x27e: {  	[tilespmem:$0xDE0] =	vst v53  }
0x27f: {  	v52 =	vld.idx.msk [tilespmem:v52+s10+$0x0], $0xffff  }
0x280: {  	v56 =	vadd.s32 $0x90, v39;
	_ =	sdelay $0x3  }
0x281: {  	[tilespmem:$0x12E0] =	vst v52  }
0x282: {  	v52 =	vld.idx.msk [tilespmem:v56+s13+$0x0], $0xffff;
	_ =	sdelay $0x4  }
0x283: {  	v53 =	vadd.s32 v41, v52;
	_ =	sdelay $0x4  }
0x284: {  	v53 =	vld.idx.msk [tilespmem:v53+s10+$0x0], $0xffff  }
0x285: {  	v57 =	vadd.s32 v42, v52;
	_ =	sdelay $0x3  }
0x286: {  	[tilespmem:$0x8F0] =	vst v53  }
0x287: {  	v53 =	vld.idx.msk [tilespmem:v57+s10+$0x0], $0xffff  }
0x288: {  	v52 =	vadd.s32 v44, v52;
	_ =	sdelay $0x3  }
0x289: {  	[tilespmem:$0xDF0] =	vst v53  }
0x28a: {  	v52 =	vld.idx.msk [tilespmem:v52+s10+$0x0], $0xffff  }
0x28b: {  	v58 =	vadd.s32 $0x90, v43;
	_ =	sdelay $0x3  }
0x28c: {  	[tilespmem:$0x12F0] =	vst v52  }
0x28d: {  	v52 =	vld.idx.msk [tilespmem:v58+s13+$0x0], $0xffff;
	_ =	sdelay $0x4  }
0x28e: {  	v53 =	vadd.s32 v45, v52;
	_ =	sdelay $0x4  }
0x28f: {  	v53 =	vld.idx.msk [tilespmem:v53+s10+$0x0], $0xffff  }
0x290: {  	v59 =	vadd.s32 v46, v52;
	_ =	sdelay $0x3  }
0x291: {  	[tilespmem:$0x900] =	vst v53  }
0x292: {  	v53 =	vld.idx.msk [tilespmem:v59+s10+$0x0], $0xffff  }
0x293: {  	v52 =	vadd.s32 v48, v52;
	_ =	sdelay $0x3  }
0x294: {  	[tilespmem:$0xE00] =	vst v53  }
0x295: {  	v52 =	vld.idx.msk [tilespmem:v52+s10+$0x0], $0xffff  }
0x296: {  	v60 =	vadd.s32 $0x90, v47;
	_ =	sdelay $0x3  }
0x297: {  	[tilespmem:$0x1300] =	vst v52  }
0x298: {  	v52 =	vld.idx.msk [tilespmem:v60+s13+$0x0], $0xffff;
	_ =	sdelay $0x4  }
0x299: {  	v53 =	vadd.s32 v49, v52;
	_ =	sdelay $0x4  }
0x29a: {  	v53 =	vld.idx.msk [tilespmem:v53+s10+$0x0], $0xffff  }
0x29b: {  	v61 =	vadd.s32 v50, v52;
	_ =	sdelay $0x3  }
0x29c: {  	[tilespmem:$0x910] =	vst v53  }
0x29d: {  	v53 =	vld.idx.msk [tilespmem:v61+s10+$0x0], $0xffff  }
0x29e: {  	v52 =	vadd.s32 v51, v52;
	_ =	sdelay $0x3  }
0x29f: {  	[tilespmem:$0xE10] =	vst v53  }
0x2a0: {  	v52 =	vld.idx.msk [tilespmem:v52+s10+$0x0], $0xffff  }
0x2a1: {  	v62 =	vadd.s32 $0xA0, v32;
	_ =	sdelay $0x3  }
0x2a2: {  	[tilespmem:$0x1310] =	vst v52  }
0x2a3: {  	v52 =	vld.idx.msk [tilespmem:v62+s13+$0x0], $0xffff;
	_ =	sdelay $0x4  }
0x2a4: {  	v53 =	vadd.s32 v33, v52;
	_ =	sdelay $0x4  }
0x2a5: {  	v53 =	vld.idx.msk [tilespmem:v53+s10+$0x0], $0xffff  }
0x2a6: {  	v63 =	vadd.s32 v34, v52;
	_ =	sdelay $0x3  }
0x2a7: {  	[tilespmem:$0x920] =	vst v53  }
0x2a8: {  	v53 =	vld.idx.msk [tilespmem:v63+s10+$0x0], $0xffff  }
0x2a9: {  	v52 =	vadd.s32 v36, v52;
	_ =	sdelay $0x3  }
0x2aa: {  	[tilespmem:$0xE20] =	vst v53  }
0x2ab: {  	v52 =	vld.idx.msk [tilespmem:v52+s10+$0x0], $0xffff  }
0x2ac: {  	v56 =	vadd.s32 $0xA0, v35;
	_ =	sdelay $0x3  }
0x2ad: {  	[tilespmem:$0x1320] =	vst v52  }
0x2ae: {  	v52 =	vld.idx.msk [tilespmem:v56+s13+$0x0], $0xffff;
	_ =	sdelay $0x4  }
0x2af: {  	v53 =	vadd.s32 v37, v52;
	_ =	sdelay $0x4  }
0x2b0: {  	v53 =	vld.idx.msk [tilespmem:v53+s10+$0x0], $0xffff  }
0x2b1: {  	v57 =	vadd.s32 v38, v52;
	_ =	sdelay $0x3  }
0x2b2: {  	[tilespmem:$0x930] =	vst v53  }
0x2b3: {  	v53 =	vld.idx.msk [tilespmem:v57+s10+$0x0], $0xffff  }
0x2b4: {  	v52 =	vadd.s32 v40, v52;
	_ =	sdelay $0x3  }
0x2b5: {  	[tilespmem:$0xE30] =	vst v53  }
0x2b6: {  	v52 =	vld.idx.msk [tilespmem:v52+s10+$0x0], $0xffff  }
0x2b7: {  	v58 =	vadd.s32 $0xA0, v39;
	_ =	sdelay $0x3  }
0x2b8: {  	[tilespmem:$0x1330] =	vst v52  }
0x2b9: {  	v52 =	vld.idx.msk [tilespmem:v58+s13+$0x0], $0xffff;
	_ =	sdelay $0x4  }
0x2ba: {  	v53 =	vadd.s32 v41, v52;
	_ =	sdelay $0x4  }
0x2bb: {  	v53 =	vld.idx.msk [tilespmem:v53+s10+$0x0], $0xffff  }
0x2bc: {  	v59 =	vadd.s32 v42, v52;
	_ =	sdelay $0x3  }
0x2bd: {  	[tilespmem:$0x940] =	vst v53  }
0x2be: {  	v53 =	vld.idx.msk [tilespmem:v59+s10+$0x0], $0xffff  }
0x2bf: {  	v52 =	vadd.s32 v44, v52;
	_ =	sdelay $0x3  }
0x2c0: {  	[tilespmem:$0xE40] =	vst v53  }
0x2c1: {  	v52 =	vld.idx.msk [tilespmem:v52+s10+$0x0], $0xffff  }
0x2c2: {  	v60 =	vadd.s32 $0xA0, v43;
	_ =	sdelay $0x3  }
0x2c3: {  	[tilespmem:$0x1340] =	vst v52  }
0x2c4: {  	v52 =	vld.idx.msk [tilespmem:v60+s13+$0x0], $0xffff;
	_ =	sdelay $0x4  }
0x2c5: {  	v53 =	vadd.s32 v45, v52;
	_ =	sdelay $0x4  }
0x2c6: {  	v53 =	vld.idx.msk [tilespmem:v53+s10+$0x0], $0xffff  }
0x2c7: {  	v61 =	vadd.s32 v46, v52;
	_ =	sdelay $0x3  }
0x2c8: {  	[tilespmem:$0x950] =	vst v53  }
0x2c9: {  	v53 =	vld.idx.msk [tilespmem:v61+s10+$0x0], $0xffff  }
0x2ca: {  	v52 =	vadd.s32 v48, v52;
	_ =	sdelay $0x3  }
0x2cb: {  	[tilespmem:$0xE50] =	vst v53  }
0x2cc: {  	v52 =	vld.idx.msk [tilespmem:v52+s10+$0x0], $0xffff  }
0x2cd: {  	v62 =	vadd.s32 $0xA0, v47;
	_ =	sdelay $0x3  }
0x2ce: {  	[tilespmem:$0x1350] =	vst v52  }
0x2cf: {  	v52 =	vld.idx.msk [tilespmem:v62+s13+$0x0], $0xffff;
	_ =	sdelay $0x4  }
0x2d0: {  	v53 =	vadd.s32 v49, v52;
	_ =	sdelay $0x4  }
0x2d1: {  	v53 =	vld.idx.msk [tilespmem:v53+s10+$0x0], $0xffff  }
0x2d2: {  	v63 =	vadd.s32 v50, v52;
	_ =	sdelay $0x3  }
0x2d3: {  	[tilespmem:$0x960] =	vst v53  }
0x2d4: {  	v53 =	vld.idx.msk [tilespmem:v63+s10+$0x0], $0xffff  }
0x2d5: {  	v52 =	vadd.s32 v51, v52;
	_ =	sdelay $0x3  }
0x2d6: {  	[tilespmem:$0xE60] =	vst v53  }
0x2d7: {  	v52 =	vld.idx.msk [tilespmem:v52+s10+$0x0], $0xffff  }
0x2d8: {  	v56 =	vadd.s32 $0xB0, v32;
	_ =	sdelay $0x3  }
0x2d9: {  	[tilespmem:$0x1360] =	vst v52  }
0x2da: {  	v52 =	vld.idx.msk [tilespmem:v56+s13+$0x0], $0xffff;
	_ =	sdelay $0x4  }
0x2db: {  	v53 =	vadd.s32 v33, v52;
	_ =	sdelay $0x4  }
0x2dc: {  	v53 =	vld.idx.msk [tilespmem:v53+s10+$0x0], $0xffff  }
0x2dd: {  	v57 =	vadd.s32 v34, v52;
	_ =	sdelay $0x3  }
0x2de: {  	[tilespmem:$0x970] =	vst v53  }
0x2df: {  	v53 =	vld.idx.msk [tilespmem:v57+s10+$0x0], $0xffff  }
0x2e0: {  	v52 =	vadd.s32 v36, v52;
	_ =	sdelay $0x3  }
0x2e1: {  	[tilespmem:$0xE70] =	vst v53  }
0x2e2: {  	v52 =	vld.idx.msk [tilespmem:v52+s10+$0x0], $0xffff  }
0x2e3: {  	v58 =	vadd.s32 $0xB0, v35;
	_ =	sdelay $0x3  }
0x2e4: {  	[tilespmem:$0x1370] =	vst v52  }
0x2e5: {  	v52 =	vld.idx.msk [tilespmem:v58+s13+$0x0], $0xffff;
	_ =	sdelay $0x4  }
0x2e6: {  	v53 =	vadd.s32 v37, v52;
	_ =	sdelay $0x4  }
0x2e7: {  	v53 =	vld.idx.msk [tilespmem:v53+s10+$0x0], $0xffff  }
0x2e8: {  	v59 =	vadd.s32 v38, v52;
	_ =	sdelay $0x3  }
0x2e9: {  	[tilespmem:$0x980] =	vst v53  }
0x2ea: {  	v53 =	vld.idx.msk [tilespmem:v59+s10+$0x0], $0xffff  }
0x2eb: {  	v52 =	vadd.s32 v40, v52;
	_ =	sdelay $0x3  }
0x2ec: {  	[tilespmem:$0xE80] =	vst v53  }
0x2ed: {  	v52 =	vld.idx.msk [tilespmem:v52+s10+$0x0], $0xffff  }
0x2ee: {  	v60 =	vadd.s32 $0xB0, v39;
	_ =	sdelay $0x3  }
0x2ef: {  	[tilespmem:$0x1380] =	vst v52  }
0x2f0: {  	v52 =	vld.idx.msk [tilespmem:v60+s13+$0x0], $0xffff;
	_ =	sdelay $0x4  }
0x2f1: {  	v53 =	vadd.s32 v41, v52;
	_ =	sdelay $0x4  }
0x2f2: {  	v53 =	vld.idx.msk [tilespmem:v53+s10+$0x0], $0xffff  }
0x2f3: {  	v61 =	vadd.s32 v42, v52;
	_ =	sdelay $0x3  }
0x2f4: {  	[tilespmem:$0x990] =	vst v53  }
0x2f5: {  	v53 =	vld.idx.msk [tilespmem:v61+s10+$0x0], $0xffff  }
0x2f6: {  	v52 =	vadd.s32 v44, v52;
	_ =	sdelay $0x3  }
0x2f7: {  	[tilespmem:$0xE90] =	vst v53  }
0x2f8: {  	v52 =	vld.idx.msk [tilespmem:v52+s10+$0x0], $0xffff  }
0x2f9: {  	v62 =	vadd.s32 $0xB0, v43;
	_ =	sdelay $0x3  }
0x2fa: {  	[tilespmem:$0x1390] =	vst v52  }
0x2fb: {  	v52 =	vld.idx.msk [tilespmem:v62+s13+$0x0], $0xffff;
	_ =	sdelay $0x4  }
0x2fc: {  	v53 =	vadd.s32 v45, v52;
	_ =	sdelay $0x4  }
0x2fd: {  	v53 =	vld.idx.msk [tilespmem:v53+s10+$0x0], $0xffff  }
0x2fe: {  	v63 =	vadd.s32 v46, v52;
	_ =	sdelay $0x3  }
0x2ff: {  	[tilespmem:$0x9A0] =	vst v53  }
0x300: {  	v53 =	vld.idx.msk [tilespmem:v63+s10+$0x0], $0xffff  }
0x301: {  	v52 =	vadd.s32 v48, v52;
	_ =	sdelay $0x3  }
0x302: {  	[tilespmem:$0xEA0] =	vst v53  }
0x303: {  	v52 =	vld.idx.msk [tilespmem:v52+s10+$0x0], $0xffff  }
0x304: {  	v56 =	vadd.s32 $0xB0, v47;
	_ =	sdelay $0x3  }
0x305: {  	[tilespmem:$0x13A0] =	vst v52  }
0x306: {  	v52 =	vld.idx.msk [tilespmem:v56+s13+$0x0], $0xffff;
	_ =	sdelay $0x4  }
0x307: {  	v53 =	vadd.s32 v49, v52;
	_ =	sdelay $0x4  }
0x308: {  	v53 =	vld.idx.msk [tilespmem:v53+s10+$0x0], $0xffff  }
0x309: {  	v57 =	vadd.s32 v50, v52;
	_ =	sdelay $0x3  }
0x30a: {  	[tilespmem:$0x9B0] =	vst v53  }
0x30b: {  	v53 =	vld.idx.msk [tilespmem:v57+s10+$0x0], $0xffff  }
0x30c: {  	v52 =	vadd.s32 v51, v52;
	_ =	sdelay $0x3  }
0x30d: {  	[tilespmem:$0xEB0] =	vst v53  }
0x30e: {  	v52 =	vld.idx.msk [tilespmem:v52+s10+$0x0], $0xffff  }
0x30f: {  	v58 =	vadd.s32 $0xC0, v32;
	_ =	sdelay $0x3  }
0x310: {  	[tilespmem:$0x13B0] =	vst v52  }
0x311: {  	v52 =	vld.idx.msk [tilespmem:v58+s13+$0x0], $0xffff;
	_ =	sdelay $0x4  }
0x312: {  	v53 =	vadd.s32 v33, v52;
	_ =	sdelay $0x4  }
0x313: {  	v53 =	vld.idx.msk [tilespmem:v53+s10+$0x0], $0xffff  }
0x314: {  	v59 =	vadd.s32 v34, v52;
	_ =	sdelay $0x3  }
0x315: {  	[tilespmem:$0x9C0] =	vst v53  }
0x316: {  	v53 =	vld.idx.msk [tilespmem:v59+s10+$0x0], $0xffff  }
0x317: {  	v52 =	vadd.s32 v36, v52;
	_ =	sdelay $0x3  }
0x318: {  	[tilespmem:$0xEC0] =	vst v53  }
0x319: {  	v52 =	vld.idx.msk [tilespmem:v52+s10+$0x0], $0xffff  }
0x31a: {  	v60 =	vadd.s32 $0xC0, v35;
	_ =	sdelay $0x3  }
0x31b: {  	[tilespmem:$0x13C0] =	vst v52  }
0x31c: {  	v52 =	vld.idx.msk [tilespmem:v60+s13+$0x0], $0xffff;
	_ =	sdelay $0x4  }
0x31d: {  	v53 =	vadd.s32 v37, v52;
	_ =	sdelay $0x4  }
0x31e: {  	v53 =	vld.idx.msk [tilespmem:v53+s10+$0x0], $0xffff  }
0x31f: {  	v61 =	vadd.s32 v38, v52;
	_ =	sdelay $0x3  }
0x320: {  	[tilespmem:$0x9D0] =	vst v53  }
0x321: {  	v53 =	vld.idx.msk [tilespmem:v61+s10+$0x0], $0xffff  }
0x322: {  	v52 =	vadd.s32 v40, v52;
	_ =	sdelay $0x3  }
0x323: {  	[tilespmem:$0xED0] =	vst v53  }
0x324: {  	v52 =	vld.idx.msk [tilespmem:v52+s10+$0x0], $0xffff  }
0x325: {  	v62 =	vadd.s32 $0xC0, v39;
	_ =	sdelay $0x3  }
0x326: {  	[tilespmem:$0x13D0] =	vst v52  }
0x327: {  	v52 =	vld.idx.msk [tilespmem:v62+s13+$0x0], $0xffff;
	_ =	sdelay $0x4  }
0x328: {  	v53 =	vadd.s32 v41, v52;
	_ =	sdelay $0x4  }
0x329: {  	v53 =	vld.idx.msk [tilespmem:v53+s10+$0x0], $0xffff  }
0x32a: {  	v63 =	vadd.s32 v42, v52;
	_ =	sdelay $0x3  }
0x32b: {  	[tilespmem:$0x9E0] =	vst v53  }
0x32c: {  	v53 =	vld.idx.msk [tilespmem:v63+s10+$0x0], $0xffff  }
0x32d: {  	v52 =	vadd.s32 v44, v52;
	_ =	sdelay $0x3  }
0x32e: {  	[tilespmem:$0xEE0] =	vst v53  }
0x32f: {  	v52 =	vld.idx.msk [tilespmem:v52+s10+$0x0], $0xffff  }
0x330: {  	v56 =	vadd.s32 $0xC0, v43;
	_ =	sdelay $0x3  }
0x331: {  	[tilespmem:$0x13E0] =	vst v52  }
0x332: {  	v52 =	vld.idx.msk [tilespmem:v56+s13+$0x0], $0xffff;
	_ =	sdelay $0x4  }
0x333: {  	v53 =	vadd.s32 v45, v52;
	_ =	sdelay $0x4  }
0x334: {  	v53 =	vld.idx.msk [tilespmem:v53+s10+$0x0], $0xffff  }
0x335: {  	v57 =	vadd.s32 v46, v52;
	_ =	sdelay $0x3  }
0x336: {  	[tilespmem:$0x9F0] =	vst v53  }
0x337: {  	v53 =	vld.idx.msk [tilespmem:v57+s10+$0x0], $0xffff  }
0x338: {  	v52 =	vadd.s32 v48, v52;
	_ =	sdelay $0x3  }
0x339: {  	[tilespmem:$0xEF0] =	vst v53  }
0x33a: {  	v52 =	vld.idx.msk [tilespmem:v52+s10+$0x0], $0xffff  }
0x33b: {  	v58 =	vadd.s32 $0xC0, v47;
	_ =	sdelay $0x3  }
0x33c: {  	[tilespmem:$0x13F0] =	vst v52  }
0x33d: {  	v52 =	vld.idx.msk [tilespmem:v58+s13+$0x0], $0xffff;
	_ =	sdelay $0x4  }
0x33e: {  	v53 =	vadd.s32 v49, v52;
	_ =	sdelay $0x4  }
0x33f: {  	v53 =	vld.idx.msk [tilespmem:v53+s10+$0x0], $0xffff  }
0x340: {  	v59 =	vadd.s32 v50, v52;
	_ =	sdelay $0x3  }
0x341: {  	[tilespmem:$0xA00] =	vst v53  }
0x342: {  	v53 =	vld.idx.msk [tilespmem:v59+s10+$0x0], $0xffff  }
0x343: {  	v52 =	vadd.s32 v51, v52;
	_ =	sdelay $0x3  }
0x344: {  	[tilespmem:$0xF00] =	vst v53  }
0x345: {  	v52 =	vld.idx.msk [tilespmem:v52+s10+$0x0], $0xffff  }
0x346: {  	v60 =	vadd.s32 $0xD0, v32;
	_ =	sdelay $0x3  }
0x347: {  	[tilespmem:$0x1400] =	vst v52  }
0x348: {  	v52 =	vld.idx.msk [tilespmem:v60+s13+$0x0], $0xffff;
	_ =	sdelay $0x4  }
0x349: {  	v53 =	vadd.s32 v33, v52;
	_ =	sdelay $0x4  }
0x34a: {  	v53 =	vld.idx.msk [tilespmem:v53+s10+$0x0], $0xffff  }
0x34b: {  	v61 =	vadd.s32 v34, v52;
	_ =	sdelay $0x3  }
0x34c: {  	[tilespmem:$0xA10] =	vst v53  }
0x34d: {  	v53 =	vld.idx.msk [tilespmem:v61+s10+$0x0], $0xffff  }
0x34e: {  	v52 =	vadd.s32 v36, v52;
	_ =	sdelay $0x3  }
0x34f: {  	[tilespmem:$0xF10] =	vst v53  }
0x350: {  	v52 =	vld.idx.msk [tilespmem:v52+s10+$0x0], $0xffff  }
0x351: {  	v62 =	vadd.s32 $0xD0, v35;
	_ =	sdelay $0x3  }
0x352: {  	[tilespmem:$0x1410] =	vst v52  }
0x353: {  	v52 =	vld.idx.msk [tilespmem:v62+s13+$0x0], $0xffff;
	_ =	sdelay $0x4  }
0x354: {  	v53 =	vadd.s32 v37, v52;
	_ =	sdelay $0x4  }
0x355: {  	v53 =	vld.idx.msk [tilespmem:v53+s10+$0x0], $0xffff  }
0x356: {  	v63 =	vadd.s32 v38, v52;
	_ =	sdelay $0x3  }
0x357: {  	[tilespmem:$0xA20] =	vst v53  }
0x358: {  	v53 =	vld.idx.msk [tilespmem:v63+s10+$0x0], $0xffff  }
0x359: {  	v52 =	vadd.s32 v40, v52;
	_ =	sdelay $0x3  }
0x35a: {  	[tilespmem:$0xF20] =	vst v53  }
0x35b: {  	v52 =	vld.idx.msk [tilespmem:v52+s10+$0x0], $0xffff  }
0x35c: {  	v56 =	vadd.s32 $0xD0, v39;
	_ =	sdelay $0x3  }
0x35d: {  	[tilespmem:$0x1420] =	vst v52  }
0x35e: {  	v52 =	vld.idx.msk [tilespmem:v56+s13+$0x0], $0xffff;
	_ =	sdelay $0x4  }
0x35f: {  	v53 =	vadd.s32 v41, v52;
	_ =	sdelay $0x4  }
0x360: {  	v53 =	vld.idx.msk [tilespmem:v53+s10+$0x0], $0xffff  }
0x361: {  	v57 =	vadd.s32 v42, v52;
	_ =	sdelay $0x3  }
0x362: {  	[tilespmem:$0xA30] =	vst v53  }
0x363: {  	v53 =	vld.idx.msk [tilespmem:v57+s10+$0x0], $0xffff  }
0x364: {  	v52 =	vadd.s32 v44, v52;
	_ =	sdelay $0x3  }
0x365: {  	[tilespmem:$0xF30] =	vst v53  }
0x366: {  	v52 =	vld.idx.msk [tilespmem:v52+s10+$0x0], $0xffff  }
0x367: {  	v58 =	vadd.s32 $0xD0, v43;
	_ =	sdelay $0x3  }
0x368: {  	[tilespmem:$0x1430] =	vst v52  }
0x369: {  	v52 =	vld.idx.msk [tilespmem:v58+s13+$0x0], $0xffff;
	_ =	sdelay $0x4  }
0x36a: {  	v53 =	vadd.s32 v45, v52;
	_ =	sdelay $0x4  }
0x36b: {  	v53 =	vld.idx.msk [tilespmem:v53+s10+$0x0], $0xffff  }
0x36c: {  	v59 =	vadd.s32 v46, v52;
	_ =	sdelay $0x3  }
0x36d: {  	[tilespmem:$0xA40] =	vst v53  }
0x36e: {  	v53 =	vld.idx.msk [tilespmem:v59+s10+$0x0], $0xffff  }
0x36f: {  	v52 =	vadd.s32 v48, v52;
	_ =	sdelay $0x3  }
0x370: {  	[tilespmem:$0xF40] =	vst v53  }
0x371: {  	v52 =	vld.idx.msk [tilespmem:v52+s10+$0x0], $0xffff  }
0x372: {  	v60 =	vadd.s32 $0xD0, v47;
	_ =	sdelay $0x3  }
0x373: {  	[tilespmem:$0x1440] =	vst v52  }
0x374: {  	v52 =	vld.idx.msk [tilespmem:v60+s13+$0x0], $0xffff;
	_ =	sdelay $0x4  }
0x375: {  	v53 =	vadd.s32 v49, v52;
	_ =	sdelay $0x4  }
0x376: {  	v53 =	vld.idx.msk [tilespmem:v53+s10+$0x0], $0xffff  }
0x377: {  	v61 =	vadd.s32 v50, v52;
	_ =	sdelay $0x3  }
0x378: {  	[tilespmem:$0xA50] =	vst v53  }
0x379: {  	v53 =	vld.idx.msk [tilespmem:v61+s10+$0x0], $0xffff  }
0x37a: {  	v52 =	vadd.s32 v51, v52;
	_ =	sdelay $0x3  }
0x37b: {  	[tilespmem:$0xF50] =	vst v53  }
0x37c: {  	v52 =	vld.idx.msk [tilespmem:v52+s10+$0x0], $0xffff  }
0x37d: {  	v62 =	vadd.s32 $0xE0, v32;
	_ =	sdelay $0x3  }
0x37e: {  	[tilespmem:$0x1450] =	vst v52  }
0x37f: {  	v52 =	vld.idx.msk [tilespmem:v62+s13+$0x0], $0xffff;
	_ =	sdelay $0x4  }
0x380: {  	v53 =	vadd.s32 v33, v52;
	_ =	sdelay $0x4  }
0x381: {  	v53 =	vld.idx.msk [tilespmem:v53+s10+$0x0], $0xffff  }
0x382: {  	v63 =	vadd.s32 v34, v52;
	_ =	sdelay $0x3  }
0x383: {  	[tilespmem:$0xA60] =	vst v53  }
0x384: {  	v53 =	vld.idx.msk [tilespmem:v63+s10+$0x0], $0xffff  }
0x385: {  	v52 =	vadd.s32 v36, v52;
	_ =	sdelay $0x3  }
0x386: {  	[tilespmem:$0xF60] =	vst v53  }
0x387: {  	v52 =	vld.idx.msk [tilespmem:v52+s10+$0x0], $0xffff  }
0x388: {  	v56 =	vadd.s32 $0xE0, v35;
	_ =	sdelay $0x3  }
0x389: {  	[tilespmem:$0x1460] =	vst v52  }
0x38a: {  	v52 =	vld.idx.msk [tilespmem:v56+s13+$0x0], $0xffff;
	_ =	sdelay $0x4  }
0x38b: {  	v53 =	vadd.s32 v37, v52;
	_ =	sdelay $0x4  }
0x38c: {  	v53 =	vld.idx.msk [tilespmem:v53+s10+$0x0], $0xffff  }
0x38d: {  	v57 =	vadd.s32 v38, v52;
	_ =	sdelay $0x3  }
0x38e: {  	[tilespmem:$0xA70] =	vst v53  }
0x38f: {  	v53 =	vld.idx.msk [tilespmem:v57+s10+$0x0], $0xffff  }
0x390: {  	v52 =	vadd.s32 v40, v52;
	_ =	sdelay $0x3  }
0x391: {  	[tilespmem:$0xF70] =	vst v53  }
0x392: {  	v52 =	vld.idx.msk [tilespmem:v52+s10+$0x0], $0xffff  }
0x393: {  	v58 =	vadd.s32 $0xE0, v39;
	_ =	sdelay $0x3  }
0x394: {  	[tilespmem:$0x1470] =	vst v52  }
0x395: {  	v52 =	vld.idx.msk [tilespmem:v58+s13+$0x0], $0xffff;
	_ =	sdelay $0x4  }
0x396: {  	v53 =	vadd.s32 v41, v52;
	_ =	sdelay $0x4  }
0x397: {  	v53 =	vld.idx.msk [tilespmem:v53+s10+$0x0], $0xffff  }
0x398: {  	v59 =	vadd.s32 v42, v52;
	_ =	sdelay $0x3  }
0x399: {  	[tilespmem:$0xA80] =	vst v53  }
0x39a: {  	v53 =	vld.idx.msk [tilespmem:v59+s10+$0x0], $0xffff  }
0x39b: {  	v52 =	vadd.s32 v44, v52;
	_ =	sdelay $0x3  }
0x39c: {  	[tilespmem:$0xF80] =	vst v53  }
0x39d: {  	v52 =	vld.idx.msk [tilespmem:v52+s10+$0x0], $0xffff  }
0x39e: {  	v60 =	vadd.s32 $0xE0, v43;
	_ =	sdelay $0x3  }
0x39f: {  	[tilespmem:$0x1480] =	vst v52  }
0x3a0: {  	v52 =	vld.idx.msk [tilespmem:v60+s13+$0x0], $0xffff;
	_ =	sdelay $0x4  }
0x3a1: {  	v53 =	vadd.s32 v45, v52;
	_ =	sdelay $0x4  }
0x3a2: {  	v53 =	vld.idx.msk [tilespmem:v53+s10+$0x0], $0xffff  }
0x3a3: {  	v61 =	vadd.s32 v46, v52;
	_ =	sdelay $0x3  }
0x3a4: {  	[tilespmem:$0xA90] =	vst v53  }
0x3a5: {  	v53 =	vld.idx.msk [tilespmem:v61+s10+$0x0], $0xffff  }
0x3a6: {  	v52 =	vadd.s32 v48, v52;
	_ =	sdelay $0x3  }
0x3a7: {  	[tilespmem:$0xF90] =	vst v53  }
0x3a8: {  	v52 =	vld.idx.msk [tilespmem:v52+s10+$0x0], $0xffff  }
0x3a9: {  	v62 =	vadd.s32 $0xE0, v47;
	_ =	sdelay $0x3  }
0x3aa: {  	[tilespmem:$0x1490] =	vst v52  }
0x3ab: {  	v52 =	vld.idx.msk [tilespmem:v62+s13+$0x0], $0xffff;
	_ =	sdelay $0x4  }
0x3ac: {  	v53 =	vadd.s32 v49, v52;
	_ =	sdelay $0x4  }
0x3ad: {  	v53 =	vld.idx.msk [tilespmem:v53+s10+$0x0], $0xffff  }
0x3ae: {  	v63 =	vadd.s32 v50, v52;
	_ =	sdelay $0x3  }
0x3af: {  	[tilespmem:$0xAA0] =	vst v53  }
0x3b0: {  	v53 =	vld.idx.msk [tilespmem:v63+s10+$0x0], $0xffff  }
0x3b1: {  	v52 =	vadd.s32 v51, v52;
	_ =	sdelay $0x3  }
0x3b2: {  	[tilespmem:$0xFA0] =	vst v53  }
0x3b3: {  	v52 =	vld.idx.msk [tilespmem:v52+s10+$0x0], $0xffff  }
0x3b4: {  	v32 =	vadd.s32 $0xF0, v32;
	_ =	sdelay $0x3  }
0x3b5: {  	[tilespmem:$0x14A0] =	vst v52  }
0x3b6: {  	v32 =	vld.idx.msk [tilespmem:v32+s13+$0x0], $0xffff;
	_ =	sdelay $0x4  }
0x3b7: {  	v33 =	vadd.s32 v33, v32;
	_ =	sdelay $0x4  }
0x3b8: {  	v33 =	vld.idx.msk [tilespmem:v33+s10+$0x0], $0xffff  }
0x3b9: {  	v34 =	vadd.s32 v34, v32;
	_ =	sdelay $0x3  }
0x3ba: {  	[tilespmem:$0xAB0] =	vst v33  }
0x3bb: {  	v33 =	vld.idx.msk [tilespmem:v34+s10+$0x0], $0xffff  }
0x3bc: {  	v32 =	vadd.s32 v36, v32;
	_ =	sdelay $0x3  }
0x3bd: {  	[tilespmem:$0xFB0] =	vst v33  }
0x3be: {  	v32 =	vld.idx.msk [tilespmem:v32+s10+$0x0], $0xffff  }
0x3bf: {  	v56 =	vadd.s32 $0xF0, v35;
	_ =	sdelay $0x3  }
0x3c0: {  	[tilespmem:$0x14B0] =	vst v32  }
0x3c1: {  	v32 =	vld.idx.msk [tilespmem:v56+s13+$0x0], $0xffff;
	_ =	sdelay $0x4  }
0x3c2: {  	v33 =	vadd.s32 v37, v32;
	_ =	sdelay $0x4  }
0x3c3: {  	v33 =	vld.idx.msk [tilespmem:v33+s10+$0x0], $0xffff  }
0x3c4: {  	v57 =	vadd.s32 v38, v32;
	_ =	sdelay $0x3  }
0x3c5: {  	[tilespmem:$0xAC0] =	vst v33  }
0x3c6: {  	v33 =	vld.idx.msk [tilespmem:v57+s10+$0x0], $0xffff  }
0x3c7: {  	v32 =	vadd.s32 v40, v32;
	_ =	sdelay $0x3  }
0x3c8: {  	[tilespmem:$0xFC0] =	vst v33  }
0x3c9: {  	v32 =	vld.idx.msk [tilespmem:v32+s10+$0x0], $0xffff  }
0x3ca: {  	v58 =	vadd.s32 $0xF0, v39;
	_ =	sdelay $0x3  }
0x3cb: {  	[tilespmem:$0x14C0] =	vst v32  }
0x3cc: {  	v32 =	vld.idx.msk [tilespmem:v58+s13+$0x0], $0xffff;
	_ =	sdelay $0x4  }
0x3cd: {  	v33 =	vadd.s32 v41, v32;
	_ =	sdelay $0x4  }
0x3ce: {  	v33 =	vld.idx.msk [tilespmem:v33+s10+$0x0], $0xffff  }
0x3cf: {  	v59 =	vadd.s32 v42, v32;
	_ =	sdelay $0x3  }
0x3d0: {  	[tilespmem:$0xAD0] =	vst v33  }
0x3d1: {  	v33 =	vld.idx.msk [tilespmem:v59+s10+$0x0], $0xffff  }
0x3d2: {  	v32 =	vadd.s32 v44, v32;
	_ =	sdelay $0x3  }
0x3d3: {  	[tilespmem:$0xFD0] =	vst v33  }
0x3d4: {  	v32 =	vld.idx.msk [tilespmem:v32+s10+$0x0], $0xffff  }
0x3d5: {  	v60 =	vadd.s32 $0xF0, v43;
	_ =	sdelay $0x3  }
0x3d6: {  	[tilespmem:$0x14D0] =	vst v32  }
0x3d7: {  	v32 =	vld.idx.msk [tilespmem:v60+s13+$0x0], $0xffff;
	_ =	sdelay $0x4  }
0x3d8: {  	v33 =	vadd.s32 v45, v32;
	_ =	sdelay $0x4  }
0x3d9: {  	v33 =	vld.idx.msk [tilespmem:v33+s10+$0x0], $0xffff  }
0x3da: {  	v61 =	vadd.s32 v46, v32;
	_ =	sdelay $0x3  }
0x3db: {  	[tilespmem:$0xAE0] =	vst v33  }
0x3dc: {  	v33 =	vld.idx.msk [tilespmem:v61+s10+$0x0], $0xffff  }
0x3dd: {  	v32 =	vadd.s32 v48, v32;
	_ =	sdelay $0x3  }
0x3de: {  	[tilespmem:$0xFE0] =	vst v33  }
0x3df: {  	v32 =	vld.idx.msk [tilespmem:v32+s10+$0x0], $0xffff  }
0x3e0: {  	v62 =	vadd.s32 $0xF0, v47;
	_ =	sdelay $0x3  }
0x3e1: {  	[tilespmem:$0x14E0] =	vst v32  }
0x3e2: {  	v32 =	vld.idx.msk [tilespmem:v62+s13+$0x0], $0xffff;
	_ =	sdelay $0x4  }
0x3e3: {  	v33 =	vadd.s32 v49, v32;
	_ =	sdelay $0x4  }
0x3e4: {  	v33 =	vld.idx.msk [tilespmem:v33+s10+$0x0], $0xffff  }
0x3e5: {  	v63 =	vadd.s32 v50, v32;
	_ =	sdelay $0x3  }
0x3e6: {  	[tilespmem:$0xAF0] =	vst v33  }
0x3e7: {  	v33 =	vld.idx.msk [tilespmem:v63+s10+$0x0], $0xffff  }
0x3e8: {  	v32 =	vadd.s32 v51, v32;
	_ =	sdelay $0x3  }
0x3e9: {  	[tilespmem:$0xFF0] =	vst v33  }
0x3ea: {  	v32 =	vld.idx.msk [tilespmem:v32+s10+$0x0], $0xffff;
	_ =	sdelay $0x4  }
0x3eb: {  	[tilespmem:$0x14F0] =	vst v32  }
0x3ec: {  	[hbm4b:s6+s3] =	stream.linear.scatter [tilespmem:s14], [sflag:$0x1], $0x500, $0x38;
	[tilespmem:$0x1500] =	vst v63  }
0x3ed: {  	_ = 	snop  }
0x3ee: {  	[hbm4b:s7+s3] =	stream.linear.scatter [tilespmem:s15], [sflag:$0x1], $0x500, $0x38;
	[tilespmem:$0x1500] =	vst v63  }
0x3ef: {  	_ = 	snop  }
0x3f0: {  	[hbm4b:s8+s3] =	stream.linear.scatter [tilespmem:s16], [sflag:$0x1], $0x500, $0x38;
	[tilespmem:$0x1500] =	vst v63  }
0x3f1: {  	_ =	swait.ge [sflag:s12], $0x500  }
0x3f2: {  	[sflag:s12] =	ssyncset.done $0x0  }
0x3f3: {  	[sflag:s12] =	ssyncadd.s32 $0xFFFFFB00  }
0x3f4: {  	p0 =	sne.s32 s9, $0x1;
	_ =	swait.ge [sflag:s12], $0x500  }
.Ltmp0:
0x3f5: {  	[sflag:s12] =	ssyncset.done $0x0;
	(pc) =	sbr.rel @p0 .LBB2_1-.Ltmp0, $4  }
0x3f6: {  	[sflag:s12] =	ssyncadd.s32 $0xFFFFFB00  }
0x3f7: {  	_ =	swait.ge [sflag:s12], $0x500  }
0x3f8: {  	[sflag:s12] =	ssyncset.done $0x0  }
0x3f9: {  	s9 =	sadd.s32 $0xFFFFFFFF, s9;
	[sflag:s12] =	ssyncadd.s32 $0xFFFFFB00  }
0x3fa: {  	_ =	sfence.sel $0x180000  }
0x3fb: {  	[bflag:$0x0] =	sbarrier.arrive $0xFFFF  }
0x3fc: {  	p0 =	sne.s32 s0, $0x0;
	_ =	strace $0x90000047  }
0x3fd: {  	s0 =	sadd.s32 @!p0 $0x100000, s2;
	[bflag:$0x2] =	sbarrier.arrive $0xFFFF  }
0x3fe: {  	[sflag:s0] =	ssyncadd.tile.s32 @!p0 $0x1;
	_ =	shalt  }
.Lfunc_end2:
_tile_overlayer_lowered:
.L_overlay_start_2:
0x3ff: {  	(tag) =	ssettag $0x2  }
0x400: {  	s0 =	rddreg [dreg:$0x0];
	s2 =	stileid.u32  }
0x401: {  	s1 =	rddreg [dreg:$0x1];
	p0 =	sne.s32 s2, $0x0  }
0x402: {  	s3 =	rddreg [dreg:$0x2];
	[bflag:$0x3] =	sbarrier.arrive $0xFFFF;
	s2 =	simm.s32 @!p0 $0x1C02  }
0x403: {  	[timem:s3], [sflag:s2] =	dma.local @!p0 [hbm:s0], s1  }
0x404: {  	s0 =	simm.s32 @!p0 $0x2  }
0x405: {  	_ =	swait.ge @!p0 [sflag:s0], s1  }
0x406: {  	s1 =	ssub.s32 @!p0 $0x0, s1;
	[sflag:s0] =	ssyncset.done @!p0 $0x0  }
0x407: {  	[sflag:s0] =	ssyncadd.s32 @!p0 s1  }
0x408: {  	[bflag:$0x3] =	sbarrier.arrive $0xFFFF  }
0x409: {  	_ =	shalt  }

</sc_bundles>
